<compile_context>
chip_gen: v7x
topology: tpu7x:2x2x1
jax: 0.10.2.dev20260603
libtpu: 0.0.44.dev20260713+nightly
codegen_flags: <defaults>
</compile_context>

<pallas_src>
import jax
import jax.numpy as jnp
from jax import lax
from jax.experimental import pallas as pl
from jax.experimental.pallas import tpu as pltpu
from jax.experimental.pallas import tpu_sc as plsc

DIM = 1024
T_ROWS = 8192
NSEG = 8
OUT_ROWS = T_ROWS + NSEG
NW = 32
PERW = T_ROWS // NW
S = 16
NCH = PERW // S
NG = S // 16
NSLOT = 6
PRE = NSLOT - 1


def _take(v, idx):
    dnums = lax.GatherDimensionNumbers(
        offset_dims=(), collapsed_slice_dims=(0,), start_index_map=(0,))
    return lax.gather(v, idx[:, None], dnums, slice_sizes=(1,),
                      mode=lax.GatherScatterMode.PROMISE_IN_BOUNDS)


def _body(flat, w, cu, out, idxs, bufs, wv, cuv, scr, gsems, ssems, ws):
    cid = lax.axis_index("c")
    sid = lax.axis_index("s")
    wid = sid * 2 + cid
    base = wid * PERW

    lane = lax.iota(jnp.int32, 16)

    def compute_oidx(ch):
        cbase = base + ch * S
        ref = idxs[ch % NSLOT]
        for g in range(NG):
            pos = cbase + 16 * g + lane
            seg = jnp.zeros((16,), jnp.int32)
            for v in cs:
                seg = seg + jnp.where(pos >= v, 1, 0)
            ref[pl.ds(16 * g, 16)] = pos + seg + 1

    def gather_start(ch):
        st = pl.multiple_of(base + ch * S, 8)
        pltpu.make_async_copy(flat.at[pl.ds(st, S)], bufs[ch % NSLOT],
                              gsems[ch % NSLOT]).start()

    def gather_wait(ch):
        st = pl.multiple_of(base + ch * S, 8)
        pltpu.make_async_copy(flat.at[pl.ds(st, S)], bufs[ch % NSLOT],
                              gsems[ch % NSLOT]).wait()

    def scatter_start(ch):
        pltpu.make_async_copy(bufs[ch % NSLOT], out.at[idxs[ch % NSLOT]],
                              ssems[ch % NSLOT]).start()

    def scatter_wait(ch):
        pltpu.make_async_copy(bufs[ch % NSLOT], out.at[idxs[ch % NSLOT]],
                              ssems[ch % NSLOT]).wait()

    for ch in range(min(PRE, NCH)):
        gather_start(ch)

    pltpu.sync_copy(cu.at[pl.ds(0, NSEG)], cuv.at[pl.ds(0, NSEG)])
    cuvec = cuv[...]
    cs = [_take(cuvec, jnp.full((16,), j, jnp.int32)) for j in range(1, NSEG)]

    for ch in range(min(PRE, NCH)):
        compute_oidx(ch)
    for i in range(NCH):
        gather_wait(i)
        scatter_start(i)
        nxt = i + PRE
        if nxt < NCH:
            if nxt - NSLOT >= 0:
                scatter_wait(nxt - NSLOT)
            compute_oidx(nxt)
            gather_start(nxt)
    for ch in range(max(0, NCH - NSLOT), NCH):
        scatter_wait(ch)

    @pl.when(wid < NSEG)
    def _():
        pltpu.make_async_copy(w, wv, ws).start()
        scr[pl.ds(0, 16)] = _take(cuvec, jnp.full((16,), wid, jnp.int32)) + wid
        f = scr[pl.ds(0, 16)][0]
        pltpu.make_async_copy(w, wv, ws).wait()
        pltpu.sync_copy(wv, out.at[pl.ds(f, 1)])


def _body_flat(flat, w, cu, out, *scratch):
    idxs = list(scratch[0:NSLOT])
    bufs = list(scratch[NSLOT:2 * NSLOT])
    wv, cuv, scr = scratch[2 * NSLOT:2 * NSLOT + 3]
    gsems = list(scratch[2 * NSLOT + 3:3 * NSLOT + 3])
    ssems = list(scratch[3 * NSLOT + 3:4 * NSLOT + 3])
    ws = scratch[4 * NSLOT + 3]
    _body(flat, w, cu, out, idxs, bufs, wv, cuv, scr, gsems, ssems, ws)


def kernel(flat, weight, cu_seqlens):
    mesh = plsc.VectorSubcoreMesh(core_axis_name="c", subcore_axis_name="s")
    scratch = (
        [pltpu.VMEM((S,), jnp.int32)] * NSLOT
        + [pltpu.VMEM((S, DIM), jnp.float32)] * NSLOT
        + [pltpu.VMEM((1, DIM), jnp.float32),
           pltpu.VMEM((16,), jnp.int32),
           pltpu.VMEM((16,), jnp.int32)]
        + [pltpu.SemaphoreType.DMA] * (2 * NSLOT + 1)
    )
    f = pl.kernel(
        _body_flat,
        out_type=jax.ShapeDtypeStruct((OUT_ROWS, DIM), jnp.float32),
        mesh=mesh,
        scratch_types=scratch,
    )
    return f(flat, weight, cu_seqlens)

# --- scband reference (transcript-rebuilt; emitter-appended) ---
"""Pipeline reference for scband-class-token-nested-50251117363827 (READ-ONLY COPY).

The authoritative reference and input builder live on the scoring server;
editing this copy changes nothing except your own understanding.
"""

import jax, jax.numpy as jnp
import numpy as np

DIM = 1024

def setup_inputs(seed: int = 0) -> dict:
    key = jax.random.key(seed)
    k1, k2 = jax.random.split(key)
    lengths = np.array([512, 1536, 800, 1248, 1024, 1024, 2000, 48], dtype=np.int32)
    assert int(lengths.sum()) == 8192
    cu_seqlens = jnp.asarray(np.concatenate([[0], np.cumsum(lengths)]).astype(np.int32))
    flat = jax.random.normal(k1, (8192, DIM), dtype=jnp.float32)
    # learned class-token parameter, kaiming-uniform-ish init on [1, dim_token]
    bound = 1.0 / np.sqrt(DIM)
    weight = jax.random.uniform(k2, (1, DIM), dtype=jnp.float32, minval=-bound, maxval=bound)
    return {"flat": flat, "weight": weight, "cu_seqlens": cu_seqlens}

def reference(flat, weight, cu_seqlens):
    # Prepend the class token to every ragged segment.
    # Input:  flat [T, d] packed tokens, cu_seqlens [B+1]
    # Output: flat_out [T + B, d] packed tokens with a class token at the
    #         start of each segment (equivalent to the nested-tensor concat).
    B = cu_seqlens.shape[0] - 1
    T = flat.shape[0]
    d = flat.shape[1]
    new_cu = cu_seqlens.astype(jnp.int32) + jnp.arange(B + 1, dtype=jnp.int32)
    pos = jnp.arange(T + B, dtype=jnp.int32)
    # segment id of each output position
    seg = jnp.searchsorted(new_cu, pos, side='right') - 1
    seg = jnp.clip(seg, 0, B - 1)
    is_cls = pos == new_cu[seg]
    src = jnp.clip(pos - seg - 1, 0, T - 1)
    gathered = jnp.take(flat, src, axis=0)
    w = jnp.broadcast_to(weight, (T + B, d))
    out = jnp.where(is_cls[:, None], w, gathered)
    return out

if __name__ == "__main__":
    import jax
    _d = setup_inputs()
    print(jax.jit(kernel)(*tuple(_d.values())))

</pallas_src>

<mosaic_0001>
#map = affine_map<(d0, d1) -> (0, 0)>
#map1 = affine_map<(d0, d1) -> (0)>
module attributes {stable_mosaic.version = 14 : i64} {
  func.func @_body_flat(%arg0: i32, %arg1: i32, %arg2: memref<8192x1024xf32, #tpu.memory_space<hbm>>, %arg3: memref<1x1024xf32, #tpu.memory_space<hbm>>, %arg4: memref<9xi32, #tpu.memory_space<hbm>>, %arg5: memref<8200x1024xf32, #tpu.memory_space<hbm>>, %arg6: memref<16xi32, #tpu.memory_space<vmem>>, %arg7: memref<16xi32, #tpu.memory_space<vmem>>, %arg8: memref<16xi32, #tpu.memory_space<vmem>>, %arg9: memref<16xi32, #tpu.memory_space<vmem>>, %arg10: memref<16xi32, #tpu.memory_space<vmem>>, %arg11: memref<16xi32, #tpu.memory_space<vmem>>, %arg12: memref<16x1024xf32, #tpu.memory_space<vmem>>, %arg13: memref<16x1024xf32, #tpu.memory_space<vmem>>, %arg14: memref<16x1024xf32, #tpu.memory_space<vmem>>, %arg15: memref<16x1024xf32, #tpu.memory_space<vmem>>, %arg16: memref<16x1024xf32, #tpu.memory_space<vmem>>, %arg17: memref<16x1024xf32, #tpu.memory_space<vmem>>, %arg18: memref<1x1024xf32, #tpu.memory_space<vmem>>, %arg19: memref<16xi32, #tpu.memory_space<vmem>>, %arg20: memref<16xi32, #tpu.memory_space<vmem>>, %arg21: memref<!tpu.dma_semaphore, #tpu.memory_space<semaphore_mem>>, %arg22: memref<!tpu.dma_semaphore, #tpu.memory_space<semaphore_mem>>, %arg23: memref<!tpu.dma_semaphore, #tpu.memory_space<semaphore_mem>>, %arg24: memref<!tpu.dma_semaphore, #tpu.memory_space<semaphore_mem>>, %arg25: memref<!tpu.dma_semaphore, #tpu.memory_space<semaphore_mem>>, %arg26: memref<!tpu.dma_semaphore, #tpu.memory_space<semaphore_mem>>, %arg27: memref<!tpu.dma_semaphore, #tpu.memory_space<semaphore_mem>>, %arg28: memref<!tpu.dma_semaphore, #tpu.memory_space<semaphore_mem>>, %arg29: memref<!tpu.dma_semaphore, #tpu.memory_space<semaphore_mem>>, %arg30: memref<!tpu.dma_semaphore, #tpu.memory_space<semaphore_mem>>, %arg31: memref<!tpu.dma_semaphore, #tpu.memory_space<semaphore_mem>>, %arg32: memref<!tpu.dma_semaphore, #tpu.memory_space<semaphore_mem>>, %arg33: memref<!tpu.dma_semaphore, #tpu.memory_space<semaphore_mem>>) attributes {dimension_semantics = [#tpu.dimension_semantics<core_parallel>, #tpu.dimension_semantics<subcore_parallel>], iteration_bounds = array<i64: 2, 16>, scalar_prefetch = 0 : i64, scratch_operands = 28 : i64, tpu.core_type = #tpu.core_type<sc_vector_subcore>, window_params = [{transform_indices = #map}, {transform_indices = #map}, {transform_indices = #map1}, {transform_indices = #map}]} {
    %mul3A = arith.constant 2 : i32
    %mul3A_0 = arith.muli %arg1, %mul3A : i32
    %add3A = arith.addi %mul3A_0, %arg0 : i32
    %mul3A_1 = arith.constant 256 : i32
    %mul3A_2 = arith.muli %add3A, %mul3A_1 : i32
    %iota3A = tpu.iota {dimensions = array<i32: 0>} : vector<16xi32>
    %add3A_3 = arith.constant 0 : i32
    %add3A_4 = arith.addi %mul3A_2, %add3A_3 : i32
    %multiple_of3A = tpu.assume_multiple %add3A_4, 8 : i32
    %dma_start3A = arith.constant 0 : i32
    %dma_start3A_5 = tpu.memref_slice %arg2[%multiple_of3A, %dma_start3A] : memref<8192x1024xf32, #tpu.memory_space<hbm>> -> memref<16x1024xf32, #tpu.memory_space<hbm>>
    %dma_start3A_6 = arith.constant 0 : i32
    %dma_start3A_7 = tpu.memref_slice %arg2[%multiple_of3A, %dma_start3A_6] : memref<8192x1024xf32, #tpu.memory_space<hbm>> -> memref<16x1024xf32, #tpu.memory_space<hbm>>
    tpu.enqueue_dma source(%dma_start3A_7 : memref<16x1024xf32, #tpu.memory_space<hbm>>) target(%arg12 : memref<16x1024xf32, #tpu.memory_space<vmem>>) target_semaphore(%arg21 : memref<!tpu.dma_semaphore, #tpu.memory_space<semaphore_mem>>)
    %add3A_8 = arith.constant 16 : i32
    %add3A_9 = arith.addi %mul3A_2, %add3A_8 : i32
    %multiple_of3A_10 = tpu.assume_multiple %add3A_9, 8 : i32
    %dma_start3A_11 = arith.constant 0 : i32
    %dma_start3A_12 = tpu.memref_slice %arg2[%multiple_of3A_10, %dma_start3A_11] : memref<8192x1024xf32, #tpu.memory_space<hbm>> -> memref<16x1024xf32, #tpu.memory_space<hbm>>
    %dma_start3A_13 = arith.constant 0 : i32
    %dma_start3A_14 = tpu.memref_slice %arg2[%multiple_of3A_10, %dma_start3A_13] : memref<8192x1024xf32, #tpu.memory_space<hbm>> -> memref<16x1024xf32, #tpu.memory_space<hbm>>
    tpu.enqueue_dma source(%dma_start3A_14 : memref<16x1024xf32, #tpu.memory_space<hbm>>) target(%arg13 : memref<16x1024xf32, #tpu.memory_space<vmem>>) target_semaphore(%arg22 : memref<!tpu.dma_semaphore, #tpu.memory_space<semaphore_mem>>)
    %add3A_15 = arith.constant 32 : i32
    %add3A_16 = arith.addi %mul3A_2, %add3A_15 : i32
    %multiple_of3A_17 = tpu.assume_multiple %add3A_16, 8 : i32
    %dma_start3A_18 = arith.constant 0 : i32
    %dma_start3A_19 = tpu.memref_slice %arg2[%multiple_of3A_17, %dma_start3A_18] : memref<8192x1024xf32, #tpu.memory_space<hbm>> -> memref<16x1024xf32, #tpu.memory_space<hbm>>
    %dma_start3A_20 = arith.constant 0 : i32
    %dma_start3A_21 = tpu.memref_slice %arg2[%multiple_of3A_17, %dma_start3A_20] : memref<8192x1024xf32, #tpu.memory_space<hbm>> -> memref<16x1024xf32, #tpu.memory_space<hbm>>
    tpu.enqueue_dma source(%dma_start3A_21 : memref<16x1024xf32, #tpu.memory_space<hbm>>) target(%arg14 : memref<16x1024xf32, #tpu.memory_space<vmem>>) target_semaphore(%arg23 : memref<!tpu.dma_semaphore, #tpu.memory_space<semaphore_mem>>)
    %add3A_22 = arith.constant 48 : i32
    %add3A_23 = arith.addi %mul3A_2, %add3A_22 : i32
    %multiple_of3A_24 = tpu.assume_multiple %add3A_23, 8 : i32
    %dma_start3A_25 = arith.constant 0 : i32
    %dma_start3A_26 = tpu.memref_slice %arg2[%multiple_of3A_24, %dma_start3A_25] : memref<8192x1024xf32, #tpu.memory_space<hbm>> -> memref<16x1024xf32, #tpu.memory_space<hbm>>
    %dma_start3A_27 = arith.constant 0 : i32
    %dma_start3A_28 = tpu.memref_slice %arg2[%multiple_of3A_24, %dma_start3A_27] : memref<8192x1024xf32, #tpu.memory_space<hbm>> -> memref<16x1024xf32, #tpu.memory_space<hbm>>
    tpu.enqueue_dma source(%dma_start3A_28 : memref<16x1024xf32, #tpu.memory_space<hbm>>) target(%arg15 : memref<16x1024xf32, #tpu.memory_space<vmem>>) target_semaphore(%arg24 : memref<!tpu.dma_semaphore, #tpu.memory_space<semaphore_mem>>)
    %add3A_29 = arith.constant 64 : i32
    %add3A_30 = arith.addi %mul3A_2, %add3A_29 : i32
    %multiple_of3A_31 = tpu.assume_multiple %add3A_30, 8 : i32
    %dma_start3A_32 = arith.constant 0 : i32
    %dma_start3A_33 = tpu.memref_slice %arg2[%multiple_of3A_31, %dma_start3A_32] : memref<8192x1024xf32, #tpu.memory_space<hbm>> -> memref<16x1024xf32, #tpu.memory_space<hbm>>
    %dma_start3A_34 = arith.constant 0 : i32
    %dma_start3A_35 = tpu.memref_slice %arg2[%multiple_of3A_31, %dma_start3A_34] : memref<8192x1024xf32, #tpu.memory_space<hbm>> -> memref<16x1024xf32, #tpu.memory_space<hbm>>
    tpu.enqueue_dma source(%dma_start3A_35 : memref<16x1024xf32, #tpu.memory_space<hbm>>) target(%arg16 : memref<16x1024xf32, #tpu.memory_space<vmem>>) target_semaphore(%arg25 : memref<!tpu.dma_semaphore, #tpu.memory_space<semaphore_mem>>)
    "tpu.region"() ({
      %run_scoped3A = tpu.sem_alloc : memref<!tpu.dma_semaphore, #tpu.memory_space<semaphore_mem>>
      %dma_start3A_1393 = arith.constant 0 : i32
      %dma_start3A_1394 = tpu.memref_slice %arg19[%dma_start3A_1393] : memref<16xi32, #tpu.memory_space<vmem>> -> memref<8xi32, #tpu.memory_space<vmem>>
      %dma_start3A_1395 = arith.constant 0 : i32
      %dma_start3A_1396 = tpu.memref_slice %arg4[%dma_start3A_1395] : memref<9xi32, #tpu.memory_space<hbm>> -> memref<8xi32, #tpu.memory_space<hbm>>
      %dma_start3A_1397 = arith.constant 0 : i32
      %dma_start3A_1398 = tpu.memref_slice %arg19[%dma_start3A_1397] : memref<16xi32, #tpu.memory_space<vmem>> -> memref<8xi32, #tpu.memory_space<vmem>>
      %dma_start3A_1399 = arith.constant 0 : i32
      %dma_start3A_1400 = tpu.memref_slice %arg4[%dma_start3A_1399] : memref<9xi32, #tpu.memory_space<hbm>> -> memref<8xi32, #tpu.memory_space<hbm>>
      tpu.enqueue_dma source(%dma_start3A_1400 : memref<8xi32, #tpu.memory_space<hbm>>) target(%dma_start3A_1398 : memref<8xi32, #tpu.memory_space<vmem>>) target_semaphore(%run_scoped3A : memref<!tpu.dma_semaphore, #tpu.memory_space<semaphore_mem>>)
      %dma_wait3A_1401 = arith.constant 0 : i32
      %dma_wait3A_1402 = tpu.memref_slice %arg19[%dma_wait3A_1401] : memref<16xi32, #tpu.memory_space<vmem>> -> memref<8xi32, #tpu.memory_space<vmem>>
      %dma_wait3A_1403 = arith.constant 0 : i32
      %dma_wait3A_1404 = tpu.memref_slice %arg4[%dma_wait3A_1403] : memref<9xi32, #tpu.memory_space<hbm>> -> memref<8xi32, #tpu.memory_space<hbm>>
      %dma_wait3A_1405 = arith.constant 0 : i32
      %dma_wait3A_1406 = tpu.memref_slice %arg19[%dma_wait3A_1405] : memref<16xi32, #tpu.memory_space<vmem>> -> memref<8xi32, #tpu.memory_space<vmem>>
      %dma_wait3A_1407 = arith.constant 0 : i32
      %dma_wait3A_1408 = tpu.memref_slice %arg4[%dma_wait3A_1407] : memref<9xi32, #tpu.memory_space<hbm>> -> memref<8xi32, #tpu.memory_space<hbm>>
      tpu.wait_dma2 semaphore(%run_scoped3A : memref<!tpu.dma_semaphore, #tpu.memory_space<semaphore_mem>>) src(%dma_wait3A_1408 : memref<8xi32, #tpu.memory_space<hbm>>) dst(%dma_wait3A_1406 : memref<8xi32, #tpu.memory_space<vmem>>)
      tpu.yield
    }) : () -> ()
    %get3A = arith.constant 0 : index
    %get3A_36 = tpu.vector_load %arg19[%get3A] {strides = array<i32>} : memref<16xi32, #tpu.memory_space<vmem>>, vector<16xi32>,
    %get3A_37 = vector.shape_cast %get3A_36 : vector<16xi32> to vector<16xi32>
    %broadcast_in_dim3A = arith.constant 1 : i32
    %broadcast_in_dim3A_38 = vector.broadcast %broadcast_in_dim3A : i32 to vector<16xi32>
    %broadcast_in_dim3A_39 = vector.shape_cast %broadcast_in_dim3A_38 : vector<16xi32> to vector<16x1xi32>
    %gather3A = vector.shape_cast %broadcast_in_dim3A_39 : vector<16x1xi32> to vector<16xi32>
    %gather3A_40 = tpu.dynamic_gather %get3A_37[%gather3A] in [0] : vector<16xi32>, vector<16xi32> -> vector<16xi32>
    %broadcast_in_dim3A_41 = arith.constant 2 : i32
    %broadcast_in_dim3A_42 = vector.broadcast %broadcast_in_dim3A_41 : i32 to vector<16xi32>
    %broadcast_in_dim3A_43 = vector.shape_cast %broadcast_in_dim3A_42 : vector<16xi32> to vector<16x1xi32>
    %gather3A_44 = vector.shape_cast %broadcast_in_dim3A_43 : vector<16x1xi32> to vector<16xi32>
    %gather3A_45 = tpu.dynamic_gather %get3A_37[%gather3A_44] in [0] : vector<16xi32>, vector<16xi32> -> vector<16xi32>
    %broadcast_in_dim3A_46 = arith.constant 3 : i32
    %broadcast_in_dim3A_47 = vector.broadcast %broadcast_in_dim3A_46 : i32 to vector<16xi32>
    %broadcast_in_dim3A_48 = vector.shape_cast %broadcast_in_dim3A_47 : vector<16xi32> to vector<16x1xi32>
    %gather3A_49 = vector.shape_cast %broadcast_in_dim3A_48 : vector<16x1xi32> to vector<16xi32>
    %gather3A_50 = tpu.dynamic_gather %get3A_37[%gather3A_49] in [0] : vector<16xi32>, vector<16xi32> -> vector<16xi32>
    %broadcast_in_dim3A_51 = arith.constant 4 : i32
    %broadcast_in_dim3A_52 = vector.broadcast %broadcast_in_dim3A_51 : i32 to vector<16xi32>
    %broadcast_in_dim3A_53 = vector.shape_cast %broadcast_in_dim3A_52 : vector<16xi32> to vector<16x1xi32>
    %gather3A_54 = vector.shape_cast %broadcast_in_dim3A_53 : vector<16x1xi32> to vector<16xi32>
    %gather3A_55 = tpu.dynamic_gather %get3A_37[%gather3A_54] in [0] : vector<16xi32>, vector<16xi32> -> vector<16xi32>
    %broadcast_in_dim3A_56 = arith.constant 5 : i32
    %broadcast_in_dim3A_57 = vector.broadcast %broadcast_in_dim3A_56 : i32 to vector<16xi32>
    %broadcast_in_dim3A_58 = vector.shape_cast %broadcast_in_dim3A_57 : vector<16xi32> to vector<16x1xi32>
    %gather3A_59 = vector.shape_cast %broadcast_in_dim3A_58 : vector<16x1xi32> to vector<16xi32>
    %gather3A_60 = tpu.dynamic_gather %get3A_37[%gather3A_59] in [0] : vector<16xi32>, vector<16xi32> -> vector<16xi32>
    %broadcast_in_dim3A_61 = arith.constant 6 : i32
    %broadcast_in_dim3A_62 = vector.broadcast %broadcast_in_dim3A_61 : i32 to vector<16xi32>
    %broadcast_in_dim3A_63 = vector.shape_cast %broadcast_in_dim3A_62 : vector<16xi32> to vector<16x1xi32>
    %gather3A_64 = vector.shape_cast %broadcast_in_dim3A_63 : vector<16x1xi32> to vector<16xi32>
    %gather3A_65 = tpu.dynamic_gather %get3A_37[%gather3A_64] in [0] : vector<16xi32>, vector<16xi32> -> vector<16xi32>
    %broadcast_in_dim3A_66 = arith.constant 7 : i32
    %broadcast_in_dim3A_67 = vector.broadcast %broadcast_in_dim3A_66 : i32 to vector<16xi32>
    %broadcast_in_dim3A_68 = vector.shape_cast %broadcast_in_dim3A_67 : vector<16xi32> to vector<16x1xi32>
    %gather3A_69 = vector.shape_cast %broadcast_in_dim3A_68 : vector<16x1xi32> to vector<16xi32>
    %gather3A_70 = tpu.dynamic_gather %get3A_37[%gather3A_69] in [0] : vector<16xi32>, vector<16xi32> -> vector<16xi32>
    %add3A_71 = arith.constant 0 : i32
    %add3A_72 = arith.addi %mul3A_2, %add3A_71 : i32
    %add3A_73 = arith.constant 0 : i32
    %add3A_74 = arith.addi %add3A_72, %add3A_73 : i32
    %add3A_75 = vector.broadcast %add3A_74 : i32 to vector<16xi32>
    %add3A_76 = arith.addi %add3A_75, %iota3A : vector<16xi32>
    %broadcast_in_dim3A_77 = arith.constant 0 : i32
    %broadcast_in_dim3A_78 = vector.broadcast %broadcast_in_dim3A_77 : i32 to vector<16xi32>
    %ge3A = arith.cmpi sge, %add3A_76, %gather3A_40 : vector<16xi32>
    %jit3A = arith.constant 1 : i32
    %jit3A_79 = arith.constant 0 : i32
    %broadcast_in_dim3A_80 = vector.broadcast %jit3A : i32 to vector<16xi32>
    %broadcast_in_dim3A_81 = vector.broadcast %jit3A_79 : i32 to vector<16xi32>
    %select_n3A = arith.select %ge3A, %broadcast_in_dim3A_80, %broadcast_in_dim3A_81 : vector<16xi1>, vector<16xi32>
    %add3A_82 = arith.addi %broadcast_in_dim3A_78, %select_n3A : vector<16xi32>
    %ge3A_83 = arith.cmpi sge, %add3A_76, %gather3A_45 : vector<16xi32>
    %jit3A_84 = arith.constant 1 : i32
    %jit3A_85 = arith.constant 0 : i32
    %broadcast_in_dim3A_86 = vector.broadcast %jit3A_84 : i32 to vector<16xi32>
    %broadcast_in_dim3A_87 = vector.broadcast %jit3A_85 : i32 to vector<16xi32>
    %select_n3A_88 = arith.select %ge3A_83, %broadcast_in_dim3A_86, %broadcast_in_dim3A_87 : vector<16xi1>, vector<16xi32>
    %add3A_89 = arith.addi %add3A_82, %select_n3A_88 : vector<16xi32>
    %ge3A_90 = arith.cmpi sge, %add3A_76, %gather3A_50 : vector<16xi32>
    %jit3A_91 = arith.constant 1 : i32
    %jit3A_92 = arith.constant 0 : i32
    %broadcast_in_dim3A_93 = vector.broadcast %jit3A_91 : i32 to vector<16xi32>
    %broadcast_in_dim3A_94 = vector.broadcast %jit3A_92 : i32 to vector<16xi32>
    %select_n3A_95 = arith.select %ge3A_90, %broadcast_in_dim3A_93, %broadcast_in_dim3A_94 : vector<16xi1>, vector<16xi32>
    %add3A_96 = arith.addi %add3A_89, %select_n3A_95 : vector<16xi32>
    %ge3A_97 = arith.cmpi sge, %add3A_76, %gather3A_55 : vector<16xi32>
    %jit3A_98 = arith.constant 1 : i32
    %jit3A_99 = arith.constant 0 : i32
    %broadcast_in_dim3A_100 = vector.broadcast %jit3A_98 : i32 to vector<16xi32>
    %broadcast_in_dim3A_101 = vector.broadcast %jit3A_99 : i32 to vector<16xi32>
    %select_n3A_102 = arith.select %ge3A_97, %broadcast_in_dim3A_100, %broadcast_in_dim3A_101 : vector<16xi1>, vector<16xi32>
    %add3A_103 = arith.addi %add3A_96, %select_n3A_102 : vector<16xi32>
    %ge3A_104 = arith.cmpi sge, %add3A_76, %gather3A_60 : vector<16xi32>
    %jit3A_105 = arith.constant 1 : i32
    %jit3A_106 = arith.constant 0 : i32
    %broadcast_in_dim3A_107 = vector.broadcast %jit3A_105 : i32 to vector<16xi32>
    %broadcast_in_dim3A_108 = vector.broadcast %jit3A_106 : i32 to vector<16xi32>
    %select_n3A_109 = arith.select %ge3A_104, %broadcast_in_dim3A_107, %broadcast_in_dim3A_108 : vector<16xi1>, vector<16xi32>
    %add3A_110 = arith.addi %add3A_103, %select_n3A_109 : vector<16xi32>
    %ge3A_111 = arith.cmpi sge, %add3A_76, %gather3A_65 : vector<16xi32>
    %jit3A_112 = arith.constant 1 : i32
    %jit3A_113 = arith.constant 0 : i32
    %broadcast_in_dim3A_114 = vector.broadcast %jit3A_112 : i32 to vector<16xi32>
    %broadcast_in_dim3A_115 = vector.broadcast %jit3A_113 : i32 to vector<16xi32>
    %select_n3A_116 = arith.select %ge3A_111, %broadcast_in_dim3A_114, %broadcast_in_dim3A_115 : vector<16xi1>, vector<16xi32>
    %add3A_117 = arith.addi %add3A_110, %select_n3A_116 : vector<16xi32>
    %ge3A_118 = arith.cmpi sge, %add3A_76, %gather3A_70 : vector<16xi32>
    %jit3A_119 = arith.constant 1 : i32
    %jit3A_120 = arith.constant 0 : i32
    %broadcast_in_dim3A_121 = vector.broadcast %jit3A_119 : i32 to vector<16xi32>
    %broadcast_in_dim3A_122 = vector.broadcast %jit3A_120 : i32 to vector<16xi32>
    %select_n3A_123 = arith.select %ge3A_118, %broadcast_in_dim3A_121, %broadcast_in_dim3A_122 : vector<16xi1>, vector<16xi32>
    %add3A_124 = arith.addi %add3A_117, %select_n3A_123 : vector<16xi32>
    %add3A_125 = arith.addi %add3A_76, %add3A_124 : vector<16xi32>
    %add3A_126 = arith.constant 1 : i32
    %add3A_127 = vector.broadcast %add3A_126 : i32 to vector<16xi32>
    %add3A_128 = arith.addi %add3A_125, %add3A_127 : vector<16xi32>
    %swap3A = arith.constant 0 : index
    %swap3A_129 = tpu.vector_load %arg6[%swap3A] {strides = array<i32>} : memref<16xi32, #tpu.memory_space<vmem>>, vector<16xi32>,
    %swap3A_130 = vector.shape_cast %swap3A_129 : vector<16xi32> to vector<16xi32>
    %swap3A_131 = vector.shape_cast %add3A_128 : vector<16xi32> to vector<16xi32>
    tpu.vector_store %arg6[%swap3A], %swap3A_131 {strides = array<i32>} : memref<16xi32, #tpu.memory_space<vmem>>, vector<16xi32>,
    %add3A_132 = arith.constant 16 : i32
    %add3A_133 = arith.addi %mul3A_2, %add3A_132 : i32
    %add3A_134 = arith.constant 0 : i32
    %add3A_135 = arith.addi %add3A_133, %add3A_134 : i32
    %add3A_136 = vector.broadcast %add3A_135 : i32 to vector<16xi32>
    %add3A_137 = arith.addi %add3A_136, %iota3A : vector<16xi32>
    %broadcast_in_dim3A_138 = arith.constant 0 : i32
    %broadcast_in_dim3A_139 = vector.broadcast %broadcast_in_dim3A_138 : i32 to vector<16xi32>
    %ge3A_140 = arith.cmpi sge, %add3A_137, %gather3A_40 : vector<16xi32>
    %jit3A_141 = arith.constant 1 : i32
    %jit3A_142 = arith.constant 0 : i32
    %broadcast_in_dim3A_143 = vector.broadcast %jit3A_141 : i32 to vector<16xi32>
    %broadcast_in_dim3A_144 = vector.broadcast %jit3A_142 : i32 to vector<16xi32>
    %select_n3A_145 = arith.select %ge3A_140, %broadcast_in_dim3A_143, %broadcast_in_dim3A_144 : vector<16xi1>, vector<16xi32>
    %add3A_146 = arith.addi %broadcast_in_dim3A_139, %select_n3A_145 : vector<16xi32>
    %ge3A_147 = arith.cmpi sge, %add3A_137, %gather3A_45 : vector<16xi32>
    %jit3A_148 = arith.constant 1 : i32
    %jit3A_149 = arith.constant 0 : i32
    %broadcast_in_dim3A_150 = vector.broadcast %jit3A_148 : i32 to vector<16xi32>
    %broadcast_in_dim3A_151 = vector.broadcast %jit3A_149 : i32 to vector<16xi32>
    %select_n3A_152 = arith.select %ge3A_147, %broadcast_in_dim3A_150, %broadcast_in_dim3A_151 : vector<16xi1>, vector<16xi32>
    %add3A_153 = arith.addi %add3A_146, %select_n3A_152 : vector<16xi32>
    %ge3A_154 = arith.cmpi sge, %add3A_137, %gather3A_50 : vector<16xi32>
    %jit3A_155 = arith.constant 1 : i32
    %jit3A_156 = arith.constant 0 : i32
    %broadcast_in_dim3A_157 = vector.broadcast %jit3A_155 : i32 to vector<16xi32>
    %broadcast_in_dim3A_158 = vector.broadcast %jit3A_156 : i32 to vector<16xi32>
    %select_n3A_159 = arith.select %ge3A_154, %broadcast_in_dim3A_157, %broadcast_in_dim3A_158 : vector<16xi1>, vector<16xi32>
    %add3A_160 = arith.addi %add3A_153, %select_n3A_159 : vector<16xi32>
    %ge3A_161 = arith.cmpi sge, %add3A_137, %gather3A_55 : vector<16xi32>
    %jit3A_162 = arith.constant 1 : i32
    %jit3A_163 = arith.constant 0 : i32
    %broadcast_in_dim3A_164 = vector.broadcast %jit3A_162 : i32 to vector<16xi32>
    %broadcast_in_dim3A_165 = vector.broadcast %jit3A_163 : i32 to vector<16xi32>
    %select_n3A_166 = arith.select %ge3A_161, %broadcast_in_dim3A_164, %broadcast_in_dim3A_165 : vector<16xi1>, vector<16xi32>
    %add3A_167 = arith.addi %add3A_160, %select_n3A_166 : vector<16xi32>
    %ge3A_168 = arith.cmpi sge, %add3A_137, %gather3A_60 : vector<16xi32>
    %jit3A_169 = arith.constant 1 : i32
    %jit3A_170 = arith.constant 0 : i32
    %broadcast_in_dim3A_171 = vector.broadcast %jit3A_169 : i32 to vector<16xi32>
    %broadcast_in_dim3A_172 = vector.broadcast %jit3A_170 : i32 to vector<16xi32>
    %select_n3A_173 = arith.select %ge3A_168, %broadcast_in_dim3A_171, %broadcast_in_dim3A_172 : vector<16xi1>, vector<16xi32>
    %add3A_174 = arith.addi %add3A_167, %select_n3A_173 : vector<16xi32>
    %ge3A_175 = arith.cmpi sge, %add3A_137, %gather3A_65 : vector<16xi32>
    %jit3A_176 = arith.constant 1 : i32
    %jit3A_177 = arith.constant 0 : i32
    %broadcast_in_dim3A_178 = vector.broadcast %jit3A_176 : i32 to vector<16xi32>
    %broadcast_in_dim3A_179 = vector.broadcast %jit3A_177 : i32 to vector<16xi32>
    %select_n3A_180 = arith.select %ge3A_175, %broadcast_in_dim3A_178, %broadcast_in_dim3A_179 : vector<16xi1>, vector<16xi32>
    %add3A_181 = arith.addi %add3A_174, %select_n3A_180 : vector<16xi32>
    %ge3A_182 = arith.cmpi sge, %add3A_137, %gather3A_70 : vector<16xi32>
    %jit3A_183 = arith.constant 1 : i32
    %jit3A_184 = arith.constant 0 : i32
    %broadcast_in_dim3A_185 = vector.broadcast %jit3A_183 : i32 to vector<16xi32>
    %broadcast_in_dim3A_186 = vector.broadcast %jit3A_184 : i32 to vector<16xi32>
    %select_n3A_187 = arith.select %ge3A_182, %broadcast_in_dim3A_185, %broadcast_in_dim3A_186 : vector<16xi1>, vector<16xi32>
    %add3A_188 = arith.addi %add3A_181, %select_n3A_187 : vector<16xi32>
    %add3A_189 = arith.addi %add3A_137, %add3A_188 : vector<16xi32>
    %add3A_190 = arith.constant 1 : i32
    %add3A_191 = vector.broadcast %add3A_190 : i32 to vector<16xi32>
    %add3A_192 = arith.addi %add3A_189, %add3A_191 : vector<16xi32>
    %swap3A_193 = arith.constant 0 : index
    %swap3A_194 = tpu.vector_load %arg7[%swap3A_193] {strides = array<i32>} : memref<16xi32, #tpu.memory_space<vmem>>, vector<16xi32>,
    %swap3A_195 = vector.shape_cast %swap3A_194 : vector<16xi32> to vector<16xi32>
    %swap3A_196 = vector.shape_cast %add3A_192 : vector<16xi32> to vector<16xi32>
    tpu.vector_store %arg7[%swap3A_193], %swap3A_196 {strides = array<i32>} : memref<16xi32, #tpu.memory_space<vmem>>, vector<16xi32>,
    %add3A_197 = arith.constant 32 : i32
    %add3A_198 = arith.addi %mul3A_2, %add3A_197 : i32
    %add3A_199 = arith.constant 0 : i32
    %add3A_200 = arith.addi %add3A_198, %add3A_199 : i32
    %add3A_201 = vector.broadcast %add3A_200 : i32 to vector<16xi32>
    %add3A_202 = arith.addi %add3A_201, %iota3A : vector<16xi32>
    %broadcast_in_dim3A_203 = arith.constant 0 : i32
    %broadcast_in_dim3A_204 = vector.broadcast %broadcast_in_dim3A_203 : i32 to vector<16xi32>
    %ge3A_205 = arith.cmpi sge, %add3A_202, %gather3A_40 : vector<16xi32>
    %jit3A_206 = arith.constant 1 : i32
    %jit3A_207 = arith.constant 0 : i32
    %broadcast_in_dim3A_208 = vector.broadcast %jit3A_206 : i32 to vector<16xi32>
    %broadcast_in_dim3A_209 = vector.broadcast %jit3A_207 : i32 to vector<16xi32>
    %select_n3A_210 = arith.select %ge3A_205, %broadcast_in_dim3A_208, %broadcast_in_dim3A_209 : vector<16xi1>, vector<16xi32>
    %add3A_211 = arith.addi %broadcast_in_dim3A_204, %select_n3A_210 : vector<16xi32>
    %ge3A_212 = arith.cmpi sge, %add3A_202, %gather3A_45 : vector<16xi32>
    %jit3A_213 = arith.constant 1 : i32
    %jit3A_214 = arith.constant 0 : i32
    %broadcast_in_dim3A_215 = vector.broadcast %jit3A_213 : i32 to vector<16xi32>
    %broadcast_in_dim3A_216 = vector.broadcast %jit3A_214 : i32 to vector<16xi32>
    %select_n3A_217 = arith.select %ge3A_212, %broadcast_in_dim3A_215, %broadcast_in_dim3A_216 : vector<16xi1>, vector<16xi32>
    %add3A_218 = arith.addi %add3A_211, %select_n3A_217 : vector<16xi32>
    %ge3A_219 = arith.cmpi sge, %add3A_202, %gather3A_50 : vector<16xi32>
    %jit3A_220 = arith.constant 1 : i32
    %jit3A_221 = arith.constant 0 : i32
    %broadcast_in_dim3A_222 = vector.broadcast %jit3A_220 : i32 to vector<16xi32>
    %broadcast_in_dim3A_223 = vector.broadcast %jit3A_221 : i32 to vector<16xi32>
    %select_n3A_224 = arith.select %ge3A_219, %broadcast_in_dim3A_222, %broadcast_in_dim3A_223 : vector<16xi1>, vector<16xi32>
    %add3A_225 = arith.addi %add3A_218, %select_n3A_224 : vector<16xi32>
    %ge3A_226 = arith.cmpi sge, %add3A_202, %gather3A_55 : vector<16xi32>
    %jit3A_227 = arith.constant 1 : i32
    %jit3A_228 = arith.constant 0 : i32
    %broadcast_in_dim3A_229 = vector.broadcast %jit3A_227 : i32 to vector<16xi32>
    %broadcast_in_dim3A_230 = vector.broadcast %jit3A_228 : i32 to vector<16xi32>
    %select_n3A_231 = arith.select %ge3A_226, %broadcast_in_dim3A_229, %broadcast_in_dim3A_230 : vector<16xi1>, vector<16xi32>
    %add3A_232 = arith.addi %add3A_225, %select_n3A_231 : vector<16xi32>
    %ge3A_233 = arith.cmpi sge, %add3A_202, %gather3A_60 : vector<16xi32>
    %jit3A_234 = arith.constant 1 : i32
    %jit3A_235 = arith.constant 0 : i32
    %broadcast_in_dim3A_236 = vector.broadcast %jit3A_234 : i32 to vector<16xi32>
    %broadcast_in_dim3A_237 = vector.broadcast %jit3A_235 : i32 to vector<16xi32>
    %select_n3A_238 = arith.select %ge3A_233, %broadcast_in_dim3A_236, %broadcast_in_dim3A_237 : vector<16xi1>, vector<16xi32>
    %add3A_239 = arith.addi %add3A_232, %select_n3A_238 : vector<16xi32>
    %ge3A_240 = arith.cmpi sge, %add3A_202, %gather3A_65 : vector<16xi32>
    %jit3A_241 = arith.constant 1 : i32
    %jit3A_242 = arith.constant 0 : i32
    %broadcast_in_dim3A_243 = vector.broadcast %jit3A_241 : i32 to vector<16xi32>
    %broadcast_in_dim3A_244 = vector.broadcast %jit3A_242 : i32 to vector<16xi32>
    %select_n3A_245 = arith.select %ge3A_240, %broadcast_in_dim3A_243, %broadcast_in_dim3A_244 : vector<16xi1>, vector<16xi32>
    %add3A_246 = arith.addi %add3A_239, %select_n3A_245 : vector<16xi32>
    %ge3A_247 = arith.cmpi sge, %add3A_202, %gather3A_70 : vector<16xi32>
    %jit3A_248 = arith.constant 1 : i32
    %jit3A_249 = arith.constant 0 : i32
    %broadcast_in_dim3A_250 = vector.broadcast %jit3A_248 : i32 to vector<16xi32>
    %broadcast_in_dim3A_251 = vector.broadcast %jit3A_249 : i32 to vector<16xi32>
    %select_n3A_252 = arith.select %ge3A_247, %broadcast_in_dim3A_250, %broadcast_in_dim3A_251 : vector<16xi1>, vector<16xi32>
    %add3A_253 = arith.addi %add3A_246, %select_n3A_252 : vector<16xi32>
    %add3A_254 = arith.addi %add3A_202, %add3A_253 : vector<16xi32>
    %add3A_255 = arith.constant 1 : i32
    %add3A_256 = vector.broadcast %add3A_255 : i32 to vector<16xi32>
    %add3A_257 = arith.addi %add3A_254, %add3A_256 : vector<16xi32>
    %swap3A_258 = arith.constant 0 : index
    %swap3A_259 = tpu.vector_load %arg8[%swap3A_258] {strides = array<i32>} : memref<16xi32, #tpu.memory_space<vmem>>, vector<16xi32>,
    %swap3A_260 = vector.shape_cast %swap3A_259 : vector<16xi32> to vector<16xi32>
    %swap3A_261 = vector.shape_cast %add3A_257 : vector<16xi32> to vector<16xi32>
    tpu.vector_store %arg8[%swap3A_258], %swap3A_261 {strides = array<i32>} : memref<16xi32, #tpu.memory_space<vmem>>, vector<16xi32>,
    %add3A_262 = arith.constant 48 : i32
    %add3A_263 = arith.addi %mul3A_2, %add3A_262 : i32
    %add3A_264 = arith.constant 0 : i32
    %add3A_265 = arith.addi %add3A_263, %add3A_264 : i32
    %add3A_266 = vector.broadcast %add3A_265 : i32 to vector<16xi32>
    %add3A_267 = arith.addi %add3A_266, %iota3A : vector<16xi32>
    %broadcast_in_dim3A_268 = arith.constant 0 : i32
    %broadcast_in_dim3A_269 = vector.broadcast %broadcast_in_dim3A_268 : i32 to vector<16xi32>
    %ge3A_270 = arith.cmpi sge, %add3A_267, %gather3A_40 : vector<16xi32>
    %jit3A_271 = arith.constant 1 : i32
    %jit3A_272 = arith.constant 0 : i32
    %broadcast_in_dim3A_273 = vector.broadcast %jit3A_271 : i32 to vector<16xi32>
    %broadcast_in_dim3A_274 = vector.broadcast %jit3A_272 : i32 to vector<16xi32>
    %select_n3A_275 = arith.select %ge3A_270, %broadcast_in_dim3A_273, %broadcast_in_dim3A_274 : vector<16xi1>, vector<16xi32>
    %add3A_276 = arith.addi %broadcast_in_dim3A_269, %select_n3A_275 : vector<16xi32>
    %ge3A_277 = arith.cmpi sge, %add3A_267, %gather3A_45 : vector<16xi32>
    %jit3A_278 = arith.constant 1 : i32
    %jit3A_279 = arith.constant 0 : i32
    %broadcast_in_dim3A_280 = vector.broadcast %jit3A_278 : i32 to vector<16xi32>
    %broadcast_in_dim3A_281 = vector.broadcast %jit3A_279 : i32 to vector<16xi32>
    %select_n3A_282 = arith.select %ge3A_277, %broadcast_in_dim3A_280, %broadcast_in_dim3A_281 : vector<16xi1>, vector<16xi32>
    %add3A_283 = arith.addi %add3A_276, %select_n3A_282 : vector<16xi32>
    %ge3A_284 = arith.cmpi sge, %add3A_267, %gather3A_50 : vector<16xi32>
    %jit3A_285 = arith.constant 1 : i32
    %jit3A_286 = arith.constant 0 : i32
    %broadcast_in_dim3A_287 = vector.broadcast %jit3A_285 : i32 to vector<16xi32>
    %broadcast_in_dim3A_288 = vector.broadcast %jit3A_286 : i32 to vector<16xi32>
    %select_n3A_289 = arith.select %ge3A_284, %broadcast_in_dim3A_287, %broadcast_in_dim3A_288 : vector<16xi1>, vector<16xi32>
    %add3A_290 = arith.addi %add3A_283, %select_n3A_289 : vector<16xi32>
    %ge3A_291 = arith.cmpi sge, %add3A_267, %gather3A_55 : vector<16xi32>
    %jit3A_292 = arith.constant 1 : i32
    %jit3A_293 = arith.constant 0 : i32
    %broadcast_in_dim3A_294 = vector.broadcast %jit3A_292 : i32 to vector<16xi32>
    %broadcast_in_dim3A_295 = vector.broadcast %jit3A_293 : i32 to vector<16xi32>
    %select_n3A_296 = arith.select %ge3A_291, %broadcast_in_dim3A_294, %broadcast_in_dim3A_295 : vector<16xi1>, vector<16xi32>
    %add3A_297 = arith.addi %add3A_290, %select_n3A_296 : vector<16xi32>
    %ge3A_298 = arith.cmpi sge, %add3A_267, %gather3A_60 : vector<16xi32>
    %jit3A_299 = arith.constant 1 : i32
    %jit3A_300 = arith.constant 0 : i32
    %broadcast_in_dim3A_301 = vector.broadcast %jit3A_299 : i32 to vector<16xi32>
    %broadcast_in_dim3A_302 = vector.broadcast %jit3A_300 : i32 to vector<16xi32>
    %select_n3A_303 = arith.select %ge3A_298, %broadcast_in_dim3A_301, %broadcast_in_dim3A_302 : vector<16xi1>, vector<16xi32>
    %add3A_304 = arith.addi %add3A_297, %select_n3A_303 : vector<16xi32>
    %ge3A_305 = arith.cmpi sge, %add3A_267, %gather3A_65 : vector<16xi32>
    %jit3A_306 = arith.constant 1 : i32
    %jit3A_307 = arith.constant 0 : i32
    %broadcast_in_dim3A_308 = vector.broadcast %jit3A_306 : i32 to vector<16xi32>
    %broadcast_in_dim3A_309 = vector.broadcast %jit3A_307 : i32 to vector<16xi32>
    %select_n3A_310 = arith.select %ge3A_305, %broadcast_in_dim3A_308, %broadcast_in_dim3A_309 : vector<16xi1>, vector<16xi32>
    %add3A_311 = arith.addi %add3A_304, %select_n3A_310 : vector<16xi32>
    %ge3A_312 = arith.cmpi sge, %add3A_267, %gather3A_70 : vector<16xi32>
    %jit3A_313 = arith.constant 1 : i32
    %jit3A_314 = arith.constant 0 : i32
    %broadcast_in_dim3A_315 = vector.broadcast %jit3A_313 : i32 to vector<16xi32>
    %broadcast_in_dim3A_316 = vector.broadcast %jit3A_314 : i32 to vector<16xi32>
    %select_n3A_317 = arith.select %ge3A_312, %broadcast_in_dim3A_315, %broadcast_in_dim3A_316 : vector<16xi1>, vector<16xi32>
    %add3A_318 = arith.addi %add3A_311, %select_n3A_317 : vector<16xi32>
    %add3A_319 = arith.addi %add3A_267, %add3A_318 : vector<16xi32>
    %add3A_320 = arith.constant 1 : i32
    %add3A_321 = vector.broadcast %add3A_320 : i32 to vector<16xi32>
    %add3A_322 = arith.addi %add3A_319, %add3A_321 : vector<16xi32>
    %swap3A_323 = arith.constant 0 : index
    %swap3A_324 = tpu.vector_load %arg9[%swap3A_323] {strides = array<i32>} : memref<16xi32, #tpu.memory_space<vmem>>, vector<16xi32>,
    %swap3A_325 = vector.shape_cast %swap3A_324 : vector<16xi32> to vector<16xi32>
    %swap3A_326 = vector.shape_cast %add3A_322 : vector<16xi32> to vector<16xi32>
    tpu.vector_store %arg9[%swap3A_323], %swap3A_326 {strides = array<i32>} : memref<16xi32, #tpu.memory_space<vmem>>, vector<16xi32>,
    %add3A_327 = arith.constant 64 : i32
    %add3A_328 = arith.addi %mul3A_2, %add3A_327 : i32
    %add3A_329 = arith.constant 0 : i32
    %add3A_330 = arith.addi %add3A_328, %add3A_329 : i32
    %add3A_331 = vector.broadcast %add3A_330 : i32 to vector<16xi32>
    %add3A_332 = arith.addi %add3A_331, %iota3A : vector<16xi32>
    %broadcast_in_dim3A_333 = arith.constant 0 : i32
    %broadcast_in_dim3A_334 = vector.broadcast %broadcast_in_dim3A_333 : i32 to vector<16xi32>
    %ge3A_335 = arith.cmpi sge, %add3A_332, %gather3A_40 : vector<16xi32>
    %jit3A_336 = arith.constant 1 : i32
    %jit3A_337 = arith.constant 0 : i32
    %broadcast_in_dim3A_338 = vector.broadcast %jit3A_336 : i32 to vector<16xi32>
    %broadcast_in_dim3A_339 = vector.broadcast %jit3A_337 : i32 to vector<16xi32>
    %select_n3A_340 = arith.select %ge3A_335, %broadcast_in_dim3A_338, %broadcast_in_dim3A_339 : vector<16xi1>, vector<16xi32>
    %add3A_341 = arith.addi %broadcast_in_dim3A_334, %select_n3A_340 : vector<16xi32>
    %ge3A_342 = arith.cmpi sge, %add3A_332, %gather3A_45 : vector<16xi32>
    %jit3A_343 = arith.constant 1 : i32
    %jit3A_344 = arith.constant 0 : i32
    %broadcast_in_dim3A_345 = vector.broadcast %jit3A_343 : i32 to vector<16xi32>
    %broadcast_in_dim3A_346 = vector.broadcast %jit3A_344 : i32 to vector<16xi32>
    %select_n3A_347 = arith.select %ge3A_342, %broadcast_in_dim3A_345, %broadcast_in_dim3A_346 : vector<16xi1>, vector<16xi32>
    %add3A_348 = arith.addi %add3A_341, %select_n3A_347 : vector<16xi32>
    %ge3A_349 = arith.cmpi sge, %add3A_332, %gather3A_50 : vector<16xi32>
    %jit3A_350 = arith.constant 1 : i32
    %jit3A_351 = arith.constant 0 : i32
    %broadcast_in_dim3A_352 = vector.broadcast %jit3A_350 : i32 to vector<16xi32>
    %broadcast_in_dim3A_353 = vector.broadcast %jit3A_351 : i32 to vector<16xi32>
    %select_n3A_354 = arith.select %ge3A_349, %broadcast_in_dim3A_352, %broadcast_in_dim3A_353 : vector<16xi1>, vector<16xi32>
    %add3A_355 = arith.addi %add3A_348, %select_n3A_354 : vector<16xi32>
    %ge3A_356 = arith.cmpi sge, %add3A_332, %gather3A_55 : vector<16xi32>
    %jit3A_357 = arith.constant 1 : i32
    %jit3A_358 = arith.constant 0 : i32
    %broadcast_in_dim3A_359 = vector.broadcast %jit3A_357 : i32 to vector<16xi32>
    %broadcast_in_dim3A_360 = vector.broadcast %jit3A_358 : i32 to vector<16xi32>
    %select_n3A_361 = arith.select %ge3A_356, %broadcast_in_dim3A_359, %broadcast_in_dim3A_360 : vector<16xi1>, vector<16xi32>
    %add3A_362 = arith.addi %add3A_355, %select_n3A_361 : vector<16xi32>
    %ge3A_363 = arith.cmpi sge, %add3A_332, %gather3A_60 : vector<16xi32>
    %jit3A_364 = arith.constant 1 : i32
    %jit3A_365 = arith.constant 0 : i32
    %broadcast_in_dim3A_366 = vector.broadcast %jit3A_364 : i32 to vector<16xi32>
    %broadcast_in_dim3A_367 = vector.broadcast %jit3A_365 : i32 to vector<16xi32>
    %select_n3A_368 = arith.select %ge3A_363, %broadcast_in_dim3A_366, %broadcast_in_dim3A_367 : vector<16xi1>, vector<16xi32>
    %add3A_369 = arith.addi %add3A_362, %select_n3A_368 : vector<16xi32>
    %ge3A_370 = arith.cmpi sge, %add3A_332, %gather3A_65 : vector<16xi32>
    %jit3A_371 = arith.constant 1 : i32
    %jit3A_372 = arith.constant 0 : i32
    %broadcast_in_dim3A_373 = vector.broadcast %jit3A_371 : i32 to vector<16xi32>
    %broadcast_in_dim3A_374 = vector.broadcast %jit3A_372 : i32 to vector<16xi32>
    %select_n3A_375 = arith.select %ge3A_370, %broadcast_in_dim3A_373, %broadcast_in_dim3A_374 : vector<16xi1>, vector<16xi32>
    %add3A_376 = arith.addi %add3A_369, %select_n3A_375 : vector<16xi32>
    %ge3A_377 = arith.cmpi sge, %add3A_332, %gather3A_70 : vector<16xi32>
    %jit3A_378 = arith.constant 1 : i32
    %jit3A_379 = arith.constant 0 : i32
    %broadcast_in_dim3A_380 = vector.broadcast %jit3A_378 : i32 to vector<16xi32>
    %broadcast_in_dim3A_381 = vector.broadcast %jit3A_379 : i32 to vector<16xi32>
    %select_n3A_382 = arith.select %ge3A_377, %broadcast_in_dim3A_380, %broadcast_in_dim3A_381 : vector<16xi1>, vector<16xi32>
    %add3A_383 = arith.addi %add3A_376, %select_n3A_382 : vector<16xi32>
    %add3A_384 = arith.addi %add3A_332, %add3A_383 : vector<16xi32>
    %add3A_385 = arith.constant 1 : i32
    %add3A_386 = vector.broadcast %add3A_385 : i32 to vector<16xi32>
    %add3A_387 = arith.addi %add3A_384, %add3A_386 : vector<16xi32>
    %swap3A_388 = arith.constant 0 : index
    %swap3A_389 = tpu.vector_load %arg10[%swap3A_388] {strides = array<i32>} : memref<16xi32, #tpu.memory_space<vmem>>, vector<16xi32>,
    %swap3A_390 = vector.shape_cast %swap3A_389 : vector<16xi32> to vector<16xi32>
    %swap3A_391 = vector.shape_cast %add3A_387 : vector<16xi32> to vector<16xi32>
    tpu.vector_store %arg10[%swap3A_388], %swap3A_391 {strides = array<i32>} : memref<16xi32, #tpu.memory_space<vmem>>, vector<16xi32>,
    %add3A_392 = arith.constant 0 : i32
    %add3A_393 = arith.addi %mul3A_2, %add3A_392 : i32
    %multiple_of3A_394 = tpu.assume_multiple %add3A_393, 8 : i32
    %dma_wait3A = arith.constant 0 : i32
    %dma_wait3A_395 = tpu.memref_slice %arg2[%multiple_of3A_394, %dma_wait3A] : memref<8192x1024xf32, #tpu.memory_space<hbm>> -> memref<16x1024xf32, #tpu.memory_space<hbm>>
    %dma_wait3A_396 = arith.constant 0 : i32
    %dma_wait3A_397 = tpu.memref_slice %arg2[%multiple_of3A_394, %dma_wait3A_396] : memref<8192x1024xf32, #tpu.memory_space<hbm>> -> memref<16x1024xf32, #tpu.memory_space<hbm>>
    tpu.wait_dma2 semaphore(%arg21 : memref<!tpu.dma_semaphore, #tpu.memory_space<semaphore_mem>>) src(%dma_wait3A_397 : memref<16x1024xf32, #tpu.memory_space<hbm>>) dst(%arg12 : memref<16x1024xf32, #tpu.memory_space<vmem>>)
    %dma_start3A_398 = arith.constant 0 : i32
    %dma_start3A_399 = arith.constant 0 : i32
    %dma_start3A_400 = tpu.memref_slice %arg5[%dma_start3A_398, %dma_start3A_399] : memref<8200x1024xf32, #tpu.memory_space<hbm>> -> memref<8200x1024xf32, #tpu.memory_space<hbm>>
    tpu.enqueue_indirect_dma source(%arg12 : memref<16x1024xf32, #tpu.memory_space<vmem>>) target(%dma_start3A_400 : memref<8200x1024xf32, #tpu.memory_space<hbm>>) offsets(%arg6 : memref<16xi32, #tpu.memory_space<vmem>>) semaphore(%arg27 : memref<!tpu.dma_semaphore, #tpu.memory_space<semaphore_mem>>)
    %add3A_401 = arith.constant 80 : i32
    %add3A_402 = arith.addi %mul3A_2, %add3A_401 : i32
    %add3A_403 = arith.constant 0 : i32
    %add3A_404 = arith.addi %add3A_402, %add3A_403 : i32
    %add3A_405 = vector.broadcast %add3A_404 : i32 to vector<16xi32>
    %add3A_406 = arith.addi %add3A_405, %iota3A : vector<16xi32>
    %broadcast_in_dim3A_407 = arith.constant 0 : i32
    %broadcast_in_dim3A_408 = vector.broadcast %broadcast_in_dim3A_407 : i32 to vector<16xi32>
    %ge3A_409 = arith.cmpi sge, %add3A_406, %gather3A_40 : vector<16xi32>
    %jit3A_410 = arith.constant 1 : i32
    %jit3A_411 = arith.constant 0 : i32
    %broadcast_in_dim3A_412 = vector.broadcast %jit3A_410 : i32 to vector<16xi32>
    %broadcast_in_dim3A_413 = vector.broadcast %jit3A_411 : i32 to vector<16xi32>
    %select_n3A_414 = arith.select %ge3A_409, %broadcast_in_dim3A_412, %broadcast_in_dim3A_413 : vector<16xi1>, vector<16xi32>
    %add3A_415 = arith.addi %broadcast_in_dim3A_408, %select_n3A_414 : vector<16xi32>
    %ge3A_416 = arith.cmpi sge, %add3A_406, %gather3A_45 : vector<16xi32>
    %jit3A_417 = arith.constant 1 : i32
    %jit3A_418 = arith.constant 0 : i32
    %broadcast_in_dim3A_419 = vector.broadcast %jit3A_417 : i32 to vector<16xi32>
    %broadcast_in_dim3A_420 = vector.broadcast %jit3A_418 : i32 to vector<16xi32>
    %select_n3A_421 = arith.select %ge3A_416, %broadcast_in_dim3A_419, %broadcast_in_dim3A_420 : vector<16xi1>, vector<16xi32>
    %add3A_422 = arith.addi %add3A_415, %select_n3A_421 : vector<16xi32>
    %ge3A_423 = arith.cmpi sge, %add3A_406, %gather3A_50 : vector<16xi32>
    %jit3A_424 = arith.constant 1 : i32
    %jit3A_425 = arith.constant 0 : i32
    %broadcast_in_dim3A_426 = vector.broadcast %jit3A_424 : i32 to vector<16xi32>
    %broadcast_in_dim3A_427 = vector.broadcast %jit3A_425 : i32 to vector<16xi32>
    %select_n3A_428 = arith.select %ge3A_423, %broadcast_in_dim3A_426, %broadcast_in_dim3A_427 : vector<16xi1>, vector<16xi32>
    %add3A_429 = arith.addi %add3A_422, %select_n3A_428 : vector<16xi32>
    %ge3A_430 = arith.cmpi sge, %add3A_406, %gather3A_55 : vector<16xi32>
    %jit3A_431 = arith.constant 1 : i32
    %jit3A_432 = arith.constant 0 : i32
    %broadcast_in_dim3A_433 = vector.broadcast %jit3A_431 : i32 to vector<16xi32>
    %broadcast_in_dim3A_434 = vector.broadcast %jit3A_432 : i32 to vector<16xi32>
    %select_n3A_435 = arith.select %ge3A_430, %broadcast_in_dim3A_433, %broadcast_in_dim3A_434 : vector<16xi1>, vector<16xi32>
    %add3A_436 = arith.addi %add3A_429, %select_n3A_435 : vector<16xi32>
    %ge3A_437 = arith.cmpi sge, %add3A_406, %gather3A_60 : vector<16xi32>
    %jit3A_438 = arith.constant 1 : i32
    %jit3A_439 = arith.constant 0 : i32
    %broadcast_in_dim3A_440 = vector.broadcast %jit3A_438 : i32 to vector<16xi32>
    %broadcast_in_dim3A_441 = vector.broadcast %jit3A_439 : i32 to vector<16xi32>
    %select_n3A_442 = arith.select %ge3A_437, %broadcast_in_dim3A_440, %broadcast_in_dim3A_441 : vector<16xi1>, vector<16xi32>
    %add3A_443 = arith.addi %add3A_436, %select_n3A_442 : vector<16xi32>
    %ge3A_444 = arith.cmpi sge, %add3A_406, %gather3A_65 : vector<16xi32>
    %jit3A_445 = arith.constant 1 : i32
    %jit3A_446 = arith.constant 0 : i32
    %broadcast_in_dim3A_447 = vector.broadcast %jit3A_445 : i32 to vector<16xi32>
    %broadcast_in_dim3A_448 = vector.broadcast %jit3A_446 : i32 to vector<16xi32>
    %select_n3A_449 = arith.select %ge3A_444, %broadcast_in_dim3A_447, %broadcast_in_dim3A_448 : vector<16xi1>, vector<16xi32>
    %add3A_450 = arith.addi %add3A_443, %select_n3A_449 : vector<16xi32>
    %ge3A_451 = arith.cmpi sge, %add3A_406, %gather3A_70 : vector<16xi32>
    %jit3A_452 = arith.constant 1 : i32
    %jit3A_453 = arith.constant 0 : i32
    %broadcast_in_dim3A_454 = vector.broadcast %jit3A_452 : i32 to vector<16xi32>
    %broadcast_in_dim3A_455 = vector.broadcast %jit3A_453 : i32 to vector<16xi32>
    %select_n3A_456 = arith.select %ge3A_451, %broadcast_in_dim3A_454, %broadcast_in_dim3A_455 : vector<16xi1>, vector<16xi32>
    %add3A_457 = arith.addi %add3A_450, %select_n3A_456 : vector<16xi32>
    %add3A_458 = arith.addi %add3A_406, %add3A_457 : vector<16xi32>
    %add3A_459 = arith.constant 1 : i32
    %add3A_460 = vector.broadcast %add3A_459 : i32 to vector<16xi32>
    %add3A_461 = arith.addi %add3A_458, %add3A_460 : vector<16xi32>
    %swap3A_462 = arith.constant 0 : index
    %swap3A_463 = tpu.vector_load %arg11[%swap3A_462] {strides = array<i32>} : memref<16xi32, #tpu.memory_space<vmem>>, vector<16xi32>,
    %swap3A_464 = vector.shape_cast %swap3A_463 : vector<16xi32> to vector<16xi32>
    %swap3A_465 = vector.shape_cast %add3A_461 : vector<16xi32> to vector<16xi32>
    tpu.vector_store %arg11[%swap3A_462], %swap3A_465 {strides = array<i32>} : memref<16xi32, #tpu.memory_space<vmem>>, vector<16xi32>,
    %add3A_466 = arith.constant 80 : i32
    %add3A_467 = arith.addi %mul3A_2, %add3A_466 : i32
    %multiple_of3A_468 = tpu.assume_multiple %add3A_467, 8 : i32
    %dma_start3A_469 = arith.constant 0 : i32
    %dma_start3A_470 = tpu.memref_slice %arg2[%multiple_of3A_468, %dma_start3A_469] : memref<8192x1024xf32, #tpu.memory_space<hbm>> -> memref<16x1024xf32, #tpu.memory_space<hbm>>
    %dma_start3A_471 = arith.constant 0 : i32
    %dma_start3A_472 = tpu.memref_slice %arg2[%multiple_of3A_468, %dma_start3A_471] : memref<8192x1024xf32, #tpu.memory_space<hbm>> -> memref<16x1024xf32, #tpu.memory_space<hbm>>
    tpu.enqueue_dma source(%dma_start3A_472 : memref<16x1024xf32, #tpu.memory_space<hbm>>) target(%arg17 : memref<16x1024xf32, #tpu.memory_space<vmem>>) target_semaphore(%arg26 : memref<!tpu.dma_semaphore, #tpu.memory_space<semaphore_mem>>)
    %add3A_473 = arith.constant 16 : i32
    %add3A_474 = arith.addi %mul3A_2, %add3A_473 : i32
    %multiple_of3A_475 = tpu.assume_multiple %add3A_474, 8 : i32
    %dma_wait3A_476 = arith.constant 0 : i32
    %dma_wait3A_477 = tpu.memref_slice %arg2[%multiple_of3A_475, %dma_wait3A_476] : memref<8192x1024xf32, #tpu.memory_space<hbm>> -> memref<16x1024xf32, #tpu.memory_space<hbm>>
    %dma_wait3A_478 = arith.constant 0 : i32
    %dma_wait3A_479 = tpu.memref_slice %arg2[%multiple_of3A_475, %dma_wait3A_478] : memref<8192x1024xf32, #tpu.memory_space<hbm>> -> memref<16x1024xf32, #tpu.memory_space<hbm>>
    tpu.wait_dma2 semaphore(%arg22 : memref<!tpu.dma_semaphore, #tpu.memory_space<semaphore_mem>>) src(%dma_wait3A_479 : memref<16x1024xf32, #tpu.memory_space<hbm>>) dst(%arg13 : memref<16x1024xf32, #tpu.memory_space<vmem>>)
    %dma_start3A_480 = arith.constant 0 : i32
    %dma_start3A_481 = arith.constant 0 : i32
    %dma_start3A_482 = tpu.memref_slice %arg5[%dma_start3A_480, %dma_start3A_481] : memref<8200x1024xf32, #tpu.memory_space<hbm>> -> memref<8200x1024xf32, #tpu.memory_space<hbm>>
    tpu.enqueue_indirect_dma source(%arg13 : memref<16x1024xf32, #tpu.memory_space<vmem>>) target(%dma_start3A_482 : memref<8200x1024xf32, #tpu.memory_space<hbm>>) offsets(%arg7 : memref<16xi32, #tpu.memory_space<vmem>>) semaphore(%arg28 : memref<!tpu.dma_semaphore, #tpu.memory_space<semaphore_mem>>)
    %dma_wait3A_483 = arith.constant 0 : i32
    %dma_wait3A_484 = arith.constant 0 : i32
    %dma_wait3A_485 = tpu.memref_slice %arg5[%dma_wait3A_483, %dma_wait3A_484] : memref<8200x1024xf32, #tpu.memory_space<hbm>> -> memref<8200x1024xf32, #tpu.memory_space<hbm>>
    tpu.wait_indirect_dma semaphore(%arg27 : memref<!tpu.dma_semaphore, #tpu.memory_space<semaphore_mem>>) src(%arg12 : memref<16x1024xf32, #tpu.memory_space<vmem>>) dst(%dma_wait3A_485 : memref<8200x1024xf32, #tpu.memory_space<hbm>>)
    %add3A_486 = arith.constant 96 : i32
    %add3A_487 = arith.addi %mul3A_2, %add3A_486 : i32
    %add3A_488 = arith.constant 0 : i32
    %add3A_489 = arith.addi %add3A_487, %add3A_488 : i32
    %add3A_490 = vector.broadcast %add3A_489 : i32 to vector<16xi32>
    %add3A_491 = arith.addi %add3A_490, %iota3A : vector<16xi32>
    %broadcast_in_dim3A_492 = arith.constant 0 : i32
    %broadcast_in_dim3A_493 = vector.broadcast %broadcast_in_dim3A_492 : i32 to vector<16xi32>
    %ge3A_494 = arith.cmpi sge, %add3A_491, %gather3A_40 : vector<16xi32>
    %jit3A_495 = arith.constant 1 : i32
    %jit3A_496 = arith.constant 0 : i32
    %broadcast_in_dim3A_497 = vector.broadcast %jit3A_495 : i32 to vector<16xi32>
    %broadcast_in_dim3A_498 = vector.broadcast %jit3A_496 : i32 to vector<16xi32>
    %select_n3A_499 = arith.select %ge3A_494, %broadcast_in_dim3A_497, %broadcast_in_dim3A_498 : vector<16xi1>, vector<16xi32>
    %add3A_500 = arith.addi %broadcast_in_dim3A_493, %select_n3A_499 : vector<16xi32>
    %ge3A_501 = arith.cmpi sge, %add3A_491, %gather3A_45 : vector<16xi32>
    %jit3A_502 = arith.constant 1 : i32
    %jit3A_503 = arith.constant 0 : i32
    %broadcast_in_dim3A_504 = vector.broadcast %jit3A_502 : i32 to vector<16xi32>
    %broadcast_in_dim3A_505 = vector.broadcast %jit3A_503 : i32 to vector<16xi32>
    %select_n3A_506 = arith.select %ge3A_501, %broadcast_in_dim3A_504, %broadcast_in_dim3A_505 : vector<16xi1>, vector<16xi32>
    %add3A_507 = arith.addi %add3A_500, %select_n3A_506 : vector<16xi32>
    %ge3A_508 = arith.cmpi sge, %add3A_491, %gather3A_50 : vector<16xi32>
    %jit3A_509 = arith.constant 1 : i32
    %jit3A_510 = arith.constant 0 : i32
    %broadcast_in_dim3A_511 = vector.broadcast %jit3A_509 : i32 to vector<16xi32>
    %broadcast_in_dim3A_512 = vector.broadcast %jit3A_510 : i32 to vector<16xi32>
    %select_n3A_513 = arith.select %ge3A_508, %broadcast_in_dim3A_511, %broadcast_in_dim3A_512 : vector<16xi1>, vector<16xi32>
    %add3A_514 = arith.addi %add3A_507, %select_n3A_513 : vector<16xi32>
    %ge3A_515 = arith.cmpi sge, %add3A_491, %gather3A_55 : vector<16xi32>
    %jit3A_516 = arith.constant 1 : i32
    %jit3A_517 = arith.constant 0 : i32
    %broadcast_in_dim3A_518 = vector.broadcast %jit3A_516 : i32 to vector<16xi32>
    %broadcast_in_dim3A_519 = vector.broadcast %jit3A_517 : i32 to vector<16xi32>
    %select_n3A_520 = arith.select %ge3A_515, %broadcast_in_dim3A_518, %broadcast_in_dim3A_519 : vector<16xi1>, vector<16xi32>
    %add3A_521 = arith.addi %add3A_514, %select_n3A_520 : vector<16xi32>
    %ge3A_522 = arith.cmpi sge, %add3A_491, %gather3A_60 : vector<16xi32>
    %jit3A_523 = arith.constant 1 : i32
    %jit3A_524 = arith.constant 0 : i32
    %broadcast_in_dim3A_525 = vector.broadcast %jit3A_523 : i32 to vector<16xi32>
    %broadcast_in_dim3A_526 = vector.broadcast %jit3A_524 : i32 to vector<16xi32>
    %select_n3A_527 = arith.select %ge3A_522, %broadcast_in_dim3A_525, %broadcast_in_dim3A_526 : vector<16xi1>, vector<16xi32>
    %add3A_528 = arith.addi %add3A_521, %select_n3A_527 : vector<16xi32>
    %ge3A_529 = arith.cmpi sge, %add3A_491, %gather3A_65 : vector<16xi32>
    %jit3A_530 = arith.constant 1 : i32
    %jit3A_531 = arith.constant 0 : i32
    %broadcast_in_dim3A_532 = vector.broadcast %jit3A_530 : i32 to vector<16xi32>
    %broadcast_in_dim3A_533 = vector.broadcast %jit3A_531 : i32 to vector<16xi32>
    %select_n3A_534 = arith.select %ge3A_529, %broadcast_in_dim3A_532, %broadcast_in_dim3A_533 : vector<16xi1>, vector<16xi32>
    %add3A_535 = arith.addi %add3A_528, %select_n3A_534 : vector<16xi32>
    %ge3A_536 = arith.cmpi sge, %add3A_491, %gather3A_70 : vector<16xi32>
    %jit3A_537 = arith.constant 1 : i32
    %jit3A_538 = arith.constant 0 : i32
    %broadcast_in_dim3A_539 = vector.broadcast %jit3A_537 : i32 to vector<16xi32>
    %broadcast_in_dim3A_540 = vector.broadcast %jit3A_538 : i32 to vector<16xi32>
    %select_n3A_541 = arith.select %ge3A_536, %broadcast_in_dim3A_539, %broadcast_in_dim3A_540 : vector<16xi1>, vector<16xi32>
    %add3A_542 = arith.addi %add3A_535, %select_n3A_541 : vector<16xi32>
    %add3A_543 = arith.addi %add3A_491, %add3A_542 : vector<16xi32>
    %add3A_544 = arith.constant 1 : i32
    %add3A_545 = vector.broadcast %add3A_544 : i32 to vector<16xi32>
    %add3A_546 = arith.addi %add3A_543, %add3A_545 : vector<16xi32>
    %swap3A_547 = arith.constant 0 : index
    %swap3A_548 = tpu.vector_load %arg6[%swap3A_547] {strides = array<i32>} : memref<16xi32, #tpu.memory_space<vmem>>, vector<16xi32>,
    %swap3A_549 = vector.shape_cast %swap3A_548 : vector<16xi32> to vector<16xi32>
    %swap3A_550 = vector.shape_cast %add3A_546 : vector<16xi32> to vector<16xi32>
    tpu.vector_store %arg6[%swap3A_547], %swap3A_550 {strides = array<i32>} : memref<16xi32, #tpu.memory_space<vmem>>, vector<16xi32>,
    %add3A_551 = arith.constant 96 : i32
    %add3A_552 = arith.addi %mul3A_2, %add3A_551 : i32
    %multiple_of3A_553 = tpu.assume_multiple %add3A_552, 8 : i32
    %dma_start3A_554 = arith.constant 0 : i32
    %dma_start3A_555 = tpu.memref_slice %arg2[%multiple_of3A_553, %dma_start3A_554] : memref<8192x1024xf32, #tpu.memory_space<hbm>> -> memref<16x1024xf32, #tpu.memory_space<hbm>>
    %dma_start3A_556 = arith.constant 0 : i32
    %dma_start3A_557 = tpu.memref_slice %arg2[%multiple_of3A_553, %dma_start3A_556] : memref<8192x1024xf32, #tpu.memory_space<hbm>> -> memref<16x1024xf32, #tpu.memory_space<hbm>>
    tpu.enqueue_dma source(%dma_start3A_557 : memref<16x1024xf32, #tpu.memory_space<hbm>>) target(%arg12 : memref<16x1024xf32, #tpu.memory_space<vmem>>) target_semaphore(%arg21 : memref<!tpu.dma_semaphore, #tpu.memory_space<semaphore_mem>>)
    %add3A_558 = arith.constant 32 : i32
    %add3A_559 = arith.addi %mul3A_2, %add3A_558 : i32
    %multiple_of3A_560 = tpu.assume_multiple %add3A_559, 8 : i32
    %dma_wait3A_561 = arith.constant 0 : i32
    %dma_wait3A_562 = tpu.memref_slice %arg2[%multiple_of3A_560, %dma_wait3A_561] : memref<8192x1024xf32, #tpu.memory_space<hbm>> -> memref<16x1024xf32, #tpu.memory_space<hbm>>
    %dma_wait3A_563 = arith.constant 0 : i32
    %dma_wait3A_564 = tpu.memref_slice %arg2[%multiple_of3A_560, %dma_wait3A_563] : memref<8192x1024xf32, #tpu.memory_space<hbm>> -> memref<16x1024xf32, #tpu.memory_space<hbm>>
    tpu.wait_dma2 semaphore(%arg23 : memref<!tpu.dma_semaphore, #tpu.memory_space<semaphore_mem>>) src(%dma_wait3A_564 : memref<16x1024xf32, #tpu.memory_space<hbm>>) dst(%arg14 : memref<16x1024xf32, #tpu.memory_space<vmem>>)
    %dma_start3A_565 = arith.constant 0 : i32
    %dma_start3A_566 = arith.constant 0 : i32
    %dma_start3A_567 = tpu.memref_slice %arg5[%dma_start3A_565, %dma_start3A_566] : memref<8200x1024xf32, #tpu.memory_space<hbm>> -> memref<8200x1024xf32, #tpu.memory_space<hbm>>
    tpu.enqueue_indirect_dma source(%arg14 : memref<16x1024xf32, #tpu.memory_space<vmem>>) target(%dma_start3A_567 : memref<8200x1024xf32, #tpu.memory_space<hbm>>) offsets(%arg8 : memref<16xi32, #tpu.memory_space<vmem>>) semaphore(%arg29 : memref<!tpu.dma_semaphore, #tpu.memory_space<semaphore_mem>>)
    %dma_wait3A_568 = arith.constant 0 : i32
    %dma_wait3A_569 = arith.constant 0 : i32
    %dma_wait3A_570 = tpu.memref_slice %arg5[%dma_wait3A_568, %dma_wait3A_569] : memref<8200x1024xf32, #tpu.memory_space<hbm>> -> memref<8200x1024xf32, #tpu.memory_space<hbm>>
    tpu.wait_indirect_dma semaphore(%arg28 : memref<!tpu.dma_semaphore, #tpu.memory_space<semaphore_mem>>) src(%arg13 : memref<16x1024xf32, #tpu.memory_space<vmem>>) dst(%dma_wait3A_570 : memref<8200x1024xf32, #tpu.memory_space<hbm>>)
    %add3A_571 = arith.constant 112 : i32
    %add3A_572 = arith.addi %mul3A_2, %add3A_571 : i32
    %add3A_573 = arith.constant 0 : i32
    %add3A_574 = arith.addi %add3A_572, %add3A_573 : i32
    %add3A_575 = vector.broadcast %add3A_574 : i32 to vector<16xi32>
    %add3A_576 = arith.addi %add3A_575, %iota3A : vector<16xi32>
    %broadcast_in_dim3A_577 = arith.constant 0 : i32
    %broadcast_in_dim3A_578 = vector.broadcast %broadcast_in_dim3A_577 : i32 to vector<16xi32>
    %ge3A_579 = arith.cmpi sge, %add3A_576, %gather3A_40 : vector<16xi32>
    %jit3A_580 = arith.constant 1 : i32
    %jit3A_581 = arith.constant 0 : i32
    %broadcast_in_dim3A_582 = vector.broadcast %jit3A_580 : i32 to vector<16xi32>
    %broadcast_in_dim3A_583 = vector.broadcast %jit3A_581 : i32 to vector<16xi32>
    %select_n3A_584 = arith.select %ge3A_579, %broadcast_in_dim3A_582, %broadcast_in_dim3A_583 : vector<16xi1>, vector<16xi32>
    %add3A_585 = arith.addi %broadcast_in_dim3A_578, %select_n3A_584 : vector<16xi32>
    %ge3A_586 = arith.cmpi sge, %add3A_576, %gather3A_45 : vector<16xi32>
    %jit3A_587 = arith.constant 1 : i32
    %jit3A_588 = arith.constant 0 : i32
    %broadcast_in_dim3A_589 = vector.broadcast %jit3A_587 : i32 to vector<16xi32>
    %broadcast_in_dim3A_590 = vector.broadcast %jit3A_588 : i32 to vector<16xi32>
    %select_n3A_591 = arith.select %ge3A_586, %broadcast_in_dim3A_589, %broadcast_in_dim3A_590 : vector<16xi1>, vector<16xi32>
    %add3A_592 = arith.addi %add3A_585, %select_n3A_591 : vector<16xi32>
    %ge3A_593 = arith.cmpi sge, %add3A_576, %gather3A_50 : vector<16xi32>
    %jit3A_594 = arith.constant 1 : i32
    %jit3A_595 = arith.constant 0 : i32
    %broadcast_in_dim3A_596 = vector.broadcast %jit3A_594 : i32 to vector<16xi32>
    %broadcast_in_dim3A_597 = vector.broadcast %jit3A_595 : i32 to vector<16xi32>
    %select_n3A_598 = arith.select %ge3A_593, %broadcast_in_dim3A_596, %broadcast_in_dim3A_597 : vector<16xi1>, vector<16xi32>
    %add3A_599 = arith.addi %add3A_592, %select_n3A_598 : vector<16xi32>
    %ge3A_600 = arith.cmpi sge, %add3A_576, %gather3A_55 : vector<16xi32>
    %jit3A_601 = arith.constant 1 : i32
    %jit3A_602 = arith.constant 0 : i32
    %broadcast_in_dim3A_603 = vector.broadcast %jit3A_601 : i32 to vector<16xi32>
    %broadcast_in_dim3A_604 = vector.broadcast %jit3A_602 : i32 to vector<16xi32>
    %select_n3A_605 = arith.select %ge3A_600, %broadcast_in_dim3A_603, %broadcast_in_dim3A_604 : vector<16xi1>, vector<16xi32>
    %add3A_606 = arith.addi %add3A_599, %select_n3A_605 : vector<16xi32>
    %ge3A_607 = arith.cmpi sge, %add3A_576, %gather3A_60 : vector<16xi32>
    %jit3A_608 = arith.constant 1 : i32
    %jit3A_609 = arith.constant 0 : i32
    %broadcast_in_dim3A_610 = vector.broadcast %jit3A_608 : i32 to vector<16xi32>
    %broadcast_in_dim3A_611 = vector.broadcast %jit3A_609 : i32 to vector<16xi32>
    %select_n3A_612 = arith.select %ge3A_607, %broadcast_in_dim3A_610, %broadcast_in_dim3A_611 : vector<16xi1>, vector<16xi32>
    %add3A_613 = arith.addi %add3A_606, %select_n3A_612 : vector<16xi32>
    %ge3A_614 = arith.cmpi sge, %add3A_576, %gather3A_65 : vector<16xi32>
    %jit3A_615 = arith.constant 1 : i32
    %jit3A_616 = arith.constant 0 : i32
    %broadcast_in_dim3A_617 = vector.broadcast %jit3A_615 : i32 to vector<16xi32>
    %broadcast_in_dim3A_618 = vector.broadcast %jit3A_616 : i32 to vector<16xi32>
    %select_n3A_619 = arith.select %ge3A_614, %broadcast_in_dim3A_617, %broadcast_in_dim3A_618 : vector<16xi1>, vector<16xi32>
    %add3A_620 = arith.addi %add3A_613, %select_n3A_619 : vector<16xi32>
    %ge3A_621 = arith.cmpi sge, %add3A_576, %gather3A_70 : vector<16xi32>
    %jit3A_622 = arith.constant 1 : i32
    %jit3A_623 = arith.constant 0 : i32
    %broadcast_in_dim3A_624 = vector.broadcast %jit3A_622 : i32 to vector<16xi32>
    %broadcast_in_dim3A_625 = vector.broadcast %jit3A_623 : i32 to vector<16xi32>
    %select_n3A_626 = arith.select %ge3A_621, %broadcast_in_dim3A_624, %broadcast_in_dim3A_625 : vector<16xi1>, vector<16xi32>
    %add3A_627 = arith.addi %add3A_620, %select_n3A_626 : vector<16xi32>
    %add3A_628 = arith.addi %add3A_576, %add3A_627 : vector<16xi32>
    %add3A_629 = arith.constant 1 : i32
    %add3A_630 = vector.broadcast %add3A_629 : i32 to vector<16xi32>
    %add3A_631 = arith.addi %add3A_628, %add3A_630 : vector<16xi32>
    %swap3A_632 = arith.constant 0 : index
    %swap3A_633 = tpu.vector_load %arg7[%swap3A_632] {strides = array<i32>} : memref<16xi32, #tpu.memory_space<vmem>>, vector<16xi32>,
    %swap3A_634 = vector.shape_cast %swap3A_633 : vector<16xi32> to vector<16xi32>
    %swap3A_635 = vector.shape_cast %add3A_631 : vector<16xi32> to vector<16xi32>
    tpu.vector_store %arg7[%swap3A_632], %swap3A_635 {strides = array<i32>} : memref<16xi32, #tpu.memory_space<vmem>>, vector<16xi32>,
    %add3A_636 = arith.constant 112 : i32
    %add3A_637 = arith.addi %mul3A_2, %add3A_636 : i32
    %multiple_of3A_638 = tpu.assume_multiple %add3A_637, 8 : i32
    %dma_start3A_639 = arith.constant 0 : i32
    %dma_start3A_640 = tpu.memref_slice %arg2[%multiple_of3A_638, %dma_start3A_639] : memref<8192x1024xf32, #tpu.memory_space<hbm>> -> memref<16x1024xf32, #tpu.memory_space<hbm>>
    %dma_start3A_641 = arith.constant 0 : i32
    %dma_start3A_642 = tpu.memref_slice %arg2[%multiple_of3A_638, %dma_start3A_641] : memref<8192x1024xf32, #tpu.memory_space<hbm>> -> memref<16x1024xf32, #tpu.memory_space<hbm>>
    tpu.enqueue_dma source(%dma_start3A_642 : memref<16x1024xf32, #tpu.memory_space<hbm>>) target(%arg13 : memref<16x1024xf32, #tpu.memory_space<vmem>>) target_semaphore(%arg22 : memref<!tpu.dma_semaphore, #tpu.memory_space<semaphore_mem>>)
    %add3A_643 = arith.constant 48 : i32
    %add3A_644 = arith.addi %mul3A_2, %add3A_643 : i32
    %multiple_of3A_645 = tpu.assume_multiple %add3A_644, 8 : i32
    %dma_wait3A_646 = arith.constant 0 : i32
    %dma_wait3A_647 = tpu.memref_slice %arg2[%multiple_of3A_645, %dma_wait3A_646] : memref<8192x1024xf32, #tpu.memory_space<hbm>> -> memref<16x1024xf32, #tpu.memory_space<hbm>>
    %dma_wait3A_648 = arith.constant 0 : i32
    %dma_wait3A_649 = tpu.memref_slice %arg2[%multiple_of3A_645, %dma_wait3A_648] : memref<8192x1024xf32, #tpu.memory_space<hbm>> -> memref<16x1024xf32, #tpu.memory_space<hbm>>
    tpu.wait_dma2 semaphore(%arg24 : memref<!tpu.dma_semaphore, #tpu.memory_space<semaphore_mem>>) src(%dma_wait3A_649 : memref<16x1024xf32, #tpu.memory_space<hbm>>) dst(%arg15 : memref<16x1024xf32, #tpu.memory_space<vmem>>)
    %dma_start3A_650 = arith.constant 0 : i32
    %dma_start3A_651 = arith.constant 0 : i32
    %dma_start3A_652 = tpu.memref_slice %arg5[%dma_start3A_650, %dma_start3A_651] : memref<8200x1024xf32, #tpu.memory_space<hbm>> -> memref<8200x1024xf32, #tpu.memory_space<hbm>>
    tpu.enqueue_indirect_dma source(%arg15 : memref<16x1024xf32, #tpu.memory_space<vmem>>) target(%dma_start3A_652 : memref<8200x1024xf32, #tpu.memory_space<hbm>>) offsets(%arg9 : memref<16xi32, #tpu.memory_space<vmem>>) semaphore(%arg30 : memref<!tpu.dma_semaphore, #tpu.memory_space<semaphore_mem>>)
    %dma_wait3A_653 = arith.constant 0 : i32
    %dma_wait3A_654 = arith.constant 0 : i32
    %dma_wait3A_655 = tpu.memref_slice %arg5[%dma_wait3A_653, %dma_wait3A_654] : memref<8200x1024xf32, #tpu.memory_space<hbm>> -> memref<8200x1024xf32, #tpu.memory_space<hbm>>
    tpu.wait_indirect_dma semaphore(%arg29 : memref<!tpu.dma_semaphore, #tpu.memory_space<semaphore_mem>>) src(%arg14 : memref<16x1024xf32, #tpu.memory_space<vmem>>) dst(%dma_wait3A_655 : memref<8200x1024xf32, #tpu.memory_space<hbm>>)
    %add3A_656 = arith.constant 128 : i32
    %add3A_657 = arith.addi %mul3A_2, %add3A_656 : i32
    %add3A_658 = arith.constant 0 : i32
    %add3A_659 = arith.addi %add3A_657, %add3A_658 : i32
    %add3A_660 = vector.broadcast %add3A_659 : i32 to vector<16xi32>
    %add3A_661 = arith.addi %add3A_660, %iota3A : vector<16xi32>
    %broadcast_in_dim3A_662 = arith.constant 0 : i32
    %broadcast_in_dim3A_663 = vector.broadcast %broadcast_in_dim3A_662 : i32 to vector<16xi32>
    %ge3A_664 = arith.cmpi sge, %add3A_661, %gather3A_40 : vector<16xi32>
    %jit3A_665 = arith.constant 1 : i32
    %jit3A_666 = arith.constant 0 : i32
    %broadcast_in_dim3A_667 = vector.broadcast %jit3A_665 : i32 to vector<16xi32>
    %broadcast_in_dim3A_668 = vector.broadcast %jit3A_666 : i32 to vector<16xi32>
    %select_n3A_669 = arith.select %ge3A_664, %broadcast_in_dim3A_667, %broadcast_in_dim3A_668 : vector<16xi1>, vector<16xi32>
    %add3A_670 = arith.addi %broadcast_in_dim3A_663, %select_n3A_669 : vector<16xi32>
    %ge3A_671 = arith.cmpi sge, %add3A_661, %gather3A_45 : vector<16xi32>
    %jit3A_672 = arith.constant 1 : i32
    %jit3A_673 = arith.constant 0 : i32
    %broadcast_in_dim3A_674 = vector.broadcast %jit3A_672 : i32 to vector<16xi32>
    %broadcast_in_dim3A_675 = vector.broadcast %jit3A_673 : i32 to vector<16xi32>
    %select_n3A_676 = arith.select %ge3A_671, %broadcast_in_dim3A_674, %broadcast_in_dim3A_675 : vector<16xi1>, vector<16xi32>
    %add3A_677 = arith.addi %add3A_670, %select_n3A_676 : vector<16xi32>
    %ge3A_678 = arith.cmpi sge, %add3A_661, %gather3A_50 : vector<16xi32>
    %jit3A_679 = arith.constant 1 : i32
    %jit3A_680 = arith.constant 0 : i32
    %broadcast_in_dim3A_681 = vector.broadcast %jit3A_679 : i32 to vector<16xi32>
    %broadcast_in_dim3A_682 = vector.broadcast %jit3A_680 : i32 to vector<16xi32>
    %select_n3A_683 = arith.select %ge3A_678, %broadcast_in_dim3A_681, %broadcast_in_dim3A_682 : vector<16xi1>, vector<16xi32>
    %add3A_684 = arith.addi %add3A_677, %select_n3A_683 : vector<16xi32>
    %ge3A_685 = arith.cmpi sge, %add3A_661, %gather3A_55 : vector<16xi32>
    %jit3A_686 = arith.constant 1 : i32
    %jit3A_687 = arith.constant 0 : i32
    %broadcast_in_dim3A_688 = vector.broadcast %jit3A_686 : i32 to vector<16xi32>
    %broadcast_in_dim3A_689 = vector.broadcast %jit3A_687 : i32 to vector<16xi32>
    %select_n3A_690 = arith.select %ge3A_685, %broadcast_in_dim3A_688, %broadcast_in_dim3A_689 : vector<16xi1>, vector<16xi32>
    %add3A_691 = arith.addi %add3A_684, %select_n3A_690 : vector<16xi32>
    %ge3A_692 = arith.cmpi sge, %add3A_661, %gather3A_60 : vector<16xi32>
    %jit3A_693 = arith.constant 1 : i32
    %jit3A_694 = arith.constant 0 : i32
    %broadcast_in_dim3A_695 = vector.broadcast %jit3A_693 : i32 to vector<16xi32>
    %broadcast_in_dim3A_696 = vector.broadcast %jit3A_694 : i32 to vector<16xi32>
    %select_n3A_697 = arith.select %ge3A_692, %broadcast_in_dim3A_695, %broadcast_in_dim3A_696 : vector<16xi1>, vector<16xi32>
    %add3A_698 = arith.addi %add3A_691, %select_n3A_697 : vector<16xi32>
    %ge3A_699 = arith.cmpi sge, %add3A_661, %gather3A_65 : vector<16xi32>
    %jit3A_700 = arith.constant 1 : i32
    %jit3A_701 = arith.constant 0 : i32
    %broadcast_in_dim3A_702 = vector.broadcast %jit3A_700 : i32 to vector<16xi32>
    %broadcast_in_dim3A_703 = vector.broadcast %jit3A_701 : i32 to vector<16xi32>
    %select_n3A_704 = arith.select %ge3A_699, %broadcast_in_dim3A_702, %broadcast_in_dim3A_703 : vector<16xi1>, vector<16xi32>
    %add3A_705 = arith.addi %add3A_698, %select_n3A_704 : vector<16xi32>
    %ge3A_706 = arith.cmpi sge, %add3A_661, %gather3A_70 : vector<16xi32>
    %jit3A_707 = arith.constant 1 : i32
    %jit3A_708 = arith.constant 0 : i32
    %broadcast_in_dim3A_709 = vector.broadcast %jit3A_707 : i32 to vector<16xi32>
    %broadcast_in_dim3A_710 = vector.broadcast %jit3A_708 : i32 to vector<16xi32>
    %select_n3A_711 = arith.select %ge3A_706, %broadcast_in_dim3A_709, %broadcast_in_dim3A_710 : vector<16xi1>, vector<16xi32>
    %add3A_712 = arith.addi %add3A_705, %select_n3A_711 : vector<16xi32>
    %add3A_713 = arith.addi %add3A_661, %add3A_712 : vector<16xi32>
    %add3A_714 = arith.constant 1 : i32
    %add3A_715 = vector.broadcast %add3A_714 : i32 to vector<16xi32>
    %add3A_716 = arith.addi %add3A_713, %add3A_715 : vector<16xi32>
    %swap3A_717 = arith.constant 0 : index
    %swap3A_718 = tpu.vector_load %arg8[%swap3A_717] {strides = array<i32>} : memref<16xi32, #tpu.memory_space<vmem>>, vector<16xi32>,
    %swap3A_719 = vector.shape_cast %swap3A_718 : vector<16xi32> to vector<16xi32>
    %swap3A_720 = vector.shape_cast %add3A_716 : vector<16xi32> to vector<16xi32>
    tpu.vector_store %arg8[%swap3A_717], %swap3A_720 {strides = array<i32>} : memref<16xi32, #tpu.memory_space<vmem>>, vector<16xi32>,
    %add3A_721 = arith.constant 128 : i32
    %add3A_722 = arith.addi %mul3A_2, %add3A_721 : i32
    %multiple_of3A_723 = tpu.assume_multiple %add3A_722, 8 : i32
    %dma_start3A_724 = arith.constant 0 : i32
    %dma_start3A_725 = tpu.memref_slice %arg2[%multiple_of3A_723, %dma_start3A_724] : memref<8192x1024xf32, #tpu.memory_space<hbm>> -> memref<16x1024xf32, #tpu.memory_space<hbm>>
    %dma_start3A_726 = arith.constant 0 : i32
    %dma_start3A_727 = tpu.memref_slice %arg2[%multiple_of3A_723, %dma_start3A_726] : memref<8192x1024xf32, #tpu.memory_space<hbm>> -> memref<16x1024xf32, #tpu.memory_space<hbm>>
    tpu.enqueue_dma source(%dma_start3A_727 : memref<16x1024xf32, #tpu.memory_space<hbm>>) target(%arg14 : memref<16x1024xf32, #tpu.memory_space<vmem>>) target_semaphore(%arg23 : memref<!tpu.dma_semaphore, #tpu.memory_space<semaphore_mem>>)
    %add3A_728 = arith.constant 64 : i32
    %add3A_729 = arith.addi %mul3A_2, %add3A_728 : i32
    %multiple_of3A_730 = tpu.assume_multiple %add3A_729, 8 : i32
    %dma_wait3A_731 = arith.constant 0 : i32
    %dma_wait3A_732 = tpu.memref_slice %arg2[%multiple_of3A_730, %dma_wait3A_731] : memref<8192x1024xf32, #tpu.memory_space<hbm>> -> memref<16x1024xf32, #tpu.memory_space<hbm>>
    %dma_wait3A_733 = arith.constant 0 : i32
    %dma_wait3A_734 = tpu.memref_slice %arg2[%multiple_of3A_730, %dma_wait3A_733] : memref<8192x1024xf32, #tpu.memory_space<hbm>> -> memref<16x1024xf32, #tpu.memory_space<hbm>>
    tpu.wait_dma2 semaphore(%arg25 : memref<!tpu.dma_semaphore, #tpu.memory_space<semaphore_mem>>) src(%dma_wait3A_734 : memref<16x1024xf32, #tpu.memory_space<hbm>>) dst(%arg16 : memref<16x1024xf32, #tpu.memory_space<vmem>>)
    %dma_start3A_735 = arith.constant 0 : i32
    %dma_start3A_736 = arith.constant 0 : i32
    %dma_start3A_737 = tpu.memref_slice %arg5[%dma_start3A_735, %dma_start3A_736] : memref<8200x1024xf32, #tpu.memory_space<hbm>> -> memref<8200x1024xf32, #tpu.memory_space<hbm>>
    tpu.enqueue_indirect_dma source(%arg16 : memref<16x1024xf32, #tpu.memory_space<vmem>>) target(%dma_start3A_737 : memref<8200x1024xf32, #tpu.memory_space<hbm>>) offsets(%arg10 : memref<16xi32, #tpu.memory_space<vmem>>) semaphore(%arg31 : memref<!tpu.dma_semaphore, #tpu.memory_space<semaphore_mem>>)
    %dma_wait3A_738 = arith.constant 0 : i32
    %dma_wait3A_739 = arith.constant 0 : i32
    %dma_wait3A_740 = tpu.memref_slice %arg5[%dma_wait3A_738, %dma_wait3A_739] : memref<8200x1024xf32, #tpu.memory_space<hbm>> -> memref<8200x1024xf32, #tpu.memory_space<hbm>>
    tpu.wait_indirect_dma semaphore(%arg30 : memref<!tpu.dma_semaphore, #tpu.memory_space<semaphore_mem>>) src(%arg15 : memref<16x1024xf32, #tpu.memory_space<vmem>>) dst(%dma_wait3A_740 : memref<8200x1024xf32, #tpu.memory_space<hbm>>)
    %add3A_741 = arith.constant 144 : i32
    %add3A_742 = arith.addi %mul3A_2, %add3A_741 : i32
    %add3A_743 = arith.constant 0 : i32
    %add3A_744 = arith.addi %add3A_742, %add3A_743 : i32
    %add3A_745 = vector.broadcast %add3A_744 : i32 to vector<16xi32>
    %add3A_746 = arith.addi %add3A_745, %iota3A : vector<16xi32>
    %broadcast_in_dim3A_747 = arith.constant 0 : i32
    %broadcast_in_dim3A_748 = vector.broadcast %broadcast_in_dim3A_747 : i32 to vector<16xi32>
    %ge3A_749 = arith.cmpi sge, %add3A_746, %gather3A_40 : vector<16xi32>
    %jit3A_750 = arith.constant 1 : i32
    %jit3A_751 = arith.constant 0 : i32
    %broadcast_in_dim3A_752 = vector.broadcast %jit3A_750 : i32 to vector<16xi32>
    %broadcast_in_dim3A_753 = vector.broadcast %jit3A_751 : i32 to vector<16xi32>
    %select_n3A_754 = arith.select %ge3A_749, %broadcast_in_dim3A_752, %broadcast_in_dim3A_753 : vector<16xi1>, vector<16xi32>
    %add3A_755 = arith.addi %broadcast_in_dim3A_748, %select_n3A_754 : vector<16xi32>
    %ge3A_756 = arith.cmpi sge, %add3A_746, %gather3A_45 : vector<16xi32>
    %jit3A_757 = arith.constant 1 : i32
    %jit3A_758 = arith.constant 0 : i32
    %broadcast_in_dim3A_759 = vector.broadcast %jit3A_757 : i32 to vector<16xi32>
    %broadcast_in_dim3A_760 = vector.broadcast %jit3A_758 : i32 to vector<16xi32>
    %select_n3A_761 = arith.select %ge3A_756, %broadcast_in_dim3A_759, %broadcast_in_dim3A_760 : vector<16xi1>, vector<16xi32>
    %add3A_762 = arith.addi %add3A_755, %select_n3A_761 : vector<16xi32>
    %ge3A_763 = arith.cmpi sge, %add3A_746, %gather3A_50 : vector<16xi32>
    %jit3A_764 = arith.constant 1 : i32
    %jit3A_765 = arith.constant 0 : i32
    %broadcast_in_dim3A_766 = vector.broadcast %jit3A_764 : i32 to vector<16xi32>
    %broadcast_in_dim3A_767 = vector.broadcast %jit3A_765 : i32 to vector<16xi32>
    %select_n3A_768 = arith.select %ge3A_763, %broadcast_in_dim3A_766, %broadcast_in_dim3A_767 : vector<16xi1>, vector<16xi32>
    %add3A_769 = arith.addi %add3A_762, %select_n3A_768 : vector<16xi32>
    %ge3A_770 = arith.cmpi sge, %add3A_746, %gather3A_55 : vector<16xi32>
    %jit3A_771 = arith.constant 1 : i32
    %jit3A_772 = arith.constant 0 : i32
    %broadcast_in_dim3A_773 = vector.broadcast %jit3A_771 : i32 to vector<16xi32>
    %broadcast_in_dim3A_774 = vector.broadcast %jit3A_772 : i32 to vector<16xi32>
    %select_n3A_775 = arith.select %ge3A_770, %broadcast_in_dim3A_773, %broadcast_in_dim3A_774 : vector<16xi1>, vector<16xi32>
    %add3A_776 = arith.addi %add3A_769, %select_n3A_775 : vector<16xi32>
    %ge3A_777 = arith.cmpi sge, %add3A_746, %gather3A_60 : vector<16xi32>
    %jit3A_778 = arith.constant 1 : i32
    %jit3A_779 = arith.constant 0 : i32
    %broadcast_in_dim3A_780 = vector.broadcast %jit3A_778 : i32 to vector<16xi32>
    %broadcast_in_dim3A_781 = vector.broadcast %jit3A_779 : i32 to vector<16xi32>
    %select_n3A_782 = arith.select %ge3A_777, %broadcast_in_dim3A_780, %broadcast_in_dim3A_781 : vector<16xi1>, vector<16xi32>
    %add3A_783 = arith.addi %add3A_776, %select_n3A_782 : vector<16xi32>
    %ge3A_784 = arith.cmpi sge, %add3A_746, %gather3A_65 : vector<16xi32>
    %jit3A_785 = arith.constant 1 : i32
    %jit3A_786 = arith.constant 0 : i32
    %broadcast_in_dim3A_787 = vector.broadcast %jit3A_785 : i32 to vector<16xi32>
    %broadcast_in_dim3A_788 = vector.broadcast %jit3A_786 : i32 to vector<16xi32>
    %select_n3A_789 = arith.select %ge3A_784, %broadcast_in_dim3A_787, %broadcast_in_dim3A_788 : vector<16xi1>, vector<16xi32>
    %add3A_790 = arith.addi %add3A_783, %select_n3A_789 : vector<16xi32>
    %ge3A_791 = arith.cmpi sge, %add3A_746, %gather3A_70 : vector<16xi32>
    %jit3A_792 = arith.constant 1 : i32
    %jit3A_793 = arith.constant 0 : i32
    %broadcast_in_dim3A_794 = vector.broadcast %jit3A_792 : i32 to vector<16xi32>
    %broadcast_in_dim3A_795 = vector.broadcast %jit3A_793 : i32 to vector<16xi32>
    %select_n3A_796 = arith.select %ge3A_791, %broadcast_in_dim3A_794, %broadcast_in_dim3A_795 : vector<16xi1>, vector<16xi32>
    %add3A_797 = arith.addi %add3A_790, %select_n3A_796 : vector<16xi32>
    %add3A_798 = arith.addi %add3A_746, %add3A_797 : vector<16xi32>
    %add3A_799 = arith.constant 1 : i32
    %add3A_800 = vector.broadcast %add3A_799 : i32 to vector<16xi32>
    %add3A_801 = arith.addi %add3A_798, %add3A_800 : vector<16xi32>
    %swap3A_802 = arith.constant 0 : index
    %swap3A_803 = tpu.vector_load %arg9[%swap3A_802] {strides = array<i32>} : memref<16xi32, #tpu.memory_space<vmem>>, vector<16xi32>,
    %swap3A_804 = vector.shape_cast %swap3A_803 : vector<16xi32> to vector<16xi32>
    %swap3A_805 = vector.shape_cast %add3A_801 : vector<16xi32> to vector<16xi32>
    tpu.vector_store %arg9[%swap3A_802], %swap3A_805 {strides = array<i32>} : memref<16xi32, #tpu.memory_space<vmem>>, vector<16xi32>,
    %add3A_806 = arith.constant 144 : i32
    %add3A_807 = arith.addi %mul3A_2, %add3A_806 : i32
    %multiple_of3A_808 = tpu.assume_multiple %add3A_807, 8 : i32
    %dma_start3A_809 = arith.constant 0 : i32
    %dma_start3A_810 = tpu.memref_slice %arg2[%multiple_of3A_808, %dma_start3A_809] : memref<8192x1024xf32, #tpu.memory_space<hbm>> -> memref<16x1024xf32, #tpu.memory_space<hbm>>
    %dma_start3A_811 = arith.constant 0 : i32
    %dma_start3A_812 = tpu.memref_slice %arg2[%multiple_of3A_808, %dma_start3A_811] : memref<8192x1024xf32, #tpu.memory_space<hbm>> -> memref<16x1024xf32, #tpu.memory_space<hbm>>
    tpu.enqueue_dma source(%dma_start3A_812 : memref<16x1024xf32, #tpu.memory_space<hbm>>) target(%arg15 : memref<16x1024xf32, #tpu.memory_space<vmem>>) target_semaphore(%arg24 : memref<!tpu.dma_semaphore, #tpu.memory_space<semaphore_mem>>)
    %add3A_813 = arith.constant 80 : i32
    %add3A_814 = arith.addi %mul3A_2, %add3A_813 : i32
    %multiple_of3A_815 = tpu.assume_multiple %add3A_814, 8 : i32
    %dma_wait3A_816 = arith.constant 0 : i32
    %dma_wait3A_817 = tpu.memref_slice %arg2[%multiple_of3A_815, %dma_wait3A_816] : memref<8192x1024xf32, #tpu.memory_space<hbm>> -> memref<16x1024xf32, #tpu.memory_space<hbm>>
    %dma_wait3A_818 = arith.constant 0 : i32
    %dma_wait3A_819 = tpu.memref_slice %arg2[%multiple_of3A_815, %dma_wait3A_818] : memref<8192x1024xf32, #tpu.memory_space<hbm>> -> memref<16x1024xf32, #tpu.memory_space<hbm>>
    tpu.wait_dma2 semaphore(%arg26 : memref<!tpu.dma_semaphore, #tpu.memory_space<semaphore_mem>>) src(%dma_wait3A_819 : memref<16x1024xf32, #tpu.memory_space<hbm>>) dst(%arg17 : memref<16x1024xf32, #tpu.memory_space<vmem>>)
    %dma_start3A_820 = arith.constant 0 : i32
    %dma_start3A_821 = arith.constant 0 : i32
    %dma_start3A_822 = tpu.memref_slice %arg5[%dma_start3A_820, %dma_start3A_821] : memref<8200x1024xf32, #tpu.memory_space<hbm>> -> memref<8200x1024xf32, #tpu.memory_space<hbm>>
    tpu.enqueue_indirect_dma source(%arg17 : memref<16x1024xf32, #tpu.memory_space<vmem>>) target(%dma_start3A_822 : memref<8200x1024xf32, #tpu.memory_space<hbm>>) offsets(%arg11 : memref<16xi32, #tpu.memory_space<vmem>>) semaphore(%arg32 : memref<!tpu.dma_semaphore, #tpu.memory_space<semaphore_mem>>)
    %dma_wait3A_823 = arith.constant 0 : i32
    %dma_wait3A_824 = arith.constant 0 : i32
    %dma_wait3A_825 = tpu.memref_slice %arg5[%dma_wait3A_823, %dma_wait3A_824] : memref<8200x1024xf32, #tpu.memory_space<hbm>> -> memref<8200x1024xf32, #tpu.memory_space<hbm>>
    tpu.wait_indirect_dma semaphore(%arg31 : memref<!tpu.dma_semaphore, #tpu.memory_space<semaphore_mem>>) src(%arg16 : memref<16x1024xf32, #tpu.memory_space<vmem>>) dst(%dma_wait3A_825 : memref<8200x1024xf32, #tpu.memory_space<hbm>>)
    %add3A_826 = arith.constant 160 : i32
    %add3A_827 = arith.addi %mul3A_2, %add3A_826 : i32
    %add3A_828 = arith.constant 0 : i32
    %add3A_829 = arith.addi %add3A_827, %add3A_828 : i32
    %add3A_830 = vector.broadcast %add3A_829 : i32 to vector<16xi32>
    %add3A_831 = arith.addi %add3A_830, %iota3A : vector<16xi32>
    %broadcast_in_dim3A_832 = arith.constant 0 : i32
    %broadcast_in_dim3A_833 = vector.broadcast %broadcast_in_dim3A_832 : i32 to vector<16xi32>
    %ge3A_834 = arith.cmpi sge, %add3A_831, %gather3A_40 : vector<16xi32>
    %jit3A_835 = arith.constant 1 : i32
    %jit3A_836 = arith.constant 0 : i32
    %broadcast_in_dim3A_837 = vector.broadcast %jit3A_835 : i32 to vector<16xi32>
    %broadcast_in_dim3A_838 = vector.broadcast %jit3A_836 : i32 to vector<16xi32>
    %select_n3A_839 = arith.select %ge3A_834, %broadcast_in_dim3A_837, %broadcast_in_dim3A_838 : vector<16xi1>, vector<16xi32>
    %add3A_840 = arith.addi %broadcast_in_dim3A_833, %select_n3A_839 : vector<16xi32>
    %ge3A_841 = arith.cmpi sge, %add3A_831, %gather3A_45 : vector<16xi32>
    %jit3A_842 = arith.constant 1 : i32
    %jit3A_843 = arith.constant 0 : i32
    %broadcast_in_dim3A_844 = vector.broadcast %jit3A_842 : i32 to vector<16xi32>
    %broadcast_in_dim3A_845 = vector.broadcast %jit3A_843 : i32 to vector<16xi32>
    %select_n3A_846 = arith.select %ge3A_841, %broadcast_in_dim3A_844, %broadcast_in_dim3A_845 : vector<16xi1>, vector<16xi32>
    %add3A_847 = arith.addi %add3A_840, %select_n3A_846 : vector<16xi32>
    %ge3A_848 = arith.cmpi sge, %add3A_831, %gather3A_50 : vector<16xi32>
    %jit3A_849 = arith.constant 1 : i32
    %jit3A_850 = arith.constant 0 : i32
    %broadcast_in_dim3A_851 = vector.broadcast %jit3A_849 : i32 to vector<16xi32>
    %broadcast_in_dim3A_852 = vector.broadcast %jit3A_850 : i32 to vector<16xi32>
    %select_n3A_853 = arith.select %ge3A_848, %broadcast_in_dim3A_851, %broadcast_in_dim3A_852 : vector<16xi1>, vector<16xi32>
    %add3A_854 = arith.addi %add3A_847, %select_n3A_853 : vector<16xi32>
    %ge3A_855 = arith.cmpi sge, %add3A_831, %gather3A_55 : vector<16xi32>
    %jit3A_856 = arith.constant 1 : i32
    %jit3A_857 = arith.constant 0 : i32
    %broadcast_in_dim3A_858 = vector.broadcast %jit3A_856 : i32 to vector<16xi32>
    %broadcast_in_dim3A_859 = vector.broadcast %jit3A_857 : i32 to vector<16xi32>
    %select_n3A_860 = arith.select %ge3A_855, %broadcast_in_dim3A_858, %broadcast_in_dim3A_859 : vector<16xi1>, vector<16xi32>
    %add3A_861 = arith.addi %add3A_854, %select_n3A_860 : vector<16xi32>
    %ge3A_862 = arith.cmpi sge, %add3A_831, %gather3A_60 : vector<16xi32>
    %jit3A_863 = arith.constant 1 : i32
    %jit3A_864 = arith.constant 0 : i32
    %broadcast_in_dim3A_865 = vector.broadcast %jit3A_863 : i32 to vector<16xi32>
    %broadcast_in_dim3A_866 = vector.broadcast %jit3A_864 : i32 to vector<16xi32>
    %select_n3A_867 = arith.select %ge3A_862, %broadcast_in_dim3A_865, %broadcast_in_dim3A_866 : vector<16xi1>, vector<16xi32>
    %add3A_868 = arith.addi %add3A_861, %select_n3A_867 : vector<16xi32>
    %ge3A_869 = arith.cmpi sge, %add3A_831, %gather3A_65 : vector<16xi32>
    %jit3A_870 = arith.constant 1 : i32
    %jit3A_871 = arith.constant 0 : i32
    %broadcast_in_dim3A_872 = vector.broadcast %jit3A_870 : i32 to vector<16xi32>
    %broadcast_in_dim3A_873 = vector.broadcast %jit3A_871 : i32 to vector<16xi32>
    %select_n3A_874 = arith.select %ge3A_869, %broadcast_in_dim3A_872, %broadcast_in_dim3A_873 : vector<16xi1>, vector<16xi32>
    %add3A_875 = arith.addi %add3A_868, %select_n3A_874 : vector<16xi32>
    %ge3A_876 = arith.cmpi sge, %add3A_831, %gather3A_70 : vector<16xi32>
    %jit3A_877 = arith.constant 1 : i32
    %jit3A_878 = arith.constant 0 : i32
    %broadcast_in_dim3A_879 = vector.broadcast %jit3A_877 : i32 to vector<16xi32>
    %broadcast_in_dim3A_880 = vector.broadcast %jit3A_878 : i32 to vector<16xi32>
    %select_n3A_881 = arith.select %ge3A_876, %broadcast_in_dim3A_879, %broadcast_in_dim3A_880 : vector<16xi1>, vector<16xi32>
    %add3A_882 = arith.addi %add3A_875, %select_n3A_881 : vector<16xi32>
    %add3A_883 = arith.addi %add3A_831, %add3A_882 : vector<16xi32>
    %add3A_884 = arith.constant 1 : i32
    %add3A_885 = vector.broadcast %add3A_884 : i32 to vector<16xi32>
    %add3A_886 = arith.addi %add3A_883, %add3A_885 : vector<16xi32>
    %swap3A_887 = arith.constant 0 : index
    %swap3A_888 = tpu.vector_load %arg10[%swap3A_887] {strides = array<i32>} : memref<16xi32, #tpu.memory_space<vmem>>, vector<16xi32>,
    %swap3A_889 = vector.shape_cast %swap3A_888 : vector<16xi32> to vector<16xi32>
    %swap3A_890 = vector.shape_cast %add3A_886 : vector<16xi32> to vector<16xi32>
    tpu.vector_store %arg10[%swap3A_887], %swap3A_890 {strides = array<i32>} : memref<16xi32, #tpu.memory_space<vmem>>, vector<16xi32>,
    %add3A_891 = arith.constant 160 : i32
    %add3A_892 = arith.addi %mul3A_2, %add3A_891 : i32
    %multiple_of3A_893 = tpu.assume_multiple %add3A_892, 8 : i32
    %dma_start3A_894 = arith.constant 0 : i32
    %dma_start3A_895 = tpu.memref_slice %arg2[%multiple_of3A_893, %dma_start3A_894] : memref<8192x1024xf32, #tpu.memory_space<hbm>> -> memref<16x1024xf32, #tpu.memory_space<hbm>>
    %dma_start3A_896 = arith.constant 0 : i32
    %dma_start3A_897 = tpu.memref_slice %arg2[%multiple_of3A_893, %dma_start3A_896] : memref<8192x1024xf32, #tpu.memory_space<hbm>> -> memref<16x1024xf32, #tpu.memory_space<hbm>>
    tpu.enqueue_dma source(%dma_start3A_897 : memref<16x1024xf32, #tpu.memory_space<hbm>>) target(%arg16 : memref<16x1024xf32, #tpu.memory_space<vmem>>) target_semaphore(%arg25 : memref<!tpu.dma_semaphore, #tpu.memory_space<semaphore_mem>>)
    %add3A_898 = arith.constant 96 : i32
    %add3A_899 = arith.addi %mul3A_2, %add3A_898 : i32
    %multiple_of3A_900 = tpu.assume_multiple %add3A_899, 8 : i32
    %dma_wait3A_901 = arith.constant 0 : i32
    %dma_wait3A_902 = tpu.memref_slice %arg2[%multiple_of3A_900, %dma_wait3A_901] : memref<8192x1024xf32, #tpu.memory_space<hbm>> -> memref<16x1024xf32, #tpu.memory_space<hbm>>
    %dma_wait3A_903 = arith.constant 0 : i32
    %dma_wait3A_904 = tpu.memref_slice %arg2[%multiple_of3A_900, %dma_wait3A_903] : memref<8192x1024xf32, #tpu.memory_space<hbm>> -> memref<16x1024xf32, #tpu.memory_space<hbm>>
    tpu.wait_dma2 semaphore(%arg21 : memref<!tpu.dma_semaphore, #tpu.memory_space<semaphore_mem>>) src(%dma_wait3A_904 : memref<16x1024xf32, #tpu.memory_space<hbm>>) dst(%arg12 : memref<16x1024xf32, #tpu.memory_space<vmem>>)
    %dma_start3A_905 = arith.constant 0 : i32
    %dma_start3A_906 = arith.constant 0 : i32
    %dma_start3A_907 = tpu.memref_slice %arg5[%dma_start3A_905, %dma_start3A_906] : memref<8200x1024xf32, #tpu.memory_space<hbm>> -> memref<8200x1024xf32, #tpu.memory_space<hbm>>
    tpu.enqueue_indirect_dma source(%arg12 : memref<16x1024xf32, #tpu.memory_space<vmem>>) target(%dma_start3A_907 : memref<8200x1024xf32, #tpu.memory_space<hbm>>) offsets(%arg6 : memref<16xi32, #tpu.memory_space<vmem>>) semaphore(%arg27 : memref<!tpu.dma_semaphore, #tpu.memory_space<semaphore_mem>>)
    %dma_wait3A_908 = arith.constant 0 : i32
    %dma_wait3A_909 = arith.constant 0 : i32
    %dma_wait3A_910 = tpu.memref_slice %arg5[%dma_wait3A_908, %dma_wait3A_909] : memref<8200x1024xf32, #tpu.memory_space<hbm>> -> memref<8200x1024xf32, #tpu.memory_space<hbm>>
    tpu.wait_indirect_dma semaphore(%arg32 : memref<!tpu.dma_semaphore, #tpu.memory_space<semaphore_mem>>) src(%arg17 : memref<16x1024xf32, #tpu.memory_space<vmem>>) dst(%dma_wait3A_910 : memref<8200x1024xf32, #tpu.memory_space<hbm>>)
    %add3A_911 = arith.constant 176 : i32
    %add3A_912 = arith.addi %mul3A_2, %add3A_911 : i32
    %add3A_913 = arith.constant 0 : i32
    %add3A_914 = arith.addi %add3A_912, %add3A_913 : i32
    %add3A_915 = vector.broadcast %add3A_914 : i32 to vector<16xi32>
    %add3A_916 = arith.addi %add3A_915, %iota3A : vector<16xi32>
    %broadcast_in_dim3A_917 = arith.constant 0 : i32
    %broadcast_in_dim3A_918 = vector.broadcast %broadcast_in_dim3A_917 : i32 to vector<16xi32>
    %ge3A_919 = arith.cmpi sge, %add3A_916, %gather3A_40 : vector<16xi32>
    %jit3A_920 = arith.constant 1 : i32
    %jit3A_921 = arith.constant 0 : i32
    %broadcast_in_dim3A_922 = vector.broadcast %jit3A_920 : i32 to vector<16xi32>
    %broadcast_in_dim3A_923 = vector.broadcast %jit3A_921 : i32 to vector<16xi32>
    %select_n3A_924 = arith.select %ge3A_919, %broadcast_in_dim3A_922, %broadcast_in_dim3A_923 : vector<16xi1>, vector<16xi32>
    %add3A_925 = arith.addi %broadcast_in_dim3A_918, %select_n3A_924 : vector<16xi32>
    %ge3A_926 = arith.cmpi sge, %add3A_916, %gather3A_45 : vector<16xi32>
    %jit3A_927 = arith.constant 1 : i32
    %jit3A_928 = arith.constant 0 : i32
    %broadcast_in_dim3A_929 = vector.broadcast %jit3A_927 : i32 to vector<16xi32>
    %broadcast_in_dim3A_930 = vector.broadcast %jit3A_928 : i32 to vector<16xi32>
    %select_n3A_931 = arith.select %ge3A_926, %broadcast_in_dim3A_929, %broadcast_in_dim3A_930 : vector<16xi1>, vector<16xi32>
    %add3A_932 = arith.addi %add3A_925, %select_n3A_931 : vector<16xi32>
    %ge3A_933 = arith.cmpi sge, %add3A_916, %gather3A_50 : vector<16xi32>
    %jit3A_934 = arith.constant 1 : i32
    %jit3A_935 = arith.constant 0 : i32
    %broadcast_in_dim3A_936 = vector.broadcast %jit3A_934 : i32 to vector<16xi32>
    %broadcast_in_dim3A_937 = vector.broadcast %jit3A_935 : i32 to vector<16xi32>
    %select_n3A_938 = arith.select %ge3A_933, %broadcast_in_dim3A_936, %broadcast_in_dim3A_937 : vector<16xi1>, vector<16xi32>
    %add3A_939 = arith.addi %add3A_932, %select_n3A_938 : vector<16xi32>
    %ge3A_940 = arith.cmpi sge, %add3A_916, %gather3A_55 : vector<16xi32>
    %jit3A_941 = arith.constant 1 : i32
    %jit3A_942 = arith.constant 0 : i32
    %broadcast_in_dim3A_943 = vector.broadcast %jit3A_941 : i32 to vector<16xi32>
    %broadcast_in_dim3A_944 = vector.broadcast %jit3A_942 : i32 to vector<16xi32>
    %select_n3A_945 = arith.select %ge3A_940, %broadcast_in_dim3A_943, %broadcast_in_dim3A_944 : vector<16xi1>, vector<16xi32>
    %add3A_946 = arith.addi %add3A_939, %select_n3A_945 : vector<16xi32>
    %ge3A_947 = arith.cmpi sge, %add3A_916, %gather3A_60 : vector<16xi32>
    %jit3A_948 = arith.constant 1 : i32
    %jit3A_949 = arith.constant 0 : i32
    %broadcast_in_dim3A_950 = vector.broadcast %jit3A_948 : i32 to vector<16xi32>
    %broadcast_in_dim3A_951 = vector.broadcast %jit3A_949 : i32 to vector<16xi32>
    %select_n3A_952 = arith.select %ge3A_947, %broadcast_in_dim3A_950, %broadcast_in_dim3A_951 : vector<16xi1>, vector<16xi32>
    %add3A_953 = arith.addi %add3A_946, %select_n3A_952 : vector<16xi32>
    %ge3A_954 = arith.cmpi sge, %add3A_916, %gather3A_65 : vector<16xi32>
    %jit3A_955 = arith.constant 1 : i32
    %jit3A_956 = arith.constant 0 : i32
    %broadcast_in_dim3A_957 = vector.broadcast %jit3A_955 : i32 to vector<16xi32>
    %broadcast_in_dim3A_958 = vector.broadcast %jit3A_956 : i32 to vector<16xi32>
    %select_n3A_959 = arith.select %ge3A_954, %broadcast_in_dim3A_957, %broadcast_in_dim3A_958 : vector<16xi1>, vector<16xi32>
    %add3A_960 = arith.addi %add3A_953, %select_n3A_959 : vector<16xi32>
    %ge3A_961 = arith.cmpi sge, %add3A_916, %gather3A_70 : vector<16xi32>
    %jit3A_962 = arith.constant 1 : i32
    %jit3A_963 = arith.constant 0 : i32
    %broadcast_in_dim3A_964 = vector.broadcast %jit3A_962 : i32 to vector<16xi32>
    %broadcast_in_dim3A_965 = vector.broadcast %jit3A_963 : i32 to vector<16xi32>
    %select_n3A_966 = arith.select %ge3A_961, %broadcast_in_dim3A_964, %broadcast_in_dim3A_965 : vector<16xi1>, vector<16xi32>
    %add3A_967 = arith.addi %add3A_960, %select_n3A_966 : vector<16xi32>
    %add3A_968 = arith.addi %add3A_916, %add3A_967 : vector<16xi32>
    %add3A_969 = arith.constant 1 : i32
    %add3A_970 = vector.broadcast %add3A_969 : i32 to vector<16xi32>
    %add3A_971 = arith.addi %add3A_968, %add3A_970 : vector<16xi32>
    %swap3A_972 = arith.constant 0 : index
    %swap3A_973 = tpu.vector_load %arg11[%swap3A_972] {strides = array<i32>} : memref<16xi32, #tpu.memory_space<vmem>>, vector<16xi32>,
    %swap3A_974 = vector.shape_cast %swap3A_973 : vector<16xi32> to vector<16xi32>
    %swap3A_975 = vector.shape_cast %add3A_971 : vector<16xi32> to vector<16xi32>
    tpu.vector_store %arg11[%swap3A_972], %swap3A_975 {strides = array<i32>} : memref<16xi32, #tpu.memory_space<vmem>>, vector<16xi32>,
    %add3A_976 = arith.constant 176 : i32
    %add3A_977 = arith.addi %mul3A_2, %add3A_976 : i32
    %multiple_of3A_978 = tpu.assume_multiple %add3A_977, 8 : i32
    %dma_start3A_979 = arith.constant 0 : i32
    %dma_start3A_980 = tpu.memref_slice %arg2[%multiple_of3A_978, %dma_start3A_979] : memref<8192x1024xf32, #tpu.memory_space<hbm>> -> memref<16x1024xf32, #tpu.memory_space<hbm>>
    %dma_start3A_981 = arith.constant 0 : i32
    %dma_start3A_982 = tpu.memref_slice %arg2[%multiple_of3A_978, %dma_start3A_981] : memref<8192x1024xf32, #tpu.memory_space<hbm>> -> memref<16x1024xf32, #tpu.memory_space<hbm>>
    tpu.enqueue_dma source(%dma_start3A_982 : memref<16x1024xf32, #tpu.memory_space<hbm>>) target(%arg17 : memref<16x1024xf32, #tpu.memory_space<vmem>>) target_semaphore(%arg26 : memref<!tpu.dma_semaphore, #tpu.memory_space<semaphore_mem>>)
    %add3A_983 = arith.constant 112 : i32
    %add3A_984 = arith.addi %mul3A_2, %add3A_983 : i32
    %multiple_of3A_985 = tpu.assume_multiple %add3A_984, 8 : i32
    %dma_wait3A_986 = arith.constant 0 : i32
    %dma_wait3A_987 = tpu.memref_slice %arg2[%multiple_of3A_985, %dma_wait3A_986] : memref<8192x1024xf32, #tpu.memory_space<hbm>> -> memref<16x1024xf32, #tpu.memory_space<hbm>>
    %dma_wait3A_988 = arith.constant 0 : i32
    %dma_wait3A_989 = tpu.memref_slice %arg2[%multiple_of3A_985, %dma_wait3A_988] : memref<8192x1024xf32, #tpu.memory_space<hbm>> -> memref<16x1024xf32, #tpu.memory_space<hbm>>
    tpu.wait_dma2 semaphore(%arg22 : memref<!tpu.dma_semaphore, #tpu.memory_space<semaphore_mem>>) src(%dma_wait3A_989 : memref<16x1024xf32, #tpu.memory_space<hbm>>) dst(%arg13 : memref<16x1024xf32, #tpu.memory_space<vmem>>)
    %dma_start3A_990 = arith.constant 0 : i32
    %dma_start3A_991 = arith.constant 0 : i32
    %dma_start3A_992 = tpu.memref_slice %arg5[%dma_start3A_990, %dma_start3A_991] : memref<8200x1024xf32, #tpu.memory_space<hbm>> -> memref<8200x1024xf32, #tpu.memory_space<hbm>>
    tpu.enqueue_indirect_dma source(%arg13 : memref<16x1024xf32, #tpu.memory_space<vmem>>) target(%dma_start3A_992 : memref<8200x1024xf32, #tpu.memory_space<hbm>>) offsets(%arg7 : memref<16xi32, #tpu.memory_space<vmem>>) semaphore(%arg28 : memref<!tpu.dma_semaphore, #tpu.memory_space<semaphore_mem>>)
    %dma_wait3A_993 = arith.constant 0 : i32
    %dma_wait3A_994 = arith.constant 0 : i32
    %dma_wait3A_995 = tpu.memref_slice %arg5[%dma_wait3A_993, %dma_wait3A_994] : memref<8200x1024xf32, #tpu.memory_space<hbm>> -> memref<8200x1024xf32, #tpu.memory_space<hbm>>
    tpu.wait_indirect_dma semaphore(%arg27 : memref<!tpu.dma_semaphore, #tpu.memory_space<semaphore_mem>>) src(%arg12 : memref<16x1024xf32, #tpu.memory_space<vmem>>) dst(%dma_wait3A_995 : memref<8200x1024xf32, #tpu.memory_space<hbm>>)
    %add3A_996 = arith.constant 192 : i32
    %add3A_997 = arith.addi %mul3A_2, %add3A_996 : i32
    %add3A_998 = arith.constant 0 : i32
    %add3A_999 = arith.addi %add3A_997, %add3A_998 : i32
    %add3A_1000 = vector.broadcast %add3A_999 : i32 to vector<16xi32>
    %add3A_1001 = arith.addi %add3A_1000, %iota3A : vector<16xi32>
    %broadcast_in_dim3A_1002 = arith.constant 0 : i32
    %broadcast_in_dim3A_1003 = vector.broadcast %broadcast_in_dim3A_1002 : i32 to vector<16xi32>
    %ge3A_1004 = arith.cmpi sge, %add3A_1001, %gather3A_40 : vector<16xi32>
    %jit3A_1005 = arith.constant 1 : i32
    %jit3A_1006 = arith.constant 0 : i32
    %broadcast_in_dim3A_1007 = vector.broadcast %jit3A_1005 : i32 to vector<16xi32>
    %broadcast_in_dim3A_1008 = vector.broadcast %jit3A_1006 : i32 to vector<16xi32>
    %select_n3A_1009 = arith.select %ge3A_1004, %broadcast_in_dim3A_1007, %broadcast_in_dim3A_1008 : vector<16xi1>, vector<16xi32>
    %add3A_1010 = arith.addi %broadcast_in_dim3A_1003, %select_n3A_1009 : vector<16xi32>
    %ge3A_1011 = arith.cmpi sge, %add3A_1001, %gather3A_45 : vector<16xi32>
    %jit3A_1012 = arith.constant 1 : i32
    %jit3A_1013 = arith.constant 0 : i32
    %broadcast_in_dim3A_1014 = vector.broadcast %jit3A_1012 : i32 to vector<16xi32>
    %broadcast_in_dim3A_1015 = vector.broadcast %jit3A_1013 : i32 to vector<16xi32>
    %select_n3A_1016 = arith.select %ge3A_1011, %broadcast_in_dim3A_1014, %broadcast_in_dim3A_1015 : vector<16xi1>, vector<16xi32>
    %add3A_1017 = arith.addi %add3A_1010, %select_n3A_1016 : vector<16xi32>
    %ge3A_1018 = arith.cmpi sge, %add3A_1001, %gather3A_50 : vector<16xi32>
    %jit3A_1019 = arith.constant 1 : i32
    %jit3A_1020 = arith.constant 0 : i32
    %broadcast_in_dim3A_1021 = vector.broadcast %jit3A_1019 : i32 to vector<16xi32>
    %broadcast_in_dim3A_1022 = vector.broadcast %jit3A_1020 : i32 to vector<16xi32>
    %select_n3A_1023 = arith.select %ge3A_1018, %broadcast_in_dim3A_1021, %broadcast_in_dim3A_1022 : vector<16xi1>, vector<16xi32>
    %add3A_1024 = arith.addi %add3A_1017, %select_n3A_1023 : vector<16xi32>
    %ge3A_1025 = arith.cmpi sge, %add3A_1001, %gather3A_55 : vector<16xi32>
    %jit3A_1026 = arith.constant 1 : i32
    %jit3A_1027 = arith.constant 0 : i32
    %broadcast_in_dim3A_1028 = vector.broadcast %jit3A_1026 : i32 to vector<16xi32>
    %broadcast_in_dim3A_1029 = vector.broadcast %jit3A_1027 : i32 to vector<16xi32>
    %select_n3A_1030 = arith.select %ge3A_1025, %broadcast_in_dim3A_1028, %broadcast_in_dim3A_1029 : vector<16xi1>, vector<16xi32>
    %add3A_1031 = arith.addi %add3A_1024, %select_n3A_1030 : vector<16xi32>
    %ge3A_1032 = arith.cmpi sge, %add3A_1001, %gather3A_60 : vector<16xi32>
    %jit3A_1033 = arith.constant 1 : i32
    %jit3A_1034 = arith.constant 0 : i32
    %broadcast_in_dim3A_1035 = vector.broadcast %jit3A_1033 : i32 to vector<16xi32>
    %broadcast_in_dim3A_1036 = vector.broadcast %jit3A_1034 : i32 to vector<16xi32>
    %select_n3A_1037 = arith.select %ge3A_1032, %broadcast_in_dim3A_1035, %broadcast_in_dim3A_1036 : vector<16xi1>, vector<16xi32>
    %add3A_1038 = arith.addi %add3A_1031, %select_n3A_1037 : vector<16xi32>
    %ge3A_1039 = arith.cmpi sge, %add3A_1001, %gather3A_65 : vector<16xi32>
    %jit3A_1040 = arith.constant 1 : i32
    %jit3A_1041 = arith.constant 0 : i32
    %broadcast_in_dim3A_1042 = vector.broadcast %jit3A_1040 : i32 to vector<16xi32>
    %broadcast_in_dim3A_1043 = vector.broadcast %jit3A_1041 : i32 to vector<16xi32>
    %select_n3A_1044 = arith.select %ge3A_1039, %broadcast_in_dim3A_1042, %broadcast_in_dim3A_1043 : vector<16xi1>, vector<16xi32>
    %add3A_1045 = arith.addi %add3A_1038, %select_n3A_1044 : vector<16xi32>
    %ge3A_1046 = arith.cmpi sge, %add3A_1001, %gather3A_70 : vector<16xi32>
    %jit3A_1047 = arith.constant 1 : i32
    %jit3A_1048 = arith.constant 0 : i32
    %broadcast_in_dim3A_1049 = vector.broadcast %jit3A_1047 : i32 to vector<16xi32>
    %broadcast_in_dim3A_1050 = vector.broadcast %jit3A_1048 : i32 to vector<16xi32>
    %select_n3A_1051 = arith.select %ge3A_1046, %broadcast_in_dim3A_1049, %broadcast_in_dim3A_1050 : vector<16xi1>, vector<16xi32>
    %add3A_1052 = arith.addi %add3A_1045, %select_n3A_1051 : vector<16xi32>
    %add3A_1053 = arith.addi %add3A_1001, %add3A_1052 : vector<16xi32>
    %add3A_1054 = arith.constant 1 : i32
    %add3A_1055 = vector.broadcast %add3A_1054 : i32 to vector<16xi32>
    %add3A_1056 = arith.addi %add3A_1053, %add3A_1055 : vector<16xi32>
    %swap3A_1057 = arith.constant 0 : index
    %swap3A_1058 = tpu.vector_load %arg6[%swap3A_1057] {strides = array<i32>} : memref<16xi32, #tpu.memory_space<vmem>>, vector<16xi32>,
    %swap3A_1059 = vector.shape_cast %swap3A_1058 : vector<16xi32> to vector<16xi32>
    %swap3A_1060 = vector.shape_cast %add3A_1056 : vector<16xi32> to vector<16xi32>
    tpu.vector_store %arg6[%swap3A_1057], %swap3A_1060 {strides = array<i32>} : memref<16xi32, #tpu.memory_space<vmem>>, vector<16xi32>,
    %add3A_1061 = arith.constant 192 : i32
    %add3A_1062 = arith.addi %mul3A_2, %add3A_1061 : i32
    %multiple_of3A_1063 = tpu.assume_multiple %add3A_1062, 8 : i32
    %dma_start3A_1064 = arith.constant 0 : i32
    %dma_start3A_1065 = tpu.memref_slice %arg2[%multiple_of3A_1063, %dma_start3A_1064] : memref<8192x1024xf32, #tpu.memory_space<hbm>> -> memref<16x1024xf32, #tpu.memory_space<hbm>>
    %dma_start3A_1066 = arith.constant 0 : i32
    %dma_start3A_1067 = tpu.memref_slice %arg2[%multiple_of3A_1063, %dma_start3A_1066] : memref<8192x1024xf32, #tpu.memory_space<hbm>> -> memref<16x1024xf32, #tpu.memory_space<hbm>>
    tpu.enqueue_dma source(%dma_start3A_1067 : memref<16x1024xf32, #tpu.memory_space<hbm>>) target(%arg12 : memref<16x1024xf32, #tpu.memory_space<vmem>>) target_semaphore(%arg21 : memref<!tpu.dma_semaphore, #tpu.memory_space<semaphore_mem>>)
    %add3A_1068 = arith.constant 128 : i32
    %add3A_1069 = arith.addi %mul3A_2, %add3A_1068 : i32
    %multiple_of3A_1070 = tpu.assume_multiple %add3A_1069, 8 : i32
    %dma_wait3A_1071 = arith.constant 0 : i32
    %dma_wait3A_1072 = tpu.memref_slice %arg2[%multiple_of3A_1070, %dma_wait3A_1071] : memref<8192x1024xf32, #tpu.memory_space<hbm>> -> memref<16x1024xf32, #tpu.memory_space<hbm>>
    %dma_wait3A_1073 = arith.constant 0 : i32
    %dma_wait3A_1074 = tpu.memref_slice %arg2[%multiple_of3A_1070, %dma_wait3A_1073] : memref<8192x1024xf32, #tpu.memory_space<hbm>> -> memref<16x1024xf32, #tpu.memory_space<hbm>>
    tpu.wait_dma2 semaphore(%arg23 : memref<!tpu.dma_semaphore, #tpu.memory_space<semaphore_mem>>) src(%dma_wait3A_1074 : memref<16x1024xf32, #tpu.memory_space<hbm>>) dst(%arg14 : memref<16x1024xf32, #tpu.memory_space<vmem>>)
    %dma_start3A_1075 = arith.constant 0 : i32
    %dma_start3A_1076 = arith.constant 0 : i32
    %dma_start3A_1077 = tpu.memref_slice %arg5[%dma_start3A_1075, %dma_start3A_1076] : memref<8200x1024xf32, #tpu.memory_space<hbm>> -> memref<8200x1024xf32, #tpu.memory_space<hbm>>
    tpu.enqueue_indirect_dma source(%arg14 : memref<16x1024xf32, #tpu.memory_space<vmem>>) target(%dma_start3A_1077 : memref<8200x1024xf32, #tpu.memory_space<hbm>>) offsets(%arg8 : memref<16xi32, #tpu.memory_space<vmem>>) semaphore(%arg29 : memref<!tpu.dma_semaphore, #tpu.memory_space<semaphore_mem>>)
    %dma_wait3A_1078 = arith.constant 0 : i32
    %dma_wait3A_1079 = arith.constant 0 : i32
    %dma_wait3A_1080 = tpu.memref_slice %arg5[%dma_wait3A_1078, %dma_wait3A_1079] : memref<8200x1024xf32, #tpu.memory_space<hbm>> -> memref<8200x1024xf32, #tpu.memory_space<hbm>>
    tpu.wait_indirect_dma semaphore(%arg28 : memref<!tpu.dma_semaphore, #tpu.memory_space<semaphore_mem>>) src(%arg13 : memref<16x1024xf32, #tpu.memory_space<vmem>>) dst(%dma_wait3A_1080 : memref<8200x1024xf32, #tpu.memory_space<hbm>>)
    %add3A_1081 = arith.constant 208 : i32
    %add3A_1082 = arith.addi %mul3A_2, %add3A_1081 : i32
    %add3A_1083 = arith.constant 0 : i32
    %add3A_1084 = arith.addi %add3A_1082, %add3A_1083 : i32
    %add3A_1085 = vector.broadcast %add3A_1084 : i32 to vector<16xi32>
    %add3A_1086 = arith.addi %add3A_1085, %iota3A : vector<16xi32>
    %broadcast_in_dim3A_1087 = arith.constant 0 : i32
    %broadcast_in_dim3A_1088 = vector.broadcast %broadcast_in_dim3A_1087 : i32 to vector<16xi32>
    %ge3A_1089 = arith.cmpi sge, %add3A_1086, %gather3A_40 : vector<16xi32>
    %jit3A_1090 = arith.constant 1 : i32
    %jit3A_1091 = arith.constant 0 : i32
    %broadcast_in_dim3A_1092 = vector.broadcast %jit3A_1090 : i32 to vector<16xi32>
    %broadcast_in_dim3A_1093 = vector.broadcast %jit3A_1091 : i32 to vector<16xi32>
    %select_n3A_1094 = arith.select %ge3A_1089, %broadcast_in_dim3A_1092, %broadcast_in_dim3A_1093 : vector<16xi1>, vector<16xi32>
    %add3A_1095 = arith.addi %broadcast_in_dim3A_1088, %select_n3A_1094 : vector<16xi32>
    %ge3A_1096 = arith.cmpi sge, %add3A_1086, %gather3A_45 : vector<16xi32>
    %jit3A_1097 = arith.constant 1 : i32
    %jit3A_1098 = arith.constant 0 : i32
    %broadcast_in_dim3A_1099 = vector.broadcast %jit3A_1097 : i32 to vector<16xi32>
    %broadcast_in_dim3A_1100 = vector.broadcast %jit3A_1098 : i32 to vector<16xi32>
    %select_n3A_1101 = arith.select %ge3A_1096, %broadcast_in_dim3A_1099, %broadcast_in_dim3A_1100 : vector<16xi1>, vector<16xi32>
    %add3A_1102 = arith.addi %add3A_1095, %select_n3A_1101 : vector<16xi32>
    %ge3A_1103 = arith.cmpi sge, %add3A_1086, %gather3A_50 : vector<16xi32>
    %jit3A_1104 = arith.constant 1 : i32
    %jit3A_1105 = arith.constant 0 : i32
    %broadcast_in_dim3A_1106 = vector.broadcast %jit3A_1104 : i32 to vector<16xi32>
    %broadcast_in_dim3A_1107 = vector.broadcast %jit3A_1105 : i32 to vector<16xi32>
    %select_n3A_1108 = arith.select %ge3A_1103, %broadcast_in_dim3A_1106, %broadcast_in_dim3A_1107 : vector<16xi1>, vector<16xi32>
    %add3A_1109 = arith.addi %add3A_1102, %select_n3A_1108 : vector<16xi32>
    %ge3A_1110 = arith.cmpi sge, %add3A_1086, %gather3A_55 : vector<16xi32>
    %jit3A_1111 = arith.constant 1 : i32
    %jit3A_1112 = arith.constant 0 : i32
    %broadcast_in_dim3A_1113 = vector.broadcast %jit3A_1111 : i32 to vector<16xi32>
    %broadcast_in_dim3A_1114 = vector.broadcast %jit3A_1112 : i32 to vector<16xi32>
    %select_n3A_1115 = arith.select %ge3A_1110, %broadcast_in_dim3A_1113, %broadcast_in_dim3A_1114 : vector<16xi1>, vector<16xi32>
    %add3A_1116 = arith.addi %add3A_1109, %select_n3A_1115 : vector<16xi32>
    %ge3A_1117 = arith.cmpi sge, %add3A_1086, %gather3A_60 : vector<16xi32>
    %jit3A_1118 = arith.constant 1 : i32
    %jit3A_1119 = arith.constant 0 : i32
    %broadcast_in_dim3A_1120 = vector.broadcast %jit3A_1118 : i32 to vector<16xi32>
    %broadcast_in_dim3A_1121 = vector.broadcast %jit3A_1119 : i32 to vector<16xi32>
    %select_n3A_1122 = arith.select %ge3A_1117, %broadcast_in_dim3A_1120, %broadcast_in_dim3A_1121 : vector<16xi1>, vector<16xi32>
    %add3A_1123 = arith.addi %add3A_1116, %select_n3A_1122 : vector<16xi32>
    %ge3A_1124 = arith.cmpi sge, %add3A_1086, %gather3A_65 : vector<16xi32>
    %jit3A_1125 = arith.constant 1 : i32
    %jit3A_1126 = arith.constant 0 : i32
    %broadcast_in_dim3A_1127 = vector.broadcast %jit3A_1125 : i32 to vector<16xi32>
    %broadcast_in_dim3A_1128 = vector.broadcast %jit3A_1126 : i32 to vector<16xi32>
    %select_n3A_1129 = arith.select %ge3A_1124, %broadcast_in_dim3A_1127, %broadcast_in_dim3A_1128 : vector<16xi1>, vector<16xi32>
    %add3A_1130 = arith.addi %add3A_1123, %select_n3A_1129 : vector<16xi32>
    %ge3A_1131 = arith.cmpi sge, %add3A_1086, %gather3A_70 : vector<16xi32>
    %jit3A_1132 = arith.constant 1 : i32
    %jit3A_1133 = arith.constant 0 : i32
    %broadcast_in_dim3A_1134 = vector.broadcast %jit3A_1132 : i32 to vector<16xi32>
    %broadcast_in_dim3A_1135 = vector.broadcast %jit3A_1133 : i32 to vector<16xi32>
    %select_n3A_1136 = arith.select %ge3A_1131, %broadcast_in_dim3A_1134, %broadcast_in_dim3A_1135 : vector<16xi1>, vector<16xi32>
    %add3A_1137 = arith.addi %add3A_1130, %select_n3A_1136 : vector<16xi32>
    %add3A_1138 = arith.addi %add3A_1086, %add3A_1137 : vector<16xi32>
    %add3A_1139 = arith.constant 1 : i32
    %add3A_1140 = vector.broadcast %add3A_1139 : i32 to vector<16xi32>
    %add3A_1141 = arith.addi %add3A_1138, %add3A_1140 : vector<16xi32>
    %swap3A_1142 = arith.constant 0 : index
    %swap3A_1143 = tpu.vector_load %arg7[%swap3A_1142] {strides = array<i32>} : memref<16xi32, #tpu.memory_space<vmem>>, vector<16xi32>,
    %swap3A_1144 = vector.shape_cast %swap3A_1143 : vector<16xi32> to vector<16xi32>
    %swap3A_1145 = vector.shape_cast %add3A_1141 : vector<16xi32> to vector<16xi32>
    tpu.vector_store %arg7[%swap3A_1142], %swap3A_1145 {strides = array<i32>} : memref<16xi32, #tpu.memory_space<vmem>>, vector<16xi32>,
    %add3A_1146 = arith.constant 208 : i32
    %add3A_1147 = arith.addi %mul3A_2, %add3A_1146 : i32
    %multiple_of3A_1148 = tpu.assume_multiple %add3A_1147, 8 : i32
    %dma_start3A_1149 = arith.constant 0 : i32
    %dma_start3A_1150 = tpu.memref_slice %arg2[%multiple_of3A_1148, %dma_start3A_1149] : memref<8192x1024xf32, #tpu.memory_space<hbm>> -> memref<16x1024xf32, #tpu.memory_space<hbm>>
    %dma_start3A_1151 = arith.constant 0 : i32
    %dma_start3A_1152 = tpu.memref_slice %arg2[%multiple_of3A_1148, %dma_start3A_1151] : memref<8192x1024xf32, #tpu.memory_space<hbm>> -> memref<16x1024xf32, #tpu.memory_space<hbm>>
    tpu.enqueue_dma source(%dma_start3A_1152 : memref<16x1024xf32, #tpu.memory_space<hbm>>) target(%arg13 : memref<16x1024xf32, #tpu.memory_space<vmem>>) target_semaphore(%arg22 : memref<!tpu.dma_semaphore, #tpu.memory_space<semaphore_mem>>)
    %add3A_1153 = arith.constant 144 : i32
    %add3A_1154 = arith.addi %mul3A_2, %add3A_1153 : i32
    %multiple_of3A_1155 = tpu.assume_multiple %add3A_1154, 8 : i32
    %dma_wait3A_1156 = arith.constant 0 : i32
    %dma_wait3A_1157 = tpu.memref_slice %arg2[%multiple_of3A_1155, %dma_wait3A_1156] : memref<8192x1024xf32, #tpu.memory_space<hbm>> -> memref<16x1024xf32, #tpu.memory_space<hbm>>
    %dma_wait3A_1158 = arith.constant 0 : i32
    %dma_wait3A_1159 = tpu.memref_slice %arg2[%multiple_of3A_1155, %dma_wait3A_1158] : memref<8192x1024xf32, #tpu.memory_space<hbm>> -> memref<16x1024xf32, #tpu.memory_space<hbm>>
    tpu.wait_dma2 semaphore(%arg24 : memref<!tpu.dma_semaphore, #tpu.memory_space<semaphore_mem>>) src(%dma_wait3A_1159 : memref<16x1024xf32, #tpu.memory_space<hbm>>) dst(%arg15 : memref<16x1024xf32, #tpu.memory_space<vmem>>)
    %dma_start3A_1160 = arith.constant 0 : i32
    %dma_start3A_1161 = arith.constant 0 : i32
    %dma_start3A_1162 = tpu.memref_slice %arg5[%dma_start3A_1160, %dma_start3A_1161] : memref<8200x1024xf32, #tpu.memory_space<hbm>> -> memref<8200x1024xf32, #tpu.memory_space<hbm>>
    tpu.enqueue_indirect_dma source(%arg15 : memref<16x1024xf32, #tpu.memory_space<vmem>>) target(%dma_start3A_1162 : memref<8200x1024xf32, #tpu.memory_space<hbm>>) offsets(%arg9 : memref<16xi32, #tpu.memory_space<vmem>>) semaphore(%arg30 : memref<!tpu.dma_semaphore, #tpu.memory_space<semaphore_mem>>)
    %dma_wait3A_1163 = arith.constant 0 : i32
    %dma_wait3A_1164 = arith.constant 0 : i32
    %dma_wait3A_1165 = tpu.memref_slice %arg5[%dma_wait3A_1163, %dma_wait3A_1164] : memref<8200x1024xf32, #tpu.memory_space<hbm>> -> memref<8200x1024xf32, #tpu.memory_space<hbm>>
    tpu.wait_indirect_dma semaphore(%arg29 : memref<!tpu.dma_semaphore, #tpu.memory_space<semaphore_mem>>) src(%arg14 : memref<16x1024xf32, #tpu.memory_space<vmem>>) dst(%dma_wait3A_1165 : memref<8200x1024xf32, #tpu.memory_space<hbm>>)
    %add3A_1166 = arith.constant 224 : i32
    %add3A_1167 = arith.addi %mul3A_2, %add3A_1166 : i32
    %add3A_1168 = arith.constant 0 : i32
    %add3A_1169 = arith.addi %add3A_1167, %add3A_1168 : i32
    %add3A_1170 = vector.broadcast %add3A_1169 : i32 to vector<16xi32>
    %add3A_1171 = arith.addi %add3A_1170, %iota3A : vector<16xi32>
    %broadcast_in_dim3A_1172 = arith.constant 0 : i32
    %broadcast_in_dim3A_1173 = vector.broadcast %broadcast_in_dim3A_1172 : i32 to vector<16xi32>
    %ge3A_1174 = arith.cmpi sge, %add3A_1171, %gather3A_40 : vector<16xi32>
    %jit3A_1175 = arith.constant 1 : i32
    %jit3A_1176 = arith.constant 0 : i32
    %broadcast_in_dim3A_1177 = vector.broadcast %jit3A_1175 : i32 to vector<16xi32>
    %broadcast_in_dim3A_1178 = vector.broadcast %jit3A_1176 : i32 to vector<16xi32>
    %select_n3A_1179 = arith.select %ge3A_1174, %broadcast_in_dim3A_1177, %broadcast_in_dim3A_1178 : vector<16xi1>, vector<16xi32>
    %add3A_1180 = arith.addi %broadcast_in_dim3A_1173, %select_n3A_1179 : vector<16xi32>
    %ge3A_1181 = arith.cmpi sge, %add3A_1171, %gather3A_45 : vector<16xi32>
    %jit3A_1182 = arith.constant 1 : i32
    %jit3A_1183 = arith.constant 0 : i32
    %broadcast_in_dim3A_1184 = vector.broadcast %jit3A_1182 : i32 to vector<16xi32>
    %broadcast_in_dim3A_1185 = vector.broadcast %jit3A_1183 : i32 to vector<16xi32>
    %select_n3A_1186 = arith.select %ge3A_1181, %broadcast_in_dim3A_1184, %broadcast_in_dim3A_1185 : vector<16xi1>, vector<16xi32>
    %add3A_1187 = arith.addi %add3A_1180, %select_n3A_1186 : vector<16xi32>
    %ge3A_1188 = arith.cmpi sge, %add3A_1171, %gather3A_50 : vector<16xi32>
    %jit3A_1189 = arith.constant 1 : i32
    %jit3A_1190 = arith.constant 0 : i32
    %broadcast_in_dim3A_1191 = vector.broadcast %jit3A_1189 : i32 to vector<16xi32>
    %broadcast_in_dim3A_1192 = vector.broadcast %jit3A_1190 : i32 to vector<16xi32>
    %select_n3A_1193 = arith.select %ge3A_1188, %broadcast_in_dim3A_1191, %broadcast_in_dim3A_1192 : vector<16xi1>, vector<16xi32>
    %add3A_1194 = arith.addi %add3A_1187, %select_n3A_1193 : vector<16xi32>
    %ge3A_1195 = arith.cmpi sge, %add3A_1171, %gather3A_55 : vector<16xi32>
    %jit3A_1196 = arith.constant 1 : i32
    %jit3A_1197 = arith.constant 0 : i32
    %broadcast_in_dim3A_1198 = vector.broadcast %jit3A_1196 : i32 to vector<16xi32>
    %broadcast_in_dim3A_1199 = vector.broadcast %jit3A_1197 : i32 to vector<16xi32>
    %select_n3A_1200 = arith.select %ge3A_1195, %broadcast_in_dim3A_1198, %broadcast_in_dim3A_1199 : vector<16xi1>, vector<16xi32>
    %add3A_1201 = arith.addi %add3A_1194, %select_n3A_1200 : vector<16xi32>
    %ge3A_1202 = arith.cmpi sge, %add3A_1171, %gather3A_60 : vector<16xi32>
    %jit3A_1203 = arith.constant 1 : i32
    %jit3A_1204 = arith.constant 0 : i32
    %broadcast_in_dim3A_1205 = vector.broadcast %jit3A_1203 : i32 to vector<16xi32>
    %broadcast_in_dim3A_1206 = vector.broadcast %jit3A_1204 : i32 to vector<16xi32>
    %select_n3A_1207 = arith.select %ge3A_1202, %broadcast_in_dim3A_1205, %broadcast_in_dim3A_1206 : vector<16xi1>, vector<16xi32>
    %add3A_1208 = arith.addi %add3A_1201, %select_n3A_1207 : vector<16xi32>
    %ge3A_1209 = arith.cmpi sge, %add3A_1171, %gather3A_65 : vector<16xi32>
    %jit3A_1210 = arith.constant 1 : i32
    %jit3A_1211 = arith.constant 0 : i32
    %broadcast_in_dim3A_1212 = vector.broadcast %jit3A_1210 : i32 to vector<16xi32>
    %broadcast_in_dim3A_1213 = vector.broadcast %jit3A_1211 : i32 to vector<16xi32>
    %select_n3A_1214 = arith.select %ge3A_1209, %broadcast_in_dim3A_1212, %broadcast_in_dim3A_1213 : vector<16xi1>, vector<16xi32>
    %add3A_1215 = arith.addi %add3A_1208, %select_n3A_1214 : vector<16xi32>
    %ge3A_1216 = arith.cmpi sge, %add3A_1171, %gather3A_70 : vector<16xi32>
    %jit3A_1217 = arith.constant 1 : i32
    %jit3A_1218 = arith.constant 0 : i32
    %broadcast_in_dim3A_1219 = vector.broadcast %jit3A_1217 : i32 to vector<16xi32>
    %broadcast_in_dim3A_1220 = vector.broadcast %jit3A_1218 : i32 to vector<16xi32>
    %select_n3A_1221 = arith.select %ge3A_1216, %broadcast_in_dim3A_1219, %broadcast_in_dim3A_1220 : vector<16xi1>, vector<16xi32>
    %add3A_1222 = arith.addi %add3A_1215, %select_n3A_1221 : vector<16xi32>
    %add3A_1223 = arith.addi %add3A_1171, %add3A_1222 : vector<16xi32>
    %add3A_1224 = arith.constant 1 : i32
    %add3A_1225 = vector.broadcast %add3A_1224 : i32 to vector<16xi32>
    %add3A_1226 = arith.addi %add3A_1223, %add3A_1225 : vector<16xi32>
    %swap3A_1227 = arith.constant 0 : index
    %swap3A_1228 = tpu.vector_load %arg8[%swap3A_1227] {strides = array<i32>} : memref<16xi32, #tpu.memory_space<vmem>>, vector<16xi32>,
    %swap3A_1229 = vector.shape_cast %swap3A_1228 : vector<16xi32> to vector<16xi32>
    %swap3A_1230 = vector.shape_cast %add3A_1226 : vector<16xi32> to vector<16xi32>
    tpu.vector_store %arg8[%swap3A_1227], %swap3A_1230 {strides = array<i32>} : memref<16xi32, #tpu.memory_space<vmem>>, vector<16xi32>,
    %add3A_1231 = arith.constant 224 : i32
    %add3A_1232 = arith.addi %mul3A_2, %add3A_1231 : i32
    %multiple_of3A_1233 = tpu.assume_multiple %add3A_1232, 8 : i32
    %dma_start3A_1234 = arith.constant 0 : i32
    %dma_start3A_1235 = tpu.memref_slice %arg2[%multiple_of3A_1233, %dma_start3A_1234] : memref<8192x1024xf32, #tpu.memory_space<hbm>> -> memref<16x1024xf32, #tpu.memory_space<hbm>>
    %dma_start3A_1236 = arith.constant 0 : i32
    %dma_start3A_1237 = tpu.memref_slice %arg2[%multiple_of3A_1233, %dma_start3A_1236] : memref<8192x1024xf32, #tpu.memory_space<hbm>> -> memref<16x1024xf32, #tpu.memory_space<hbm>>
    tpu.enqueue_dma source(%dma_start3A_1237 : memref<16x1024xf32, #tpu.memory_space<hbm>>) target(%arg14 : memref<16x1024xf32, #tpu.memory_space<vmem>>) target_semaphore(%arg23 : memref<!tpu.dma_semaphore, #tpu.memory_space<semaphore_mem>>)
    %add3A_1238 = arith.constant 160 : i32
    %add3A_1239 = arith.addi %mul3A_2, %add3A_1238 : i32
    %multiple_of3A_1240 = tpu.assume_multiple %add3A_1239, 8 : i32
    %dma_wait3A_1241 = arith.constant 0 : i32
    %dma_wait3A_1242 = tpu.memref_slice %arg2[%multiple_of3A_1240, %dma_wait3A_1241] : memref<8192x1024xf32, #tpu.memory_space<hbm>> -> memref<16x1024xf32, #tpu.memory_space<hbm>>
    %dma_wait3A_1243 = arith.constant 0 : i32
    %dma_wait3A_1244 = tpu.memref_slice %arg2[%multiple_of3A_1240, %dma_wait3A_1243] : memref<8192x1024xf32, #tpu.memory_space<hbm>> -> memref<16x1024xf32, #tpu.memory_space<hbm>>
    tpu.wait_dma2 semaphore(%arg25 : memref<!tpu.dma_semaphore, #tpu.memory_space<semaphore_mem>>) src(%dma_wait3A_1244 : memref<16x1024xf32, #tpu.memory_space<hbm>>) dst(%arg16 : memref<16x1024xf32, #tpu.memory_space<vmem>>)
    %dma_start3A_1245 = arith.constant 0 : i32
    %dma_start3A_1246 = arith.constant 0 : i32
    %dma_start3A_1247 = tpu.memref_slice %arg5[%dma_start3A_1245, %dma_start3A_1246] : memref<8200x1024xf32, #tpu.memory_space<hbm>> -> memref<8200x1024xf32, #tpu.memory_space<hbm>>
    tpu.enqueue_indirect_dma source(%arg16 : memref<16x1024xf32, #tpu.memory_space<vmem>>) target(%dma_start3A_1247 : memref<8200x1024xf32, #tpu.memory_space<hbm>>) offsets(%arg10 : memref<16xi32, #tpu.memory_space<vmem>>) semaphore(%arg31 : memref<!tpu.dma_semaphore, #tpu.memory_space<semaphore_mem>>)
    %dma_wait3A_1248 = arith.constant 0 : i32
    %dma_wait3A_1249 = arith.constant 0 : i32
    %dma_wait3A_1250 = tpu.memref_slice %arg5[%dma_wait3A_1248, %dma_wait3A_1249] : memref<8200x1024xf32, #tpu.memory_space<hbm>> -> memref<8200x1024xf32, #tpu.memory_space<hbm>>
    tpu.wait_indirect_dma semaphore(%arg30 : memref<!tpu.dma_semaphore, #tpu.memory_space<semaphore_mem>>) src(%arg15 : memref<16x1024xf32, #tpu.memory_space<vmem>>) dst(%dma_wait3A_1250 : memref<8200x1024xf32, #tpu.memory_space<hbm>>)
    %add3A_1251 = arith.constant 240 : i32
    %add3A_1252 = arith.addi %mul3A_2, %add3A_1251 : i32
    %add3A_1253 = arith.constant 0 : i32
    %add3A_1254 = arith.addi %add3A_1252, %add3A_1253 : i32
    %add3A_1255 = vector.broadcast %add3A_1254 : i32 to vector<16xi32>
    %add3A_1256 = arith.addi %add3A_1255, %iota3A : vector<16xi32>
    %broadcast_in_dim3A_1257 = arith.constant 0 : i32
    %broadcast_in_dim3A_1258 = vector.broadcast %broadcast_in_dim3A_1257 : i32 to vector<16xi32>
    %ge3A_1259 = arith.cmpi sge, %add3A_1256, %gather3A_40 : vector<16xi32>
    %jit3A_1260 = arith.constant 1 : i32
    %jit3A_1261 = arith.constant 0 : i32
    %broadcast_in_dim3A_1262 = vector.broadcast %jit3A_1260 : i32 to vector<16xi32>
    %broadcast_in_dim3A_1263 = vector.broadcast %jit3A_1261 : i32 to vector<16xi32>
    %select_n3A_1264 = arith.select %ge3A_1259, %broadcast_in_dim3A_1262, %broadcast_in_dim3A_1263 : vector<16xi1>, vector<16xi32>
    %add3A_1265 = arith.addi %broadcast_in_dim3A_1258, %select_n3A_1264 : vector<16xi32>
    %ge3A_1266 = arith.cmpi sge, %add3A_1256, %gather3A_45 : vector<16xi32>
    %jit3A_1267 = arith.constant 1 : i32
    %jit3A_1268 = arith.constant 0 : i32
    %broadcast_in_dim3A_1269 = vector.broadcast %jit3A_1267 : i32 to vector<16xi32>
    %broadcast_in_dim3A_1270 = vector.broadcast %jit3A_1268 : i32 to vector<16xi32>
    %select_n3A_1271 = arith.select %ge3A_1266, %broadcast_in_dim3A_1269, %broadcast_in_dim3A_1270 : vector<16xi1>, vector<16xi32>
    %add3A_1272 = arith.addi %add3A_1265, %select_n3A_1271 : vector<16xi32>
    %ge3A_1273 = arith.cmpi sge, %add3A_1256, %gather3A_50 : vector<16xi32>
    %jit3A_1274 = arith.constant 1 : i32
    %jit3A_1275 = arith.constant 0 : i32
    %broadcast_in_dim3A_1276 = vector.broadcast %jit3A_1274 : i32 to vector<16xi32>
    %broadcast_in_dim3A_1277 = vector.broadcast %jit3A_1275 : i32 to vector<16xi32>
    %select_n3A_1278 = arith.select %ge3A_1273, %broadcast_in_dim3A_1276, %broadcast_in_dim3A_1277 : vector<16xi1>, vector<16xi32>
    %add3A_1279 = arith.addi %add3A_1272, %select_n3A_1278 : vector<16xi32>
    %ge3A_1280 = arith.cmpi sge, %add3A_1256, %gather3A_55 : vector<16xi32>
    %jit3A_1281 = arith.constant 1 : i32
    %jit3A_1282 = arith.constant 0 : i32
    %broadcast_in_dim3A_1283 = vector.broadcast %jit3A_1281 : i32 to vector<16xi32>
    %broadcast_in_dim3A_1284 = vector.broadcast %jit3A_1282 : i32 to vector<16xi32>
    %select_n3A_1285 = arith.select %ge3A_1280, %broadcast_in_dim3A_1283, %broadcast_in_dim3A_1284 : vector<16xi1>, vector<16xi32>
    %add3A_1286 = arith.addi %add3A_1279, %select_n3A_1285 : vector<16xi32>
    %ge3A_1287 = arith.cmpi sge, %add3A_1256, %gather3A_60 : vector<16xi32>
    %jit3A_1288 = arith.constant 1 : i32
    %jit3A_1289 = arith.constant 0 : i32
    %broadcast_in_dim3A_1290 = vector.broadcast %jit3A_1288 : i32 to vector<16xi32>
    %broadcast_in_dim3A_1291 = vector.broadcast %jit3A_1289 : i32 to vector<16xi32>
    %select_n3A_1292 = arith.select %ge3A_1287, %broadcast_in_dim3A_1290, %broadcast_in_dim3A_1291 : vector<16xi1>, vector<16xi32>
    %add3A_1293 = arith.addi %add3A_1286, %select_n3A_1292 : vector<16xi32>
    %ge3A_1294 = arith.cmpi sge, %add3A_1256, %gather3A_65 : vector<16xi32>
    %jit3A_1295 = arith.constant 1 : i32
    %jit3A_1296 = arith.constant 0 : i32
    %broadcast_in_dim3A_1297 = vector.broadcast %jit3A_1295 : i32 to vector<16xi32>
    %broadcast_in_dim3A_1298 = vector.broadcast %jit3A_1296 : i32 to vector<16xi32>
    %select_n3A_1299 = arith.select %ge3A_1294, %broadcast_in_dim3A_1297, %broadcast_in_dim3A_1298 : vector<16xi1>, vector<16xi32>
    %add3A_1300 = arith.addi %add3A_1293, %select_n3A_1299 : vector<16xi32>
    %ge3A_1301 = arith.cmpi sge, %add3A_1256, %gather3A_70 : vector<16xi32>
    %jit3A_1302 = arith.constant 1 : i32
    %jit3A_1303 = arith.constant 0 : i32
    %broadcast_in_dim3A_1304 = vector.broadcast %jit3A_1302 : i32 to vector<16xi32>
    %broadcast_in_dim3A_1305 = vector.broadcast %jit3A_1303 : i32 to vector<16xi32>
    %select_n3A_1306 = arith.select %ge3A_1301, %broadcast_in_dim3A_1304, %broadcast_in_dim3A_1305 : vector<16xi1>, vector<16xi32>
    %add3A_1307 = arith.addi %add3A_1300, %select_n3A_1306 : vector<16xi32>
    %add3A_1308 = arith.addi %add3A_1256, %add3A_1307 : vector<16xi32>
    %add3A_1309 = arith.constant 1 : i32
    %add3A_1310 = vector.broadcast %add3A_1309 : i32 to vector<16xi32>
    %add3A_1311 = arith.addi %add3A_1308, %add3A_1310 : vector<16xi32>
    %swap3A_1312 = arith.constant 0 : index
    %swap3A_1313 = tpu.vector_load %arg9[%swap3A_1312] {strides = array<i32>} : memref<16xi32, #tpu.memory_space<vmem>>, vector<16xi32>,
    %swap3A_1314 = vector.shape_cast %swap3A_1313 : vector<16xi32> to vector<16xi32>
    %swap3A_1315 = vector.shape_cast %add3A_1311 : vector<16xi32> to vector<16xi32>
    tpu.vector_store %arg9[%swap3A_1312], %swap3A_1315 {strides = array<i32>} : memref<16xi32, #tpu.memory_space<vmem>>, vector<16xi32>,
    %add3A_1316 = arith.constant 240 : i32
    %add3A_1317 = arith.addi %mul3A_2, %add3A_1316 : i32
    %multiple_of3A_1318 = tpu.assume_multiple %add3A_1317, 8 : i32
    %dma_start3A_1319 = arith.constant 0 : i32
    %dma_start3A_1320 = tpu.memref_slice %arg2[%multiple_of3A_1318, %dma_start3A_1319] : memref<8192x1024xf32, #tpu.memory_space<hbm>> -> memref<16x1024xf32, #tpu.memory_space<hbm>>
    %dma_start3A_1321 = arith.constant 0 : i32
    %dma_start3A_1322 = tpu.memref_slice %arg2[%multiple_of3A_1318, %dma_start3A_1321] : memref<8192x1024xf32, #tpu.memory_space<hbm>> -> memref<16x1024xf32, #tpu.memory_space<hbm>>
    tpu.enqueue_dma source(%dma_start3A_1322 : memref<16x1024xf32, #tpu.memory_space<hbm>>) target(%arg15 : memref<16x1024xf32, #tpu.memory_space<vmem>>) target_semaphore(%arg24 : memref<!tpu.dma_semaphore, #tpu.memory_space<semaphore_mem>>)
    %add3A_1323 = arith.constant 176 : i32
    %add3A_1324 = arith.addi %mul3A_2, %add3A_1323 : i32
    %multiple_of3A_1325 = tpu.assume_multiple %add3A_1324, 8 : i32
    %dma_wait3A_1326 = arith.constant 0 : i32
    %dma_wait3A_1327 = tpu.memref_slice %arg2[%multiple_of3A_1325, %dma_wait3A_1326] : memref<8192x1024xf32, #tpu.memory_space<hbm>> -> memref<16x1024xf32, #tpu.memory_space<hbm>>
    %dma_wait3A_1328 = arith.constant 0 : i32
    %dma_wait3A_1329 = tpu.memref_slice %arg2[%multiple_of3A_1325, %dma_wait3A_1328] : memref<8192x1024xf32, #tpu.memory_space<hbm>> -> memref<16x1024xf32, #tpu.memory_space<hbm>>
    tpu.wait_dma2 semaphore(%arg26 : memref<!tpu.dma_semaphore, #tpu.memory_space<semaphore_mem>>) src(%dma_wait3A_1329 : memref<16x1024xf32, #tpu.memory_space<hbm>>) dst(%arg17 : memref<16x1024xf32, #tpu.memory_space<vmem>>)
    %dma_start3A_1330 = arith.constant 0 : i32
    %dma_start3A_1331 = arith.constant 0 : i32
    %dma_start3A_1332 = tpu.memref_slice %arg5[%dma_start3A_1330, %dma_start3A_1331] : memref<8200x1024xf32, #tpu.memory_space<hbm>> -> memref<8200x1024xf32, #tpu.memory_space<hbm>>
    tpu.enqueue_indirect_dma source(%arg17 : memref<16x1024xf32, #tpu.memory_space<vmem>>) target(%dma_start3A_1332 : memref<8200x1024xf32, #tpu.memory_space<hbm>>) offsets(%arg11 : memref<16xi32, #tpu.memory_space<vmem>>) semaphore(%arg32 : memref<!tpu.dma_semaphore, #tpu.memory_space<semaphore_mem>>)
    %add3A_1333 = arith.constant 192 : i32
    %add3A_1334 = arith.addi %mul3A_2, %add3A_1333 : i32
    %multiple_of3A_1335 = tpu.assume_multiple %add3A_1334, 8 : i32
    %dma_wait3A_1336 = arith.constant 0 : i32
    %dma_wait3A_1337 = tpu.memref_slice %arg2[%multiple_of3A_1335, %dma_wait3A_1336] : memref<8192x1024xf32, #tpu.memory_space<hbm>> -> memref<16x1024xf32, #tpu.memory_space<hbm>>
    %dma_wait3A_1338 = arith.constant 0 : i32
    %dma_wait3A_1339 = tpu.memref_slice %arg2[%multiple_of3A_1335, %dma_wait3A_1338] : memref<8192x1024xf32, #tpu.memory_space<hbm>> -> memref<16x1024xf32, #tpu.memory_space<hbm>>
    tpu.wait_dma2 semaphore(%arg21 : memref<!tpu.dma_semaphore, #tpu.memory_space<semaphore_mem>>) src(%dma_wait3A_1339 : memref<16x1024xf32, #tpu.memory_space<hbm>>) dst(%arg12 : memref<16x1024xf32, #tpu.memory_space<vmem>>)
    %dma_start3A_1340 = arith.constant 0 : i32
    %dma_start3A_1341 = arith.constant 0 : i32
    %dma_start3A_1342 = tpu.memref_slice %arg5[%dma_start3A_1340, %dma_start3A_1341] : memref<8200x1024xf32, #tpu.memory_space<hbm>> -> memref<8200x1024xf32, #tpu.memory_space<hbm>>
    tpu.enqueue_indirect_dma source(%arg12 : memref<16x1024xf32, #tpu.memory_space<vmem>>) target(%dma_start3A_1342 : memref<8200x1024xf32, #tpu.memory_space<hbm>>) offsets(%arg6 : memref<16xi32, #tpu.memory_space<vmem>>) semaphore(%arg27 : memref<!tpu.dma_semaphore, #tpu.memory_space<semaphore_mem>>)
    %add3A_1343 = arith.constant 208 : i32
    %add3A_1344 = arith.addi %mul3A_2, %add3A_1343 : i32
    %multiple_of3A_1345 = tpu.assume_multiple %add3A_1344, 8 : i32
    %dma_wait3A_1346 = arith.constant 0 : i32
    %dma_wait3A_1347 = tpu.memref_slice %arg2[%multiple_of3A_1345, %dma_wait3A_1346] : memref<8192x1024xf32, #tpu.memory_space<hbm>> -> memref<16x1024xf32, #tpu.memory_space<hbm>>
    %dma_wait3A_1348 = arith.constant 0 : i32
    %dma_wait3A_1349 = tpu.memref_slice %arg2[%multiple_of3A_1345, %dma_wait3A_1348] : memref<8192x1024xf32, #tpu.memory_space<hbm>> -> memref<16x1024xf32, #tpu.memory_space<hbm>>
    tpu.wait_dma2 semaphore(%arg22 : memref<!tpu.dma_semaphore, #tpu.memory_space<semaphore_mem>>) src(%dma_wait3A_1349 : memref<16x1024xf32, #tpu.memory_space<hbm>>) dst(%arg13 : memref<16x1024xf32, #tpu.memory_space<vmem>>)
    %dma_start3A_1350 = arith.constant 0 : i32
    %dma_start3A_1351 = arith.constant 0 : i32
    %dma_start3A_1352 = tpu.memref_slice %arg5[%dma_start3A_1350, %dma_start3A_1351] : memref<8200x1024xf32, #tpu.memory_space<hbm>> -> memref<8200x1024xf32, #tpu.memory_space<hbm>>
    tpu.enqueue_indirect_dma source(%arg13 : memref<16x1024xf32, #tpu.memory_space<vmem>>) target(%dma_start3A_1352 : memref<8200x1024xf32, #tpu.memory_space<hbm>>) offsets(%arg7 : memref<16xi32, #tpu.memory_space<vmem>>) semaphore(%arg28 : memref<!tpu.dma_semaphore, #tpu.memory_space<semaphore_mem>>)
    %add3A_1353 = arith.constant 224 : i32
    %add3A_1354 = arith.addi %mul3A_2, %add3A_1353 : i32
    %multiple_of3A_1355 = tpu.assume_multiple %add3A_1354, 8 : i32
    %dma_wait3A_1356 = arith.constant 0 : i32
    %dma_wait3A_1357 = tpu.memref_slice %arg2[%multiple_of3A_1355, %dma_wait3A_1356] : memref<8192x1024xf32, #tpu.memory_space<hbm>> -> memref<16x1024xf32, #tpu.memory_space<hbm>>
    %dma_wait3A_1358 = arith.constant 0 : i32
    %dma_wait3A_1359 = tpu.memref_slice %arg2[%multiple_of3A_1355, %dma_wait3A_1358] : memref<8192x1024xf32, #tpu.memory_space<hbm>> -> memref<16x1024xf32, #tpu.memory_space<hbm>>
    tpu.wait_dma2 semaphore(%arg23 : memref<!tpu.dma_semaphore, #tpu.memory_space<semaphore_mem>>) src(%dma_wait3A_1359 : memref<16x1024xf32, #tpu.memory_space<hbm>>) dst(%arg14 : memref<16x1024xf32, #tpu.memory_space<vmem>>)
    %dma_start3A_1360 = arith.constant 0 : i32
    %dma_start3A_1361 = arith.constant 0 : i32
    %dma_start3A_1362 = tpu.memref_slice %arg5[%dma_start3A_1360, %dma_start3A_1361] : memref<8200x1024xf32, #tpu.memory_space<hbm>> -> memref<8200x1024xf32, #tpu.memory_space<hbm>>
    tpu.enqueue_indirect_dma source(%arg14 : memref<16x1024xf32, #tpu.memory_space<vmem>>) target(%dma_start3A_1362 : memref<8200x1024xf32, #tpu.memory_space<hbm>>) offsets(%arg8 : memref<16xi32, #tpu.memory_space<vmem>>) semaphore(%arg29 : memref<!tpu.dma_semaphore, #tpu.memory_space<semaphore_mem>>)
    %add3A_1363 = arith.constant 240 : i32
    %add3A_1364 = arith.addi %mul3A_2, %add3A_1363 : i32
    %multiple_of3A_1365 = tpu.assume_multiple %add3A_1364, 8 : i32
    %dma_wait3A_1366 = arith.constant 0 : i32
    %dma_wait3A_1367 = tpu.memref_slice %arg2[%multiple_of3A_1365, %dma_wait3A_1366] : memref<8192x1024xf32, #tpu.memory_space<hbm>> -> memref<16x1024xf32, #tpu.memory_space<hbm>>
    %dma_wait3A_1368 = arith.constant 0 : i32
    %dma_wait3A_1369 = tpu.memref_slice %arg2[%multiple_of3A_1365, %dma_wait3A_1368] : memref<8192x1024xf32, #tpu.memory_space<hbm>> -> memref<16x1024xf32, #tpu.memory_space<hbm>>
    tpu.wait_dma2 semaphore(%arg24 : memref<!tpu.dma_semaphore, #tpu.memory_space<semaphore_mem>>) src(%dma_wait3A_1369 : memref<16x1024xf32, #tpu.memory_space<hbm>>) dst(%arg15 : memref<16x1024xf32, #tpu.memory_space<vmem>>)
    %dma_start3A_1370 = arith.constant 0 : i32
    %dma_start3A_1371 = arith.constant 0 : i32
    %dma_start3A_1372 = tpu.memref_slice %arg5[%dma_start3A_1370, %dma_start3A_1371] : memref<8200x1024xf32, #tpu.memory_space<hbm>> -> memref<8200x1024xf32, #tpu.memory_space<hbm>>
    tpu.enqueue_indirect_dma source(%arg15 : memref<16x1024xf32, #tpu.memory_space<vmem>>) target(%dma_start3A_1372 : memref<8200x1024xf32, #tpu.memory_space<hbm>>) offsets(%arg9 : memref<16xi32, #tpu.memory_space<vmem>>) semaphore(%arg30 : memref<!tpu.dma_semaphore, #tpu.memory_space<semaphore_mem>>)
    %dma_wait3A_1373 = arith.constant 0 : i32
    %dma_wait3A_1374 = arith.constant 0 : i32
    %dma_wait3A_1375 = tpu.memref_slice %arg5[%dma_wait3A_1373, %dma_wait3A_1374] : memref<8200x1024xf32, #tpu.memory_space<hbm>> -> memref<8200x1024xf32, #tpu.memory_space<hbm>>
    tpu.wait_indirect_dma semaphore(%arg31 : memref<!tpu.dma_semaphore, #tpu.memory_space<semaphore_mem>>) src(%arg16 : memref<16x1024xf32, #tpu.memory_space<vmem>>) dst(%dma_wait3A_1375 : memref<8200x1024xf32, #tpu.memory_space<hbm>>)
    %dma_wait3A_1376 = arith.constant 0 : i32
    %dma_wait3A_1377 = arith.constant 0 : i32
    %dma_wait3A_1378 = tpu.memref_slice %arg5[%dma_wait3A_1376, %dma_wait3A_1377] : memref<8200x1024xf32, #tpu.memory_space<hbm>> -> memref<8200x1024xf32, #tpu.memory_space<hbm>>
    tpu.wait_indirect_dma semaphore(%arg32 : memref<!tpu.dma_semaphore, #tpu.memory_space<semaphore_mem>>) src(%arg17 : memref<16x1024xf32, #tpu.memory_space<vmem>>) dst(%dma_wait3A_1378 : memref<8200x1024xf32, #tpu.memory_space<hbm>>)
    %dma_wait3A_1379 = arith.constant 0 : i32
    %dma_wait3A_1380 = arith.constant 0 : i32
    %dma_wait3A_1381 = tpu.memref_slice %arg5[%dma_wait3A_1379, %dma_wait3A_1380] : memref<8200x1024xf32, #tpu.memory_space<hbm>> -> memref<8200x1024xf32, #tpu.memory_space<hbm>>
    tpu.wait_indirect_dma semaphore(%arg27 : memref<!tpu.dma_semaphore, #tpu.memory_space<semaphore_mem>>) src(%arg12 : memref<16x1024xf32, #tpu.memory_space<vmem>>) dst(%dma_wait3A_1381 : memref<8200x1024xf32, #tpu.memory_space<hbm>>)
    %dma_wait3A_1382 = arith.constant 0 : i32
    %dma_wait3A_1383 = arith.constant 0 : i32
    %dma_wait3A_1384 = tpu.memref_slice %arg5[%dma_wait3A_1382, %dma_wait3A_1383] : memref<8200x1024xf32, #tpu.memory_space<hbm>> -> memref<8200x1024xf32, #tpu.memory_space<hbm>>
    tpu.wait_indirect_dma semaphore(%arg28 : memref<!tpu.dma_semaphore, #tpu.memory_space<semaphore_mem>>) src(%arg13 : memref<16x1024xf32, #tpu.memory_space<vmem>>) dst(%dma_wait3A_1384 : memref<8200x1024xf32, #tpu.memory_space<hbm>>)
    %dma_wait3A_1385 = arith.constant 0 : i32
    %dma_wait3A_1386 = arith.constant 0 : i32
    %dma_wait3A_1387 = tpu.memref_slice %arg5[%dma_wait3A_1385, %dma_wait3A_1386] : memref<8200x1024xf32, #tpu.memory_space<hbm>> -> memref<8200x1024xf32, #tpu.memory_space<hbm>>
    tpu.wait_indirect_dma semaphore(%arg29 : memref<!tpu.dma_semaphore, #tpu.memory_space<semaphore_mem>>) src(%arg14 : memref<16x1024xf32, #tpu.memory_space<vmem>>) dst(%dma_wait3A_1387 : memref<8200x1024xf32, #tpu.memory_space<hbm>>)
    %dma_wait3A_1388 = arith.constant 0 : i32
    %dma_wait3A_1389 = arith.constant 0 : i32
    %dma_wait3A_1390 = tpu.memref_slice %arg5[%dma_wait3A_1388, %dma_wait3A_1389] : memref<8200x1024xf32, #tpu.memory_space<hbm>> -> memref<8200x1024xf32, #tpu.memory_space<hbm>>
    tpu.wait_indirect_dma semaphore(%arg30 : memref<!tpu.dma_semaphore, #tpu.memory_space<semaphore_mem>>) src(%arg15 : memref<16x1024xf32, #tpu.memory_space<vmem>>) dst(%dma_wait3A_1390 : memref<8200x1024xf32, #tpu.memory_space<hbm>>)
    %lt3A = arith.constant 8 : i32
    %lt3A_1391 = arith.cmpi slt, %add3A, %lt3A : i32
    %convert_element_type3A = arith.extui %lt3A_1391 : i1 to i32
    %cond3A = arith.constant 0 : i32
    %cond3A_1392 = arith.cmpi ne, %convert_element_type3A, %cond3A : i32
    scf.if %cond3A_1392 {
      tpu.enqueue_dma source(%arg3 : memref<1x1024xf32, #tpu.memory_space<hbm>>) target(%arg18 : memref<1x1024xf32, #tpu.memory_space<vmem>>) target_semaphore(%arg33 : memref<!tpu.dma_semaphore, #tpu.memory_space<semaphore_mem>>)
      %broadcast_in_dim3A_1393 = vector.broadcast %add3A : i32 to vector<16xi32>
      %broadcast_in_dim3A_1394 = vector.shape_cast %broadcast_in_dim3A_1393 : vector<16xi32> to vector<16x1xi32>
      %gather3A_1395 = vector.shape_cast %broadcast_in_dim3A_1394 : vector<16x1xi32> to vector<16xi32>
      %gather3A_1396 = tpu.dynamic_gather %get3A_37[%gather3A_1395] in [0] : vector<16xi32>, vector<16xi32> -> vector<16xi32>
      %add3A_1397 = vector.broadcast %add3A : i32 to vector<16xi32>
      %add3A_1398 = arith.addi %gather3A_1396, %add3A_1397 : vector<16xi32>
      %swap3A_1399 = arith.constant 0 : index
      %swap3A_1400 = tpu.vector_load %arg20[%swap3A_1399] {strides = array<i32>} : memref<16xi32, #tpu.memory_space<vmem>>, vector<16xi32>,
      %swap3A_1401 = vector.shape_cast %swap3A_1400 : vector<16xi32> to vector<16xi32>
      %swap3A_1402 = vector.shape_cast %add3A_1398 : vector<16xi32> to vector<16xi32>
      tpu.vector_store %arg20[%swap3A_1399], %swap3A_1402 {strides = array<i32>} : memref<16xi32, #tpu.memory_space<vmem>>, vector<16xi32>,
      %get3A_1403 = arith.constant 0 : index
      %get3A_1404 = tpu.vector_load %arg20[%get3A_1403] {strides = array<i32>} : memref<16xi32, #tpu.memory_space<vmem>>, vector<16xi32>,
      %get3A_1405 = vector.shape_cast %get3A_1404 : vector<16xi32> to vector<16xi32>
      %slice3A = vector.extract_strided_slice %get3A_1405 {offsets = [0], sizes = [1], strides = [1]} : vector<16xi32> to vector<1xi32>
      %squeeze3A = vector.extract %slice3A[0] : i32 from vector<1xi32>
      tpu.wait_dma2 semaphore(%arg33 : memref<!tpu.dma_semaphore, #tpu.memory_space<semaphore_mem>>) src(%arg3 : memref<1x1024xf32, #tpu.memory_space<hbm>>) dst(%arg18 : memref<1x1024xf32, #tpu.memory_space<vmem>>)
      "tpu.region"() ({
        %run_scoped3A = tpu.sem_alloc : memref<!tpu.dma_semaphore, #tpu.memory_space<semaphore_mem>>
        %dma_start3A_1406 = arith.constant 0 : i32
        %dma_start3A_1407 = tpu.memref_slice %arg5[%squeeze3A, %dma_start3A_1406] : memref<8200x1024xf32, #tpu.memory_space<hbm>> -> memref<1x1024xf32, #tpu.memory_space<hbm>>
        %dma_start3A_1408 = arith.constant 0 : i32
        %dma_start3A_1409 = tpu.memref_slice %arg5[%squeeze3A, %dma_start3A_1408] : memref<8200x1024xf32, #tpu.memory_space<hbm>> -> memref<1x1024xf32, #tpu.memory_space<hbm>>
        tpu.enqueue_dma source(%arg18 : memref<1x1024xf32, #tpu.memory_space<vmem>>) target(%dma_start3A_1409 : memref<1x1024xf32, #tpu.memory_space<hbm>>) target_semaphore(%run_scoped3A : memref<!tpu.dma_semaphore, #tpu.memory_space<semaphore_mem>>)
        %dma_wait3A_1410 = arith.constant 0 : i32
        %dma_wait3A_1411 = tpu.memref_slice %arg5[%squeeze3A, %dma_wait3A_1410] : memref<8200x1024xf32, #tpu.memory_space<hbm>> -> memref<1x1024xf32, #tpu.memory_space<hbm>>
        %dma_wait3A_1412 = arith.constant 0 : i32
        %dma_wait3A_1413 = tpu.memref_slice %arg5[%squeeze3A, %dma_wait3A_1412] : memref<8200x1024xf32, #tpu.memory_space<hbm>> -> memref<1x1024xf32, #tpu.memory_space<hbm>>
        tpu.wait_dma2 semaphore(%run_scoped3A : memref<!tpu.dma_semaphore, #tpu.memory_space<semaphore_mem>>) src(%arg18 : memref<1x1024xf32, #tpu.memory_space<vmem>>) dst(%dma_wait3A_1413 : memref<1x1024xf32, #tpu.memory_space<hbm>>)
        tpu.yield
      }) : () -> ()
    } else {
    }
    return
  }
}

</mosaic_0001>

<sc_bundles>
// kernel: kernel.3.cloned.1.call-start
scs
__scs_entry_jumppad:
0x0: {  	(pc) =	sbr.rel $0x88, $3  }
0x1: {  	(tag) =	ssettag $0x0;
	lr =	simm.s32 $0x1  }
0x2: {  	[smem:$0x3F9E] =	sst lr;
	_ =	strace $0xD0000000  }
0x3: {  	_ = 	snop  }
0x4: {  	_ = 	snop  }
0x5: {  	_ = 	snop  }
0x6: {  	_ = 	snop  }
0x7: {  	_ = 	snop  }
__scs_overlays_trampoline_lowered:
0x8: {  	[smem:$0x3FAD] =	sst s0  }
0x9: {  	[smem:$0x3FAE] =	sst s1  }
0xa: {  	[smem:$0x3FAF] =	sst s2  }
0xb: {  	[smem:$0x3FB0] =	sst s3  }
0xc: {  	[smem:$0x3FB1] =	sst s4  }
0xd: {  	[smem:$0x3FB2] =	sst s5  }
0xe: {  	[smem:$0x3FB3] =	sst s6  }
0xf: {  	[smem:$0x3FB4] =	sst s7  }
0x10: {  	[smem:$0x3FB5] =	sst s8  }
0x11: {  	[smem:$0x3FB6] =	sst s9;
	s0 =	simm.s32 @!p0 $0x0  }
0x12: {  	s1 =	sld [smem:$0x3F9C];
	s0 =	simm.s32 @p0 $0x1  }
0x13: {  	[smem:$0x3FB7] =	sst s0;
	s0 =	simm.s32 @!p1 $0x0  }
0x14: {  	s2 =	sld [smem:$0x3F9B];
	s0 =	simm.s32 @p1 $0x1  }
0x15: {  	[smem:$0x3FB8] =	sst s0;
	s0 =	simm.s32 @!p2 $0x0  }
0x16: {  	s3 =	sld [smem:$0x3FDB];
	s0 =	simm.s32 @p2 $0x1  }
0x17: {  	s4 =	simm.s32 $0x1BF5;
	[smem:$0x3FBA] =	sst s0  }
0x18: {  	s0 =	sld [smem:$0x3F9D];
	_ =	swait.ge [sflag:s4], $0x0  }
0x19: {  	s7 =	sld [smem:$0x3F9E]  }
0x1a: {  	s8 =	sadd.s32 $0xFFFFE003, lr  }
0x1b: {  	s9 =	sadd.s32 $0xFFFFFEF7, lr;
	s5 =	simm.s32 $0xFFFFFFFF;
	p2 =	slt.u32 s8, $0xFFFFF086  }
0x1c: {  	p1 =	slt.u32 s9, $0xF7A;
	s5 =	simm.s32 @!p2 $0x0  }
0x1d: {  	s5 =	simm.s32 @p1 $0x1;
	p0 =	seq.s32 s7, s2  }
0x1e: {  	s7 =	smul.u32 @!p0 $0xF7A, s2;
	p2 =	seq.s32 @!p0 s5, $0x0  }
0x1f: {  	s9 =	smul.u32 $0xF7A, s1;
	s8 =	simm.s32 @!p0 $0x1BF5;
	p2 =	por !p2, p0  }
0x20: {  	[sflag:s8] =	ssyncset.s32 @!p0 $0xFFFFF086;
	s6 =	sadd.s32 @!p0 s3, s7;
	s7 =	simm.s32 @!p0 $0x108  }
0x21: {  	s3 =	sadd.s32 s3, s9;
	s6 =	sadd.s32 @!p0 $0x88, s6;
	s7 =	simm.s32 @p2 $0x1082  }
0x22: {  	[simem:s7], [sflag:s8] =	dma.local @!p0 [hbm:s6], $0xF7A  }
0x23: {  	s9 =	sor.u32 $0xD0000000, s2;
	s6 =	simm.s32 $0x108;
	_ =	swait.ge @!p0 [sflag:s8], $0x0  }
0x24: {  	s3 =	sadd.s32 $0x88, s3;
	s6 =	simm.s32 @!p1 $0x1082;
	[sflag:s4] =	ssyncset.s32 $0xFFFFF086  }
0x25: {  	[simem:s6], [sflag:s4] =	dma.local [hbm:s3], $0xF7A  }
0x26: {  	[smem:$0x3F9E] =	sst s1;
	(tag) =	ssettag s2;
	_ =	strace s9  }
0x27: {  	s1 =	sld [smem:$0x3FAE]  }
0x28: {  	s2 =	sld [smem:$0x3FAF]  }
0x29: {  	s4 =	sld [smem:$0x3FB1]  }
0x2a: {  	p0 =	seq.s32 s5, $0x0;
	s5 =	sld [smem:$0x3FB2]  }
0x2b: {  	s6 =	sld [smem:$0x3FB3]  }
0x2c: {  	s7 =	sld [smem:$0x3FB4]  }
0x2d: {  	s3 =	simm.s32 $0x108;
	s8 =	sld [smem:$0x3FB5]  }
0x2e: {  	s3 =	simm.s32 @!p0 $0x1082;
	s9 =	sld [smem:$0x3FB6]  }
0x2f: {  	lr =	sadd.s32 s0, s3;
	s0 =	sld [smem:$0x3FAD]  }
0x30: {  	s3 =	sld [smem:$0x3FB0]  }
0x31: {  	[smem:$0x3FB9] =	sst s10  }
0x32: {  	s10 =	sld [smem:$0x3FB7];
	_ =	sdelay $0x3  }
0x33: {  	p0 =	seq.s32 s10, $0x1;
	s10 =	sld [smem:$0x3FB9];
	_ =	sdelay $0x3  }
0x34: {  	[smem:$0x3FB9] =	sst s10  }
0x35: {  	s10 =	sld [smem:$0x3FB8];
	_ =	sdelay $0x3  }
0x36: {  	p1 =	seq.s32 s10, $0x1;
	s10 =	sld [smem:$0x3FB9];
	_ =	sdelay $0x3  }
0x37: {  	[smem:$0x3FB9] =	sst s10  }
0x38: {  	s10 =	sld [smem:$0x3FBA]  }
0x39: {  	_ = 	snop;
	(pc) =	sbr.ind lr, $3  }
0x3a: {  	_ = 	snop  }
0x3b: {  	_ = 	snop  }
0x3c: {  	p2 =	seq.s32 s10, $0x1;
	s10 =	sld [smem:$0x3FB9]  }
0x3d: {  	_ =	shalt  }
0x3e: {  	_ =	shalt  }
0x3f: {  	_ =	shalt  }
0x40: {  	_ =	shalt  }
0x41: {  	_ =	shalt  }
0x42: {  	_ =	shalt  }
0x43: {  	_ =	shalt  }
0x44: {  	_ =	shalt  }
0x45: {  	_ =	shalt  }
0x46: {  	_ =	shalt  }
0x47: {  	_ =	shalt  }
0x48: {  	_ =	shalt  }
0x49: {  	_ =	shalt  }
0x4a: {  	_ =	shalt  }
0x4b: {  	_ =	shalt  }
0x4c: {  	_ =	shalt  }
0x4d: {  	_ =	shalt  }
0x4e: {  	_ =	shalt  }
0x4f: {  	_ =	shalt  }
0x50: {  	_ =	shalt  }
0x51: {  	_ =	shalt  }
0x52: {  	_ =	shalt  }
0x53: {  	_ =	shalt  }
0x54: {  	_ =	shalt  }
0x55: {  	_ =	shalt  }
0x56: {  	_ =	shalt  }
0x57: {  	_ =	shalt  }
0x58: {  	_ =	shalt  }
0x59: {  	_ =	shalt  }
0x5a: {  	_ =	shalt  }
0x5b: {  	_ =	shalt  }
0x5c: {  	_ =	shalt  }
0x5d: {  	_ =	shalt  }
0x5e: {  	_ =	shalt  }
0x5f: {  	_ =	shalt  }
0x60: {  	_ =	shalt  }
0x61: {  	_ =	shalt  }
0x62: {  	_ =	shalt  }
0x63: {  	_ =	shalt  }
0x64: {  	_ =	shalt  }
0x65: {  	_ =	shalt  }
0x66: {  	_ =	shalt  }
0x67: {  	_ =	shalt  }
0x68: {  	_ =	shalt  }
0x69: {  	_ =	shalt  }
0x6a: {  	_ =	shalt  }
0x6b: {  	_ =	shalt  }
0x6c: {  	_ =	shalt  }
0x6d: {  	_ =	shalt  }
0x6e: {  	_ =	shalt  }
0x6f: {  	_ =	shalt  }
0x70: {  	_ =	shalt  }
0x71: {  	_ =	shalt  }
0x72: {  	_ =	shalt  }
0x73: {  	_ =	shalt  }
0x74: {  	_ =	shalt  }
0x75: {  	_ =	shalt  }
0x76: {  	_ =	shalt  }
0x77: {  	_ =	shalt  }
0x78: {  	_ =	shalt  }
0x79: {  	_ =	shalt  }
0x7a: {  	_ =	shalt  }
0x7b: {  	_ =	shalt  }
0x7c: {  	_ =	shalt  }
0x7d: {  	_ =	shalt  }
0x7e: {  	_ =	shalt  }
0x7f: {  	_ =	shalt  }
0x80: {  	_ =	shalt  }
0x81: {  	_ =	shalt  }
0x82: {  	_ =	shalt  }
0x83: {  	_ =	shalt  }
0x84: {  	_ =	shalt  }
0x85: {  	_ =	shalt  }
0x86: {  	_ =	shalt  }
0x87: {  	_ =	shalt  }
.Lfunc_end0:
.L_simem_size_0:
called_computation_lowered:
.L_overlay_start_0:
0x88: {  	s2 =	sld [smem:$0x3FD9]  }
0x89: {  	s3 =	sld [smem:$0x3FFE];
	_ =	sdelay $0x1  }
0x8a: {  	s1 =	srdreg.scid  }
0x8b: {  	s0 =	sand.u32 $0x1, s1  }
0x8c: {  	s18 =	sshll.u32 s0, $0xA;
	s2 =	sadd.s32 s3, s2  }
0x8d: {  	s2 =	sadd.s32 s2, s18  }
0x8e: {  	[smem:$0x3FC5] =	sst s2  }
0x8f: {  	_ = 	snop  }
0x90: {  	s2 =	sld [smem:$0x3FC9]  }
0x91: {  	s19 =	sld [smem:$0x3FC8]  }
0x92: {  	s4 =	sld [smem:$0x3FC7]  }
0x93: {  	s5 =	sld [smem:$0x3FD0];
	(tm) =	ssettm $0x1  }
0x94: {  	s6 =	sld [smem:$0x3FFB];
	_ =	sdelay $0x3  }
0x95: {  	_ =	strace s6  }
0x96: {  	s6 =	sld [smem:$0x3FFC];
	_ =	sdelay $0x3  }
0x97: {  	_ =	strace s6  }
0x98: {  	s6 =	sld [smem:$0x3FFD];
	_ =	sdelay $0x3  }
0x99: {  	_ =	strace s6  }
0x9a: {  	_ =	strace $0x8FFFFFFF  }
0x9b: {  	s20 =	sld [smem:$0x3FDB];
	_ =	sdelay $0x1  }
0x9c: {  	s7 =	simm.s32 $_scs_section_size  }
0x9d: {  	s8 =	simm.s32 $_size__tile_overlayer_lowered;
	s9 =	simm.s32 $_tile_overlayer_lowered  }
0x9e: {  	s23 =	simm.s32 $0x1BFF;
	s22 =	sshll.u32 s9, $0x1;
	s6 =	sadd.s32 s7, s20  }
0x9f: {  	s10 =	simm.s32 $0x0;
	s21 =	sshll.u32 s8, $0x1;
	s8 =	sadd.s32 s22, s6  }
0xa0: {  	[timem:s10], [sflag:s23] =	dma.local [hbm:s8], s21  }
0xa1: {  	_ =	swait.ge [sflag:s23], s21  }
0xa2: {  	s7 =	ssub.s32 $0x0, s21;
	[sflag:s23] =	ssyncset.done $0x0  }
0xa3: {  	[sflag:s23] =	ssyncadd.s32 s7;
	_ =	sdelay $0x1  }
0xa4: {  	s24 =	simm.s32 $0x1B8B  }
0xa5: {  	_ =	swait.ge [sflag:s24], $0x1  }
0xa6: {  	[sflag:s24] =	ssyncset.done $0x0  }
0xa7: {  	s25 =	simm.s32 $0x1B8E;
	[sflag:s24] =	ssyncadd.s32 $0xFFFFFFFF  }
0xa8: {  	s26 =	simm.s32 $execute0_lowered;
	[smem:$0x3FD2] =	sst s25  }
0xa9: {  	s7 =	sshll.u32 s26, $0x1;
	_ =	strace $0x80000046;
	[dreg:$0x1] =	wrdreg $0xFFFFFFFF  }
0xaa: {  	s28 =	simm.s32 $_size_execute0_lowered;
	s6 =	sadd.s32 s6, s7;
	[dreg:$0x0] =	wrdreg $0x0  }
0xab: {  	s7 =	sshll.u32 s28, $0x1;
	[dreg:$0x2] =	wrdreg s6  }
0xac: {  	[dreg:$0x3] =	wrdreg s7  }
0xad: {  	[dreg:$0x4] =	wrdreg $0xC0  }
0xae: {  	_ =	task [dreg:s10], $0x5FFFF  }
0xaf: {  	[dreg:$0x1] =	wrdreg $0xFFFFFFFF  }
0xb0: {  	[dreg:$0x0] =	wrdreg $0x60  }
0xb1: {  	[dreg:$0x2] =	wrdreg s2  }
0xb2: {  	[dreg:$0x3] =	wrdreg s19  }
0xb3: {  	[dreg:$0x4] =	wrdreg s4  }
0xb4: {  	[dreg:$0x5] =	wrdreg s5  }
0xb5: {  	[dreg:$0x6] =	wrdreg $0x9  }
0xb6: {  	_ =	task.clear_ibuf [dreg:s10], $0x7FFFF;
	_ =	strace $0x90000046  }
0xb7: {  	s29 =	simm.s32 $0x9;
	_ =	strace $0x80000048  }
0xb8: {  	_ =	swait.ge [sflag:s29], $0x1  }
0xb9: {  	[sflag:s29] =	ssyncadd.s32 $0xFFFFFFFF  }
0xba: {  	_ =	strace $0x90000048  }
0xbb: {  	_ =	sfence  }
0xbc: {  	s30 =	sld [smem:$0x0];
	_ =	sdelay $0x2  }
0xbd: {  	s31 =	sshll.u32 s1, $0xD;
	s1 =	sshrl.u32 s1, $0x2  }
0xbe: {  	s3 =	sand.u32 $0x4000, s31;
	s1 =	sadd.s32 s1, s30  }
0xbf: {  	s0 =	sor.u32 s3, s0;
	s1 =	sshll.u32 s1, $0x11  }
0xc0: {  	s0 =	sor.u32 s1, s0  }
0xc1: {  	s0 =	sadd.s32 $0x8F2B, s0  }
0xc2: {  	[sflag:s0] =	ssyncadd.remote.s32 $0x1  }
0xc3: {  	_ =	sfence.sel $0xFFFF  }
0xc4: {  	[dreg:$0x0] =	wrdreg $0xFFFFFFFF;
	(pc) =	sbr.abs _section_cstart, $3  }
0xc5: {  	[dreg:$0x1] =	wrdreg $0xFFFFFFFF  }
0xc6: {  	_ =	task.clear_ibuf [dreg:s10], $0x2FFFF;
	_ =	strace $0x9FFFFFFF  }
0xc7: {  	(tm) =	ssettm $0x7FFFFFFF  }
tec
execute0_lowered:
.L_overlay_start_1:
0x0: {  	(tag) =	ssettag $0x1  }
0x1: {  	s6 =	rddreg [dreg:$0x0]  }
0x2: {  	s0 =	rddreg [dreg:$0x1]  }
0x3: {  	s26 =	rddreg [dreg:$0x2]  }
0x4: {  	s2 =	rddreg [dreg:$0x3]  }
0x5: {  	s28 =	srdreg.scid;
	s9 =	stileid.u32  }
0x6: {  	s3 =	simm.s32 $0x0;
	s31 =	simm.s32 $0x6;
	[dreg:$0x5] =	wrdreg s0  }
0x7: {  	s30 =	simm.s32 $0xF300;
	[dreg:$0x6] =	wrdreg s26;
	s0 =	sand.u32 $0x1, s28  }
0x8: {  	s1 =	sshll.u32 s9, $0x1;
	[smem:$0x7FF] =	sst s3;
	p0 =	sgt.u32 s9, $0x3  }
0x9: {  	s4 =	ssub.s32 $0x2, s0;
	s19 =	sor.u32 s0, s1;
	_ =	strace $0x80000047  }
0xa: {  	s29 =	sshrl.u32 s4, $0x1;
	s1 =	sshll.u32 s19, $0x8;
	s5 =	sshll.u32 s19, $0xF  }
0xb: {  	v32 =	vmov s19;
	s19 =	simm.s32 $0xC300;
	s7 =	ssub.s32 s4, s29;
	s24 =	sor.u32 $0x10, s1  }
0xc: {  	s8 =	sadd.s32 s6, s5;
	s0 =	sor.u32 $0x20, s1;
	s14 =	sor.u32 $0x30, s1  }
0xd: {  	s26 =	sor.u32 $0x40, s1;
	s21 =	sor.u32 $0x50, s1;
	s28 =	sor.u32 $0x70, s1  }
0xe: {  	s5 =	sshll.u32 s24, $0x7;
	[dreg:$0x7] =	wrdreg s8;
	s11 =	sshll.u32 s0, $0x7  }
0xf: {  	s13 =	sshll.u32 s14, $0x7;
	s15 =	sshll.u32 s26, $0x7;
	s10 =	sadd.s32 s6, s5  }
0x10: {  	v43 =	vlaneseq.u32;
	s17 =	sshll.u32 s21, $0x7;
	s12 =	sadd.s32 s6, s11;
	[dreg:$0x8] =	wrdreg s10  }
0x11: {  	v31 =	vadd.s32 $0x1, v43;
	s22 =	sshll.u32 s28, $0x7;
	s4 =	sadd.s32 s6, s13;
	[dreg:$0x9] =	wrdreg s12  }
0x12: {  	v10 =	vor.u32 s21, v43;
	v11 =	vadd.s32 s21, v31;
	s21 =	simm.s32 $0x3;
	s16 =	sadd.s32 s6, s15;
	[dreg:$0xa] =	wrdreg s4  }
0x13: {  	v2 =	vor.u32 s24, v43;
	v3 =	vadd.s32 s24, v31;
	s24 =	simm.s32 $0x8;
	s18 =	sadd.s32 s6, s17;
	[dreg:$0xb] =	wrdreg s16  }
0x14: {  	s11 =	sor.u32 $0x60, s1;
	s23 =	sadd.s32 s6, s22;
	[dreg:$0xc] =	wrdreg s18  }
0x15: {  	s20 =	sshll.u32 s11, $0x7;
	s16 =	sor.u32 $0x80, s1;
	[dreg:$0xe] =	wrdreg s23  }
0x16: {  	s12 =	sor.u32 $0xB0, s1;
	s23 =	simm.s32 $0x18700;
	s4 =	sadd.s32 s6, s20  }
0x17: {  	v33 =	vimm.s32 $0x1;
	v34 =	vimm.s32 $0x2;
	s25 =	sshll.u32 s16, $0x7;
	s13 =	sshll.u32 s12, $0x7;
	[dreg:$0x17] =	wrdreg s23  }
0x18: {  	v35 =	vimm.s32 $0x3;
	v22 =	vor.u32 s12, v43;
	v23 =	vadd.s32 s12, v31;
	s23 =	simm.s32 $0x1;
	s12 =	simm.s32 $0xB;
	[dreg:$0xd] =	wrdreg s4  }
0x19: {  	v36 =	vimm.s32 $0x4;
	v37 =	vimm.s32 $0x5;
	v38 =	vimm.s32 $0x6;
	s29 =	sadd.s32 s6, s25;
	s25 =	sor.u32 $0x90, s1;
	s15 =	sadd.s32 s6, s13  }
0x1a: {  	v39 =	vimm.s32 $0x7;
	v40 =	vimm.s32 $0x0;
	v42 =	vshrl.u32 v43, $0x3;
	s13 =	sor.u32 $0xE0, s1;
	[dreg:$0xf] =	wrdreg s29;
	s5 =	sshll.u32 s25, $0x7  }
0x1b: {  	vm0 =	vmmov $0xffff;
	v41 =	vand.u32 $0x7, v43;
	v42 =	vmul.u32 $0x8, v42;
	s29 =	sor.u32 $0xA0, s1;
	[dreg:$0x12] =	wrdreg s15;
	s15 =	sor.u32 $0xD0, s1  }
0x1c: {  	v0 =	vor.u32 s1, v43;
	v1 =	vor.u32 s1, v31;
	v4 =	vor.u32 s0, v43;
	s22 =	sshll.u32 s13, $0x7;
	s4 =	sadd.s32 s6, s5;
	s8 =	sshll.u32 s29, $0x7  }
0x1d: {  	v5 =	vor.u32 s0, v31;
	s18 =	sshll.u32 s15, $0x7;
	s5 =	sadd.s32 s6, s22;
	v26 =	vor.u32 s15, v43;
	v27 =	vadd.s32 s15, v31;
	s15 =	simm.s32 $0x4  }
0x1e: {  	v6 =	vor.u32 s14, v43;
	v7 =	vadd.s32 s14, v31;
	v8 =	vor.u32 s26, v43;
	s22 =	simm.s32 $0xEB00;
	[dreg:$0x10] =	wrdreg s4;
	s10 =	sadd.s32 s6, s8  }
0x1f: {  	v9 =	vor.u32 s26, v31;
	v14 =	vor.u32 s28, v43;
	v15 =	vadd.s32 s28, v31;
	s20 =	sadd.s32 s6, s18;
	[dreg:$0x11] =	wrdreg s10;
	s10 =	sor.u32 $0xC0, s1  }
0x20: {  	v12 =	vor.u32 s11, v43;
	v13 =	vor.u32 s11, v31;
	v16 =	vor.u32 s16, v43;
	[dreg:$0x15] =	wrdreg s5;
	s5 =	sadd.s32 $0x200, s2;
	s17 =	sshll.u32 s10, $0x7  }
0x21: {  	v17 =	vor.u32 s16, v31;
	v18 =	vor.u32 s25, v43;
	v19 =	vadd.s32 s25, v31;
	s18 =	smax.u32 s7, $0x1;
	s4 =	sadd.s32 s6, s17;
	s17 =	sor.u32 $0xF0, s1  }
0x22: {  	v28 =	vor.u32 s13, v43;
	v29 =	vor.u32 s13, v31;
	v20 =	vor.u32 s29, v43;
	[dreg:$0x14] =	wrdreg s20;
	s20 =	simm.s32 $0xFB00;
	s8 =	sshll.u32 s17, $0x7  }
0x23: {  	v21 =	vor.u32 s29, v31;
	v24 =	vor.u32 s10, v43;
	v25 =	vor.u32 s10, v31;
	[dreg:$0x13] =	wrdreg s4;
	s4 =	sadd.s32 $0x100, s2;
	s8 =	sadd.s32 s6, s8  }
0x24: {  	v30 =	vor.u32 s17, v43;
	v31 =	vadd.s32 s17, v31;
	v43 =	vor.u32 $0x8, v43;
	s17 =	simm.s32 $0x9;
	s6 =	sadd.s32 $0x300, s2;
	[dreg:$0x16] =	wrdreg s8  }
.LBB2_1:
0x25: {  	s25 =	rddreg [dreg:$0x7]  }
0x26: {  	s26 =	rddreg [dreg:$0x8];
	s0 =	simm.s32 $0x300  }
0x27: {  	[tilespmem:s0], [sflag:$0x1] =	stream.linear.gather [hbm4b:s25+s3], $0x4000, $0x38;
	[tilespmem:$0x18800] =	vst v63  }
0x28: {  	s7 =	rddreg [dreg:$0x9];
	s8 =	simm.s32 $0x4300  }
0x29: {  	[tilespmem:s8], [sflag:$0x2] =	stream.linear.gather [hbm4b:s26+s3], $0x4000, $0x38;
	[tilespmem:$0x18800] =	vst v63  }
0x2a: {  	s9 =	rddreg [dreg:$0xa];
	s10 =	simm.s32 $0x8300  }
0x2b: {  	[tilespmem:s10], [sflag:$0x3] =	stream.linear.gather [hbm4b:s7+s3], $0x4000, $0x38;
	[tilespmem:$0x18800] =	vst v63  }
0x2c: {  	s11 =	simm.s32 $0xC300;
	s13 =	rddreg [dreg:$0xb]  }
0x2d: {  	[tilespmem:s11], [sflag:$0x4] =	stream.linear.gather [hbm4b:s9+s3], $0x4000, $0x38;
	[tilespmem:$0x18800] =	vst v63  }
0x2e: {  	s14 =	rddreg [dreg:$0x6];
	s16 =	simm.s32 $0x10300  }
0x2f: {  	[tilespmem:s16], [sflag:$0x5] =	stream.linear.gather [hbm4b:s13+s3], $0x4000, $0x38;
	[tilespmem:$0x18800] =	vst v63  }
0x30: {  	s28 =	rddreg [dreg:$0x17]  }
0x31: {  	[tilespmem:s28], [sflag:$0xE] =	stream.linear.gather [hbm4b:s14+s3], $0x8, $0x38;
	[tilespmem:$0x18800] =	vst v63  }
0x32: {  	s28 =	simm.s32 $0xE  }
0x33: {  	_ =	swait.ge [sflag:s28], $0x8  }
0x34: {  	[sflag:s28] =	ssyncset.done $0x0  }
0x35: {  	[sflag:s28] =	ssyncadd.s32 $0xFFFFFFF8  }
0x36: {  	v44 =	vld [tilespmem:$0x18700];
	_ =	sdelay $0x4  }
0x37: {  	v51 =	vperm.xlane v44, v33  }
0x38: {  	v50 =	vperm.xlane v44, v34;
	v49 =	vperm.xlane v44, v35  }
0x39: {  	v48 =	vperm.xlane v44, v36;
	v47 =	vperm.xlane v44, v37;
	vm1 =	vge.s32 v0, v51  }
0x3a: {  	v46 =	vperm.xlane v44, v38;
	v52 =	vsel vm1, $0x1, v40;
	vm1 =	vge.s32 v0, v50  }
0x3b: {  	v45 =	vperm.xlane v44, v39;
	v53 =	vsel vm1, $0x1, v40;
	vm1 =	vge.s32 v0, v49  }
0x3c: {  	v52 =	vadd.s32 v52, v1;
	v54 =	vsel vm1, $0x1, v40;
	vm1 =	vge.s32 v0, v48  }
0x3d: {  	v52 =	vadd.s32 v53, v52;
	v55 =	vsel vm1, $0x1, v40;
	vm1 =	vge.s32 v0, v47  }
0x3e: {  	v52 =	vadd.s32 v54, v52;
	v59 =	vsel vm1, $0x1, v40;
	vm1 =	vge.s32 v0, v46  }
0x3f: {  	v52 =	vadd.s32 v55, v52;
	v60 =	vsel vm1, $0x1, v40;
	vm1 =	vge.s32 v0, v45  }
0x40: {  	v52 =	vadd.s32 v59, v52;
	v61 =	vsel vm1, $0x1, v40;
	vm1 =	vge.s32 v2, v51  }
0x41: {  	v52 =	vadd.s32 v60, v52;
	v62 =	vsel vm1, $0x1, v40;
	vm1 =	vge.s32 v2, v50  }
0x42: {  	v52 =	vadd.s32 v61, v52;
	v63 =	vsel vm1, $0x1, v40;
	vm1 =	vge.s32 v2, v49  }
0x43: {  	v53 =	vadd.s32 v62, v3;
	v60 =	vsel vm1, $0x1, v40;
	vm1 =	vge.s32 v2, v48  }
0x44: {  	v53 =	vadd.s32 v63, v53;
	v56 =	vsel vm1, $0x1, v40;
	vm1 =	vge.s32 v2, v47  }
0x45: {  	v53 =	vadd.s32 v60, v53;
	v61 =	vsel vm1, $0x1, v40;
	vm1 =	vge.s32 v2, v46  }
0x46: {  	v53 =	vadd.s32 v56, v53;
	v62 =	vsel vm1, $0x1, v40;
	vm1 =	vge.s32 v2, v45  }
0x47: {  	v53 =	vadd.s32 v61, v53;
	v63 =	vsel vm1, $0x1, v40;
	vm1 =	vge.s32 v4, v51  }
0x48: {  	v53 =	vadd.s32 v62, v53;
	v60 =	vsel vm1, $0x1, v40;
	vm1 =	vge.s32 v4, v50  }
0x49: {  	v53 =	vadd.s32 v63, v53;
	v61 =	vsel vm1, $0x1, v40;
	vm1 =	vge.s32 v4, v49  }
0x4a: {  	v54 =	vadd.s32 v60, v5;
	v62 =	vsel vm1, $0x1, v40;
	vm1 =	vge.s32 v4, v48  }
0x4b: {  	v54 =	vadd.s32 v61, v54;
	v57 =	vsel vm1, $0x1, v40;
	vm1 =	vge.s32 v4, v47  }
0x4c: {  	v54 =	vadd.s32 v62, v54;
	v63 =	vsel vm1, $0x1, v40;
	vm1 =	vge.s32 v4, v46  }
0x4d: {  	v54 =	vadd.s32 v57, v54;
	v60 =	vsel vm1, $0x1, v40;
	vm1 =	vge.s32 v4, v45  }
0x4e: {  	v54 =	vadd.s32 v63, v54;
	v61 =	vsel vm1, $0x1, v40;
	vm1 =	vge.s32 v6, v51  }
0x4f: {  	v54 =	vadd.s32 v60, v54;
	v62 =	vsel vm1, $0x1, v40;
	vm1 =	vge.s32 v6, v50  }
0x50: {  	v54 =	vadd.s32 v61, v54;
	v63 =	vsel vm1, $0x1, v40;
	vm1 =	vge.s32 v6, v49  }
0x51: {  	v55 =	vadd.s32 v62, v7;
	v60 =	vsel vm1, $0x1, v40;
	vm1 =	vge.s32 v6, v48  }
0x52: {  	v55 =	vadd.s32 v63, v55;
	v58 =	vsel vm1, $0x1, v40;
	vm1 =	vge.s32 v6, v47  }
0x53: {  	v55 =	vadd.s32 v60, v55;
	v61 =	vsel vm1, $0x1, v40;
	vm1 =	vge.s32 v6, v46  }
0x54: {  	v55 =	vadd.s32 v58, v55;
	v62 =	vsel vm1, $0x1, v40;
	vm1 =	vge.s32 v6, v45  }
0x55: {  	v55 =	vadd.s32 v61, v55;
	v58 =	vsel vm1, $0x1, v40;
	vm1 =	vge.s32 v8, v51  }
0x56: {  	v55 =	vadd.s32 v62, v55;
	v63 =	vsel vm1, $0x1, v40;
	vm1 =	vge.s32 v8, v50  }
0x57: {  	v60 =	vsel vm1, $0x1, v40;
	vm1 =	vge.s32 v8, v49;
	v56 =	vadd.s32 v63, v9  }
0x58: {  	v56 =	vadd.s32 v60, v56;
	v61 =	vsel vm1, $0x1, v40;
	vm1 =	vge.s32 v8, v48  }
0x59: {  	v56 =	vadd.s32 v61, v56;
	v62 =	vsel vm1, $0x1, v40;
	vm1 =	vge.s32 v8, v47  }
0x5a: {  	[tilespmem:$0x0] =	vst v52;
	v63 =	vsel vm1, $0x1, v40;
	v56 =	vadd.s32 v62, v56;
	vm1 =	vge.s32 v8, v46  }
0x5b: {  	[tilespmem:$0x80] =	vst v53;
	v60 =	vsel vm1, $0x1, v40;
	vm1 =	vge.s32 v8, v45;
	v52 =	vadd.s32 v63, v56  }
0x5c: {  	[tilespmem:$0x100] =	vst v54;
	v61 =	vadd.s32 v58, v55;
	v62 =	vsel vm1, $0x1, v40;
	v52 =	vadd.s32 v60, v52  }
0x5d: {  	[tilespmem:$0x180] =	vst v61;
	v52 =	vadd.s32 v62, v52  }
0x5e: {  	[tilespmem:$0x200] =	vst v52  }
0x5f: {  	_ =	swait.ge [sflag:s23], $0x4000  }
0x60: {  	[sflag:s23] =	ssyncset.done $0x0  }
0x61: {  	[sflag:s23] =	ssyncadd.s32 $0xFFFFC000  }
0x62: {  	v63 =	vld [tilespmem:$0x0];
	_ =	sdelay $0x4  }
0x63: {  	v56 =	vshll.u32 v63, $0x3  }
0x64: {  	v52 =	vand.u32 $0x7, v63;
	v53 =	vand.u32 $0xFFFFFFC0, v56  }
0x65: {  	v52 =	vor.u32 v52, v53  }
0x66: {  	v53 =	vperm.xlane v52, v41;
	_ =	sdelay $0x1  }
0x67: {  	v53 =	vadd.s32 v42, v53;
	_ =	sdelay $0x3  }
0x68: {  	s11 =	simm.s32 $0x300  }
0x69: {  	[hbm4b:s2+s3] =	stream.indirect_vreg.scatter [tilespmem:s11], [sflag:$0x7], $0x80, v53, vm0, $0xb8;
	[tilespmem:$0x18800] =	vst v63  }
0x6a: {  	s29 =	simm.s32 $0xB00;
	v52 =	vperm.xlane v52, v43  }
0x6b: {  	[hbm4b:s4+s3] =	stream.indirect_vreg.scatter [tilespmem:s29], [sflag:$0x7], $0x80, v53, vm0, $0xb8;
	[tilespmem:$0x18800] =	vst v63  }
0x6c: {  	s0 =	simm.s32 $0x1300;
	v52 =	vadd.s32 v42, v52  }
0x6d: {  	[hbm4b:s5+s3] =	stream.indirect_vreg.scatter [tilespmem:s0], [sflag:$0x7], $0x80, v53, vm0, $0xb8;
	[tilespmem:$0x18800] =	vst v63  }
0x6e: {  	s1 =	simm.s32 $0x1B00  }
0x6f: {  	vm1 =	vge.s32 v10, v51;
	[hbm4b:s6+s3] =	stream.indirect_vreg.scatter [tilespmem:s1], [sflag:$0x7], $0x80, v53, vm0, $0xb8;
	[tilespmem:$0x18800] =	vst v63  }
0x70: {  	s7 =	simm.s32 $0x2300;
	v57 =	vsel vm1, $0x1, v40;
	vm1 =	vge.s32 v10, v50  }
0x71: {  	v58 =	vsel vm1, $0x1, v40;
	vm1 =	vge.s32 v10, v49;
	v53 =	vadd.s32 v57, v11;
	[hbm4b:s2+s3] =	stream.indirect_vreg.scatter [tilespmem:s7], [sflag:$0x7], $0x80, v52, vm0, $0xb8;
	[tilespmem:$0x18800] =	vst v63  }
0x72: {  	s10 =	simm.s32 $0x2B00;
	v59 =	vsel vm1, $0x1, v40;
	vm1 =	vge.s32 v10, v48;
	v53 =	vadd.s32 v58, v53  }
0x73: {  	v60 =	vsel vm1, $0x1, v40;
	vm1 =	vge.s32 v10, v47;
	v53 =	vadd.s32 v59, v53;
	[hbm4b:s4+s3] =	stream.indirect_vreg.scatter [tilespmem:s10], [sflag:$0x7], $0x80, v52, vm0, $0xb8;
	[tilespmem:$0x18800] =	vst v63  }
0x74: {  	s13 =	simm.s32 $0x3300;
	v61 =	vsel vm1, $0x1, v40;
	vm1 =	vge.s32 v10, v46;
	v53 =	vadd.s32 v60, v53  }
0x75: {  	v62 =	vsel vm1, $0x1, v40;
	vm1 =	vge.s32 v10, v45;
	v53 =	vadd.s32 v61, v53;
	[hbm4b:s5+s3] =	stream.indirect_vreg.scatter [tilespmem:s13], [sflag:$0x7], $0x80, v52, vm0, $0xb8;
	[tilespmem:$0x18800] =	vst v63  }
0x76: {  	s16 =	simm.s32 $0x3B00;
	v63 =	vsel vm1, $0x1, v40;
	v53 =	vadd.s32 v62, v53  }
0x77: {  	v56 =	vadd.s32 v63, v53;
	[hbm4b:s6+s3] =	stream.indirect_vreg.scatter [tilespmem:s16], [sflag:$0x7], $0x80, v52, vm0, $0xb8;
	[tilespmem:$0x18800] =	vst v63  }
0x78: {  	s26 =	simm.s32 $0x14300;
	s14 =	rddreg [dreg:$0xc];
	s0 =	simm.s32 $0x2;
	[tilespmem:$0x280] =	vst v56  }
0x79: {  	[tilespmem:s26], [sflag:$0x6] =	stream.linear.gather [hbm4b:s14+s3], $0x4000, $0x38;
	[tilespmem:$0x18800] =	vst v63  }
0x7a: {  	_ =	swait.ge [sflag:s0], $0x4000  }
0x7b: {  	[sflag:s0] =	ssyncset.done $0x0  }
0x7c: {  	[sflag:s0] =	ssyncadd.s32 $0xFFFFC000  }
0x7d: {  	v57 =	vld [tilespmem:$0x80];
	_ =	sdelay $0x4  }
0x7e: {  	v58 =	vshll.u32 v57, $0x3  }
0x7f: {  	v52 =	vand.u32 $0x7, v57;
	v53 =	vand.u32 $0xFFFFFFC0, v58  }
0x80: {  	v52 =	vor.u32 v52, v53  }
0x81: {  	v53 =	vperm.xlane v52, v41;
	_ =	sdelay $0x1  }
0x82: {  	v53 =	vadd.s32 v42, v53;
	_ =	sdelay $0x3  }
0x83: {  	s8 =	simm.s32 $0x4300  }
0x84: {  	[hbm4b:s2+s3] =	stream.indirect_vreg.scatter [tilespmem:s8], [sflag:$0x8], $0x80, v53, vm0, $0xb8;
	[tilespmem:$0x18800] =	vst v63  }
0x85: {  	s10 =	simm.s32 $0x4B00;
	v52 =	vperm.xlane v52, v43  }
0x86: {  	[hbm4b:s4+s3] =	stream.indirect_vreg.scatter [tilespmem:s10], [sflag:$0x8], $0x80, v53, vm0, $0xb8;
	[tilespmem:$0x18800] =	vst v63  }
0x87: {  	s28 =	simm.s32 $0x5300;
	v52 =	vadd.s32 v42, v52  }
0x88: {  	[hbm4b:s5+s3] =	stream.indirect_vreg.scatter [tilespmem:s28], [sflag:$0x8], $0x80, v53, vm0, $0xb8;
	[tilespmem:$0x18800] =	vst v63  }
0x89: {  	s29 =	simm.s32 $0x5B00  }
0x8a: {  	[hbm4b:s6+s3] =	stream.indirect_vreg.scatter [tilespmem:s29], [sflag:$0x8], $0x80, v53, vm0, $0xb8;
	[tilespmem:$0x18800] =	vst v63  }
0x8b: {  	s1 =	simm.s32 $0x6300  }
0x8c: {  	[hbm4b:s2+s3] =	stream.indirect_vreg.scatter [tilespmem:s1], [sflag:$0x8], $0x80, v52, vm0, $0xb8;
	[tilespmem:$0x18800] =	vst v63  }
0x8d: {  	vm1 =	vge.s32 v12, v51;
	s1 =	simm.s32 $0x6B00  }
0x8e: {  	v59 =	vsel vm1, $0x1, v40;
	vm1 =	vge.s32 v12, v50;
	[hbm4b:s4+s3] =	stream.indirect_vreg.scatter [tilespmem:s1], [sflag:$0x8], $0x80, v52, vm0, $0xb8;
	[tilespmem:$0x18800] =	vst v63  }
0x8f: {  	s7 =	simm.s32 $0x7300;
	v60 =	vsel vm1, $0x1, v40;
	vm1 =	vge.s32 v12, v49;
	v53 =	vadd.s32 v59, v13  }
0x90: {  	v61 =	vsel vm1, $0x1, v40;
	vm1 =	vge.s32 v12, v48;
	v53 =	vadd.s32 v60, v53;
	[hbm4b:s5+s3] =	stream.indirect_vreg.scatter [tilespmem:s7], [sflag:$0x8], $0x80, v52, vm0, $0xb8;
	[tilespmem:$0x18800] =	vst v63  }
0x91: {  	v62 =	vsel vm1, $0x1, v40;
	vm1 =	vge.s32 v12, v47;
	s10 =	simm.s32 $0x7B00;
	v53 =	vadd.s32 v61, v53;
	s1 =	simm.s32 $0x7  }
0x92: {  	v63 =	vsel vm1, $0x1, v40;
	vm1 =	vge.s32 v12, v46;
	v53 =	vadd.s32 v62, v53;
	[hbm4b:s6+s3] =	stream.indirect_vreg.scatter [tilespmem:s10], [sflag:$0x8], $0x80, v52, vm0, $0xb8;
	[tilespmem:$0x18800] =	vst v63  }
0x93: {  	v57 =	vsel vm1, $0x1, v40;
	vm1 =	vge.s32 v12, v45;
	v52 =	vadd.s32 v63, v53;
	_ =	swait.ge [sflag:s1], $0x4000  }
0x94: {  	v58 =	vsel vm1, $0x1, v40;
	v52 =	vadd.s32 v57, v52;
	[sflag:s1] =	ssyncset.done $0x0  }
0x95: {  	v52 =	vadd.s32 v58, v52;
	[sflag:s1] =	ssyncadd.s32 $0xFFFFC000  }
0x96: {  	s13 =	rddreg [dreg:$0xd];
	[tilespmem:$0x0] =	vst v52  }
0x97: {  	[tilespmem:s11], [sflag:$0x1] =	stream.linear.gather [hbm4b:s13+s3], $0x4000, $0x38;
	[tilespmem:$0x18800] =	vst v63  }
0x98: {  	_ =	swait.ge [sflag:s21], $0x4000  }
0x99: {  	[sflag:s21] =	ssyncset.done $0x0  }
0x9a: {  	[sflag:s21] =	ssyncadd.s32 $0xFFFFC000  }
0x9b: {  	v59 =	vld [tilespmem:$0x100];
	_ =	sdelay $0x4  }
0x9c: {  	v60 =	vshll.u32 v59, $0x3  }
0x9d: {  	v52 =	vand.u32 $0x7, v59;
	v53 =	vand.u32 $0xFFFFFFC0, v60  }
0x9e: {  	v52 =	vor.u32 v52, v53  }
0x9f: {  	v53 =	vperm.xlane v52, v41;
	_ =	sdelay $0x1  }
0xa0: {  	v53 =	vadd.s32 v42, v53;
	_ =	sdelay $0x3  }
0xa1: {  	s10 =	simm.s32 $0x8300  }
0xa2: {  	[hbm4b:s2+s3] =	stream.indirect_vreg.scatter [tilespmem:s10], [sflag:$0x9], $0x80, v53, vm0, $0xb8;
	[tilespmem:$0x18800] =	vst v63  }
0xa3: {  	s7 =	simm.s32 $0x8B00;
	v52 =	vperm.xlane v52, v43  }
0xa4: {  	[hbm4b:s4+s3] =	stream.indirect_vreg.scatter [tilespmem:s7], [sflag:$0x9], $0x80, v53, vm0, $0xb8;
	[tilespmem:$0x18800] =	vst v63  }
0xa5: {  	s14 =	simm.s32 $0x9300;
	v52 =	vadd.s32 v42, v52  }
0xa6: {  	[hbm4b:s5+s3] =	stream.indirect_vreg.scatter [tilespmem:s14], [sflag:$0x9], $0x80, v53, vm0, $0xb8;
	[tilespmem:$0x18800] =	vst v63  }
0xa7: {  	s25 =	simm.s32 $0x9B00  }
0xa8: {  	[hbm4b:s6+s3] =	stream.indirect_vreg.scatter [tilespmem:s25], [sflag:$0x9], $0x80, v53, vm0, $0xb8;
	[tilespmem:$0x18800] =	vst v63  }
0xa9: {  	s26 =	simm.s32 $0xA300  }
0xaa: {  	[hbm4b:s2+s3] =	stream.indirect_vreg.scatter [tilespmem:s26], [sflag:$0x9], $0x80, v52, vm0, $0xb8;
	[tilespmem:$0x18800] =	vst v63  }
0xab: {  	vm1 =	vge.s32 v14, v51;
	s28 =	simm.s32 $0xAB00  }
0xac: {  	v61 =	vsel vm1, $0x1, v40;
	vm1 =	vge.s32 v14, v50;
	[hbm4b:s4+s3] =	stream.indirect_vreg.scatter [tilespmem:s28], [sflag:$0x9], $0x80, v52, vm0, $0xb8;
	[tilespmem:$0x18800] =	vst v63  }
0xad: {  	s29 =	simm.s32 $0xB300;
	v62 =	vsel vm1, $0x1, v40;
	vm1 =	vge.s32 v14, v49;
	v53 =	vadd.s32 v61, v15  }
0xae: {  	v63 =	vsel vm1, $0x1, v40;
	vm1 =	vge.s32 v14, v48;
	v53 =	vadd.s32 v62, v53;
	[hbm4b:s5+s3] =	stream.indirect_vreg.scatter [tilespmem:s29], [sflag:$0x9], $0x80, v52, vm0, $0xb8;
	[tilespmem:$0x18800] =	vst v63  }
0xaf: {  	v57 =	vsel vm1, $0x1, v40;
	vm1 =	vge.s32 v14, v47;
	s11 =	simm.s32 $0xBB00;
	v53 =	vadd.s32 v63, v53  }
0xb0: {  	v58 =	vsel vm1, $0x1, v40;
	vm1 =	vge.s32 v14, v46;
	v53 =	vadd.s32 v57, v53;
	[hbm4b:s6+s3] =	stream.indirect_vreg.scatter [tilespmem:s11], [sflag:$0x9], $0x80, v52, vm0, $0xb8;
	[tilespmem:$0x18800] =	vst v63  }
0xb1: {  	v59 =	vsel vm1, $0x1, v40;
	vm1 =	vge.s32 v14, v45;
	v52 =	vadd.s32 v58, v53;
	_ =	swait.ge [sflag:s24], $0x4000  }
0xb2: {  	v60 =	vsel vm1, $0x1, v40;
	v52 =	vadd.s32 v59, v52;
	[sflag:s24] =	ssyncset.done $0x0  }
0xb3: {  	v52 =	vadd.s32 v60, v52;
	[sflag:s24] =	ssyncadd.s32 $0xFFFFC000  }
0xb4: {  	s13 =	rddreg [dreg:$0xe];
	[tilespmem:$0x80] =	vst v52  }
0xb5: {  	[tilespmem:s8], [sflag:$0x2] =	stream.linear.gather [hbm4b:s13+s3], $0x4000, $0x38;
	[tilespmem:$0x18800] =	vst v63  }
0xb6: {  	_ =	swait.ge [sflag:s15], $0x4000  }
0xb7: {  	[sflag:s15] =	ssyncset.done $0x0  }
0xb8: {  	[sflag:s15] =	ssyncadd.s32 $0xFFFFC000  }
0xb9: {  	v61 =	vld [tilespmem:$0x180];
	_ =	sdelay $0x4  }
0xba: {  	v62 =	vshll.u32 v61, $0x3  }
0xbb: {  	v52 =	vand.u32 $0x7, v61;
	v53 =	vand.u32 $0xFFFFFFC0, v62  }
0xbc: {  	v52 =	vor.u32 v52, v53  }
0xbd: {  	v53 =	vperm.xlane v52, v41;
	_ =	sdelay $0x1  }
0xbe: {  	v53 =	vadd.s32 v42, v53;
	_ =	sdelay $0x3  }
0xbf: {  	s8 =	simm.s32 $0xC300  }
0xc0: {  	[hbm4b:s2+s3] =	stream.indirect_vreg.scatter [tilespmem:s8], [sflag:$0xA], $0x80, v53, vm0, $0xb8;
	[tilespmem:$0x18800] =	vst v63  }
0xc1: {  	s14 =	simm.s32 $0xCB00;
	v52 =	vperm.xlane v52, v43  }
0xc2: {  	[hbm4b:s4+s3] =	stream.indirect_vreg.scatter [tilespmem:s14], [sflag:$0xA], $0x80, v53, vm0, $0xb8;
	[tilespmem:$0x18800] =	vst v63  }
0xc3: {  	s25 =	simm.s32 $0xD300;
	v52 =	vadd.s32 v42, v52  }
0xc4: {  	[hbm4b:s5+s3] =	stream.indirect_vreg.scatter [tilespmem:s25], [sflag:$0xA], $0x80, v53, vm0, $0xb8;
	[tilespmem:$0x18800] =	vst v63  }
0xc5: {  	s26 =	simm.s32 $0xDB00  }
0xc6: {  	[hbm4b:s6+s3] =	stream.indirect_vreg.scatter [tilespmem:s26], [sflag:$0xA], $0x80, v53, vm0, $0xb8;
	[tilespmem:$0x18800] =	vst v63  }
0xc7: {  	s28 =	simm.s32 $0xE300  }
0xc8: {  	[hbm4b:s2+s3] =	stream.indirect_vreg.scatter [tilespmem:s28], [sflag:$0xA], $0x80, v52, vm0, $0xb8;
	[tilespmem:$0x18800] =	vst v63  }
0xc9: {  	vm1 =	vge.s32 v16, v51;
	s29 =	simm.s32 $0xEB00  }
0xca: {  	v63 =	vsel vm1, $0x1, v40;
	vm1 =	vge.s32 v16, v50;
	[hbm4b:s4+s3] =	stream.indirect_vreg.scatter [tilespmem:s29], [sflag:$0xA], $0x80, v52, vm0, $0xb8;
	[tilespmem:$0x18800] =	vst v63  }
0xcb: {  	v57 =	vsel vm1, $0x1, v40;
	vm1 =	vge.s32 v16, v49;
	s11 =	simm.s32 $0xF300;
	v53 =	vadd.s32 v63, v17  }
0xcc: {  	v58 =	vsel vm1, $0x1, v40;
	vm1 =	vge.s32 v16, v48;
	v53 =	vadd.s32 v57, v53;
	[hbm4b:s5+s3] =	stream.indirect_vreg.scatter [tilespmem:s11], [sflag:$0xA], $0x80, v52, vm0, $0xb8;
	[tilespmem:$0x18800] =	vst v63  }
0xcd: {  	v59 =	vsel vm1, $0x1, v40;
	vm1 =	vge.s32 v16, v47;
	s13 =	simm.s32 $0xFB00;
	v53 =	vadd.s32 v58, v53  }
0xce: {  	v60 =	vsel vm1, $0x1, v40;
	vm1 =	vge.s32 v16, v46;
	v53 =	vadd.s32 v59, v53;
	[hbm4b:s6+s3] =	stream.indirect_vreg.scatter [tilespmem:s13], [sflag:$0xA], $0x80, v52, vm0, $0xb8;
	[tilespmem:$0x18800] =	vst v63  }
0xcf: {  	v61 =	vsel vm1, $0x1, v40;
	vm1 =	vge.s32 v16, v45;
	v52 =	vadd.s32 v60, v53;
	_ =	swait.ge [sflag:s17], $0x4000  }
0xd0: {  	v62 =	vsel vm1, $0x1, v40;
	v52 =	vadd.s32 v61, v52;
	[sflag:s17] =	ssyncset.done $0x0  }
0xd1: {  	v52 =	vadd.s32 v62, v52;
	[sflag:s17] =	ssyncadd.s32 $0xFFFFC000  }
0xd2: {  	s14 =	rddreg [dreg:$0xf];
	[tilespmem:$0x100] =	vst v52  }
0xd3: {  	[tilespmem:s10], [sflag:$0x3] =	stream.linear.gather [hbm4b:s14+s3], $0x4000, $0x38;
	[tilespmem:$0x18800] =	vst v63  }
0xd4: {  	s14 =	simm.s32 $0x5  }
0xd5: {  	_ =	swait.ge [sflag:s14], $0x4000  }
0xd6: {  	[sflag:s14] =	ssyncset.done $0x0  }
0xd7: {  	[sflag:s14] =	ssyncadd.s32 $0xFFFFC000  }
0xd8: {  	v63 =	vld [tilespmem:$0x200];
	_ =	sdelay $0x4  }
0xd9: {  	v56 =	vshll.u32 v63, $0x3  }
0xda: {  	v52 =	vand.u32 $0x7, v63;
	v53 =	vand.u32 $0xFFFFFFC0, v56  }
0xdb: {  	v52 =	vor.u32 v52, v53  }
0xdc: {  	v53 =	vperm.xlane v52, v41;
	_ =	sdelay $0x1  }
0xdd: {  	v53 =	vadd.s32 v42, v53;
	_ =	sdelay $0x3  }
0xde: {  	s13 =	simm.s32 $0x10300  }
0xdf: {  	[hbm4b:s2+s3] =	stream.indirect_vreg.scatter [tilespmem:s13], [sflag:$0xB], $0x80, v53, vm0, $0xb8;
	[tilespmem:$0x18800] =	vst v63  }
0xe0: {  	s25 =	simm.s32 $0x10B00;
	v52 =	vperm.xlane v52, v43  }
0xe1: {  	[hbm4b:s4+s3] =	stream.indirect_vreg.scatter [tilespmem:s25], [sflag:$0xB], $0x80, v53, vm0, $0xb8;
	[tilespmem:$0x18800] =	vst v63  }
0xe2: {  	s26 =	simm.s32 $0x11300;
	v52 =	vadd.s32 v42, v52  }
0xe3: {  	[hbm4b:s5+s3] =	stream.indirect_vreg.scatter [tilespmem:s26], [sflag:$0xB], $0x80, v53, vm0, $0xb8;
	[tilespmem:$0x18800] =	vst v63  }
0xe4: {  	s28 =	simm.s32 $0x11B00  }
0xe5: {  	[hbm4b:s6+s3] =	stream.indirect_vreg.scatter [tilespmem:s28], [sflag:$0xB], $0x80, v53, vm0, $0xb8;
	[tilespmem:$0x18800] =	vst v63  }
0xe6: {  	s29 =	simm.s32 $0x12300  }
0xe7: {  	[hbm4b:s2+s3] =	stream.indirect_vreg.scatter [tilespmem:s29], [sflag:$0xB], $0x80, v52, vm0, $0xb8;
	[tilespmem:$0x18800] =	vst v63  }
0xe8: {  	vm1 =	vge.s32 v18, v51;
	s10 =	simm.s32 $0x12B00  }
0xe9: {  	v57 =	vsel vm1, $0x1, v40;
	vm1 =	vge.s32 v18, v50;
	[hbm4b:s4+s3] =	stream.indirect_vreg.scatter [tilespmem:s10], [sflag:$0xB], $0x80, v52, vm0, $0xb8;
	[tilespmem:$0x18800] =	vst v63  }
0xea: {  	v58 =	vsel vm1, $0x1, v40;
	vm1 =	vge.s32 v18, v49;
	s11 =	simm.s32 $0x13300;
	v53 =	vadd.s32 v57, v19  }
0xeb: {  	v59 =	vsel vm1, $0x1, v40;
	vm1 =	vge.s32 v18, v48;
	v53 =	vadd.s32 v58, v53;
	[hbm4b:s5+s3] =	stream.indirect_vreg.scatter [tilespmem:s11], [sflag:$0xB], $0x80, v52, vm0, $0xb8;
	[tilespmem:$0x18800] =	vst v63  }
0xec: {  	s7 =	simm.s32 $0xA;
	v60 =	vsel vm1, $0x1, v40;
	vm1 =	vge.s32 v18, v47;
	s25 =	simm.s32 $0x13B00;
	v53 =	vadd.s32 v59, v53  }
0xed: {  	v61 =	vsel vm1, $0x1, v40;
	vm1 =	vge.s32 v18, v46;
	v53 =	vadd.s32 v60, v53;
	[hbm4b:s6+s3] =	stream.indirect_vreg.scatter [tilespmem:s25], [sflag:$0xB], $0x80, v52, vm0, $0xb8;
	[tilespmem:$0x18800] =	vst v63  }
0xee: {  	v62 =	vsel vm1, $0x1, v40;
	vm1 =	vge.s32 v18, v45;
	v52 =	vadd.s32 v61, v53;
	_ =	swait.ge [sflag:s7], $0x4000  }
0xef: {  	v63 =	vsel vm1, $0x1, v40;
	v52 =	vadd.s32 v62, v52;
	[sflag:s7] =	ssyncset.done $0x0  }
0xf0: {  	v52 =	vadd.s32 v63, v52;
	[sflag:s7] =	ssyncadd.s32 $0xFFFFC000  }
0xf1: {  	s26 =	rddreg [dreg:$0x10];
	[tilespmem:$0x180] =	vst v52  }
0xf2: {  	[tilespmem:s8], [sflag:$0x4] =	stream.linear.gather [hbm4b:s26+s3], $0x4000, $0x38;
	[tilespmem:$0x18800] =	vst v63  }
0xf3: {  	_ =	swait.ge [sflag:s31], $0x4000  }
0xf4: {  	[sflag:s31] =	ssyncset.done $0x0  }
0xf5: {  	[sflag:s31] =	ssyncadd.s32 $0xFFFFC000  }
0xf6: {  	v56 =	vld [tilespmem:$0x280];
	_ =	sdelay $0x4  }
0xf7: {  	v57 =	vshll.u32 v56, $0x3  }
0xf8: {  	v52 =	vand.u32 $0x7, v56;
	v53 =	vand.u32 $0xFFFFFFC0, v57  }
0xf9: {  	v52 =	vor.u32 v52, v53  }
0xfa: {  	v53 =	vperm.xlane v52, v41;
	_ =	sdelay $0x1  }
0xfb: {  	v53 =	vadd.s32 v42, v53;
	_ =	sdelay $0x3  }
0xfc: {  	s10 =	simm.s32 $0x14300  }
0xfd: {  	[hbm4b:s2+s3] =	stream.indirect_vreg.scatter [tilespmem:s10], [sflag:$0xC], $0x80, v53, vm0, $0xb8;
	[tilespmem:$0x18800] =	vst v63  }
0xfe: {  	s28 =	simm.s32 $0x14B00;
	v52 =	vperm.xlane v52, v43  }
0xff: {  	[hbm4b:s4+s3] =	stream.indirect_vreg.scatter [tilespmem:s28], [sflag:$0xC], $0x80, v53, vm0, $0xb8;
	[tilespmem:$0x18800] =	vst v63  }
0x100: {  	s29 =	simm.s32 $0x15300;
	v52 =	vadd.s32 v42, v52  }
0x101: {  	[hbm4b:s5+s3] =	stream.indirect_vreg.scatter [tilespmem:s29], [sflag:$0xC], $0x80, v53, vm0, $0xb8;
	[tilespmem:$0x18800] =	vst v63  }
0x102: {  	s11 =	simm.s32 $0x15B00  }
0x103: {  	[hbm4b:s6+s3] =	stream.indirect_vreg.scatter [tilespmem:s11], [sflag:$0xC], $0x80, v53, vm0, $0xb8;
	[tilespmem:$0x18800] =	vst v63  }
0x104: {  	s25 =	simm.s32 $0x16300  }
0x105: {  	[hbm4b:s2+s3] =	stream.indirect_vreg.scatter [tilespmem:s25], [sflag:$0xC], $0x80, v52, vm0, $0xb8;
	[tilespmem:$0x18800] =	vst v63  }
0x106: {  	vm1 =	vge.s32 v20, v51;
	s26 =	simm.s32 $0x16B00  }
0x107: {  	v58 =	vsel vm1, $0x1, v40;
	vm1 =	vge.s32 v20, v50;
	[hbm4b:s4+s3] =	stream.indirect_vreg.scatter [tilespmem:s26], [sflag:$0xC], $0x80, v52, vm0, $0xb8;
	[tilespmem:$0x18800] =	vst v63  }
0x108: {  	v59 =	vsel vm1, $0x1, v40;
	vm1 =	vge.s32 v20, v49;
	s28 =	simm.s32 $0x17300;
	v53 =	vadd.s32 v58, v21  }
0x109: {  	v60 =	vsel vm1, $0x1, v40;
	vm1 =	vge.s32 v20, v48;
	v53 =	vadd.s32 v59, v53;
	[hbm4b:s5+s3] =	stream.indirect_vreg.scatter [tilespmem:s28], [sflag:$0xC], $0x80, v52, vm0, $0xb8;
	[tilespmem:$0x18800] =	vst v63  }
0x10a: {  	v61 =	vsel vm1, $0x1, v40;
	vm1 =	vge.s32 v20, v47;
	s29 =	simm.s32 $0x17B00;
	v53 =	vadd.s32 v60, v53  }
0x10b: {  	v62 =	vsel vm1, $0x1, v40;
	vm1 =	vge.s32 v20, v46;
	v53 =	vadd.s32 v61, v53;
	[hbm4b:s6+s3] =	stream.indirect_vreg.scatter [tilespmem:s29], [sflag:$0xC], $0x80, v52, vm0, $0xb8;
	[tilespmem:$0x18800] =	vst v63  }
0x10c: {  	v63 =	vsel vm1, $0x1, v40;
	vm1 =	vge.s32 v20, v45;
	v52 =	vadd.s32 v62, v53;
	_ =	swait.ge [sflag:s12], $0x4000  }
0x10d: {  	v56 =	vsel vm1, $0x1, v40;
	v52 =	vadd.s32 v63, v52;
	[sflag:s12] =	ssyncset.done $0x0  }
0x10e: {  	v52 =	vadd.s32 v56, v52;
	[sflag:s12] =	ssyncadd.s32 $0xFFFFC000  }
0x10f: {  	s8 =	rddreg [dreg:$0x11];
	[tilespmem:$0x200] =	vst v52  }
0x110: {  	[tilespmem:s13], [sflag:$0x5] =	stream.linear.gather [hbm4b:s8+s3], $0x4000, $0x38;
	[tilespmem:$0x18800] =	vst v63  }
0x111: {  	_ =	swait.ge [sflag:s23], $0x4000  }
0x112: {  	[sflag:s23] =	ssyncset.done $0x0  }
0x113: {  	[sflag:s23] =	ssyncadd.s32 $0xFFFFC000  }
0x114: {  	v57 =	vld [tilespmem:$0x0];
	_ =	sdelay $0x4  }
0x115: {  	v58 =	vshll.u32 v57, $0x3  }
0x116: {  	v52 =	vand.u32 $0x7, v57;
	v53 =	vand.u32 $0xFFFFFFC0, v58  }
0x117: {  	v52 =	vor.u32 v52, v53  }
0x118: {  	v53 =	vperm.xlane v52, v41;
	_ =	sdelay $0x1  }
0x119: {  	v53 =	vadd.s32 v42, v53;
	_ =	sdelay $0x3  }
0x11a: {  	s11 =	simm.s32 $0x300  }
0x11b: {  	[hbm4b:s2+s3] =	stream.indirect_vreg.scatter [tilespmem:s11], [sflag:$0x7], $0x80, v53, vm0, $0xb8;
	[tilespmem:$0x18800] =	vst v63  }
0x11c: {  	s9 =	simm.s32 $0xB00;
	v52 =	vperm.xlane v52, v43  }
0x11d: {  	[hbm4b:s4+s3] =	stream.indirect_vreg.scatter [tilespmem:s9], [sflag:$0x7], $0x80, v53, vm0, $0xb8;
	[tilespmem:$0x18800] =	vst v63  }
0x11e: {  	v52 =	vadd.s32 v42, v52;
	s9 =	simm.s32 $0x1300  }
0x11f: {  	[hbm4b:s5+s3] =	stream.indirect_vreg.scatter [tilespmem:s9], [sflag:$0x7], $0x80, v53, vm0, $0xb8;
	[tilespmem:$0x18800] =	vst v63  }
0x120: {  	s13 =	simm.s32 $0x1B00  }
0x121: {  	[hbm4b:s6+s3] =	stream.indirect_vreg.scatter [tilespmem:s13], [sflag:$0x7], $0x80, v53, vm0, $0xb8;
	[tilespmem:$0x18800] =	vst v63  }
0x122: {  	s25 =	simm.s32 $0x2300  }
0x123: {  	[hbm4b:s2+s3] =	stream.indirect_vreg.scatter [tilespmem:s25], [sflag:$0x7], $0x80, v52, vm0, $0xb8;
	[tilespmem:$0x18800] =	vst v63  }
0x124: {  	vm1 =	vge.s32 v22, v51;
	s26 =	simm.s32 $0x2B00  }
0x125: {  	v59 =	vsel vm1, $0x1, v40;
	vm1 =	vge.s32 v22, v50;
	[hbm4b:s4+s3] =	stream.indirect_vreg.scatter [tilespmem:s26], [sflag:$0x7], $0x80, v52, vm0, $0xb8;
	[tilespmem:$0x18800] =	vst v63  }
0x126: {  	v60 =	vsel vm1, $0x1, v40;
	vm1 =	vge.s32 v22, v49;
	s28 =	simm.s32 $0x3300;
	v53 =	vadd.s32 v59, v23  }
0x127: {  	v61 =	vsel vm1, $0x1, v40;
	vm1 =	vge.s32 v22, v48;
	v53 =	vadd.s32 v60, v53;
	[hbm4b:s5+s3] =	stream.indirect_vreg.scatter [tilespmem:s28], [sflag:$0x7], $0x80, v52, vm0, $0xb8;
	[tilespmem:$0x18800] =	vst v63  }
0x128: {  	v62 =	vsel vm1, $0x1, v40;
	vm1 =	vge.s32 v22, v47;
	s29 =	simm.s32 $0x3B00;
	s13 =	simm.s32 $0xC;
	v53 =	vadd.s32 v61, v53  }
0x129: {  	v63 =	vsel vm1, $0x1, v40;
	vm1 =	vge.s32 v22, v46;
	v53 =	vadd.s32 v62, v53;
	[hbm4b:s6+s3] =	stream.indirect_vreg.scatter [tilespmem:s29], [sflag:$0x7], $0x80, v52, vm0, $0xb8;
	[tilespmem:$0x18800] =	vst v63  }
0x12a: {  	v57 =	vsel vm1, $0x1, v40;
	vm1 =	vge.s32 v22, v45;
	v52 =	vadd.s32 v63, v53;
	_ =	swait.ge [sflag:s13], $0x4000  }
0x12b: {  	v58 =	vsel vm1, $0x1, v40;
	v52 =	vadd.s32 v57, v52;
	[sflag:s13] =	ssyncset.done $0x0  }
0x12c: {  	v52 =	vadd.s32 v58, v52;
	[sflag:s13] =	ssyncadd.s32 $0xFFFFC000  }
0x12d: {  	s9 =	rddreg [dreg:$0x12];
	[tilespmem:$0x280] =	vst v52  }
0x12e: {  	[tilespmem:s10], [sflag:$0x6] =	stream.linear.gather [hbm4b:s9+s3], $0x4000, $0x38;
	[tilespmem:$0x18800] =	vst v63  }
0x12f: {  	_ =	swait.ge [sflag:s0], $0x4000  }
0x130: {  	[sflag:s0] =	ssyncset.done $0x0  }
0x131: {  	[sflag:s0] =	ssyncadd.s32 $0xFFFFC000  }
0x132: {  	v59 =	vld [tilespmem:$0x80];
	_ =	sdelay $0x4  }
0x133: {  	v60 =	vshll.u32 v59, $0x3  }
0x134: {  	v52 =	vand.u32 $0x7, v59;
	v53 =	vand.u32 $0xFFFFFFC0, v60  }
0x135: {  	v52 =	vor.u32 v52, v53  }
0x136: {  	v53 =	vperm.xlane v52, v41;
	_ =	sdelay $0x1  }
0x137: {  	v53 =	vadd.s32 v42, v53;
	_ =	sdelay $0x3  }
0x138: {  	s9 =	simm.s32 $0x4300  }
0x139: {  	[hbm4b:s2+s3] =	stream.indirect_vreg.scatter [tilespmem:s9], [sflag:$0x8], $0x80, v53, vm0, $0xb8;
	[tilespmem:$0x18800] =	vst v63  }
0x13a: {  	s16 =	simm.s32 $0x4B00;
	v52 =	vperm.xlane v52, v43  }
0x13b: {  	[hbm4b:s4+s3] =	stream.indirect_vreg.scatter [tilespmem:s16], [sflag:$0x8], $0x80, v53, vm0, $0xb8;
	[tilespmem:$0x18800] =	vst v63  }
0x13c: {  	v52 =	vadd.s32 v42, v52;
	s16 =	simm.s32 $0x5300  }
0x13d: {  	[hbm4b:s5+s3] =	stream.indirect_vreg.scatter [tilespmem:s16], [sflag:$0x8], $0x80, v53, vm0, $0xb8;
	[tilespmem:$0x18800] =	vst v63  }
0x13e: {  	s25 =	simm.s32 $0x5B00  }
0x13f: {  	[hbm4b:s6+s3] =	stream.indirect_vreg.scatter [tilespmem:s25], [sflag:$0x8], $0x80, v53, vm0, $0xb8;
	[tilespmem:$0x18800] =	vst v63  }
0x140: {  	s26 =	simm.s32 $0x6300  }
0x141: {  	[hbm4b:s2+s3] =	stream.indirect_vreg.scatter [tilespmem:s26], [sflag:$0x8], $0x80, v52, vm0, $0xb8;
	[tilespmem:$0x18800] =	vst v63  }
0x142: {  	vm1 =	vge.s32 v24, v51;
	s28 =	simm.s32 $0x6B00  }
0x143: {  	v61 =	vsel vm1, $0x1, v40;
	vm1 =	vge.s32 v24, v50;
	[hbm4b:s4+s3] =	stream.indirect_vreg.scatter [tilespmem:s28], [sflag:$0x8], $0x80, v52, vm0, $0xb8;
	[tilespmem:$0x18800] =	vst v63  }
0x144: {  	v62 =	vsel vm1, $0x1, v40;
	vm1 =	vge.s32 v24, v49;
	s29 =	simm.s32 $0x7300;
	v53 =	vadd.s32 v61, v25  }
0x145: {  	v63 =	vsel vm1, $0x1, v40;
	vm1 =	vge.s32 v24, v48;
	v53 =	vadd.s32 v62, v53;
	[hbm4b:s5+s3] =	stream.indirect_vreg.scatter [tilespmem:s29], [sflag:$0x8], $0x80, v52, vm0, $0xb8;
	[tilespmem:$0x18800] =	vst v63  }
0x146: {  	v57 =	vsel vm1, $0x1, v40;
	vm1 =	vge.s32 v24, v47;
	s10 =	simm.s32 $0x7B00;
	v53 =	vadd.s32 v63, v53  }
0x147: {  	v58 =	vsel vm1, $0x1, v40;
	vm1 =	vge.s32 v24, v46;
	v53 =	vadd.s32 v57, v53;
	[hbm4b:s6+s3] =	stream.indirect_vreg.scatter [tilespmem:s10], [sflag:$0x8], $0x80, v52, vm0, $0xb8;
	[tilespmem:$0x18800] =	vst v63  }
0x148: {  	v59 =	vsel vm1, $0x1, v40;
	vm1 =	vge.s32 v24, v45;
	v52 =	vadd.s32 v58, v53;
	_ =	swait.ge [sflag:s1], $0x4000  }
0x149: {  	v60 =	vsel vm1, $0x1, v40;
	v52 =	vadd.s32 v59, v52;
	[sflag:s1] =	ssyncset.done $0x0  }
0x14a: {  	v52 =	vadd.s32 v60, v52;
	[sflag:s1] =	ssyncadd.s32 $0xFFFFC000  }
0x14b: {  	s16 =	rddreg [dreg:$0x13];
	[tilespmem:$0x0] =	vst v52  }
0x14c: {  	[tilespmem:s11], [sflag:$0x1] =	stream.linear.gather [hbm4b:s16+s3], $0x4000, $0x38;
	[tilespmem:$0x18800] =	vst v63  }
0x14d: {  	_ =	swait.ge [sflag:s21], $0x4000  }
0x14e: {  	[sflag:s21] =	ssyncset.done $0x0  }
0x14f: {  	[sflag:s21] =	ssyncadd.s32 $0xFFFFC000  }
0x150: {  	v61 =	vld [tilespmem:$0x100];
	_ =	sdelay $0x4  }
0x151: {  	v62 =	vshll.u32 v61, $0x3  }
0x152: {  	v52 =	vand.u32 $0x7, v61;
	v53 =	vand.u32 $0xFFFFFFC0, v62  }
0x153: {  	v52 =	vor.u32 v52, v53  }
0x154: {  	v53 =	vperm.xlane v52, v41;
	_ =	sdelay $0x1  }
0x155: {  	v53 =	vadd.s32 v42, v53;
	_ =	sdelay $0x3  }
0x156: {  	s16 =	simm.s32 $0x8300  }
0x157: {  	[hbm4b:s2+s3] =	stream.indirect_vreg.scatter [tilespmem:s16], [sflag:$0x9], $0x80, v53, vm0, $0xb8;
	[tilespmem:$0x18800] =	vst v63  }
0x158: {  	s26 =	simm.s32 $0x8B00;
	v52 =	vperm.xlane v52, v43  }
0x159: {  	[hbm4b:s4+s3] =	stream.indirect_vreg.scatter [tilespmem:s26], [sflag:$0x9], $0x80, v53, vm0, $0xb8;
	[tilespmem:$0x18800] =	vst v63  }
0x15a: {  	s28 =	simm.s32 $0x9300;
	v52 =	vadd.s32 v42, v52  }
0x15b: {  	[hbm4b:s5+s3] =	stream.indirect_vreg.scatter [tilespmem:s28], [sflag:$0x9], $0x80, v53, vm0, $0xb8;
	[tilespmem:$0x18800] =	vst v63  }
0x15c: {  	s29 =	simm.s32 $0x9B00  }
0x15d: {  	[hbm4b:s6+s3] =	stream.indirect_vreg.scatter [tilespmem:s29], [sflag:$0x9], $0x80, v53, vm0, $0xb8;
	[tilespmem:$0x18800] =	vst v63  }
0x15e: {  	s10 =	simm.s32 $0xA300  }
0x15f: {  	[hbm4b:s2+s3] =	stream.indirect_vreg.scatter [tilespmem:s10], [sflag:$0x9], $0x80, v52, vm0, $0xb8;
	[tilespmem:$0x18800] =	vst v63  }
0x160: {  	vm1 =	vge.s32 v26, v51;
	s29 =	simm.s32 $0xAB00  }
0x161: {  	v63 =	vsel vm1, $0x1, v40;
	vm1 =	vge.s32 v26, v50;
	[hbm4b:s4+s3] =	stream.indirect_vreg.scatter [tilespmem:s29], [sflag:$0x9], $0x80, v52, vm0, $0xb8;
	[tilespmem:$0x18800] =	vst v63  }
0x162: {  	v57 =	vsel vm1, $0x1, v40;
	vm1 =	vge.s32 v26, v49;
	s28 =	simm.s32 $0xB300;
	v53 =	vadd.s32 v63, v27  }
0x163: {  	v58 =	vsel vm1, $0x1, v40;
	vm1 =	vge.s32 v26, v48;
	v53 =	vadd.s32 v57, v53;
	[hbm4b:s5+s3] =	stream.indirect_vreg.scatter [tilespmem:s28], [sflag:$0x9], $0x80, v52, vm0, $0xb8;
	[tilespmem:$0x18800] =	vst v63  }
0x164: {  	v59 =	vsel vm1, $0x1, v40;
	vm1 =	vge.s32 v26, v47;
	s26 =	simm.s32 $0xBB00;
	v53 =	vadd.s32 v58, v53  }
0x165: {  	v60 =	vsel vm1, $0x1, v40;
	vm1 =	vge.s32 v26, v46;
	v53 =	vadd.s32 v59, v53;
	[hbm4b:s6+s3] =	stream.indirect_vreg.scatter [tilespmem:s26], [sflag:$0x9], $0x80, v52, vm0, $0xb8;
	[tilespmem:$0x18800] =	vst v63  }
0x166: {  	v61 =	vsel vm1, $0x1, v40;
	vm1 =	vge.s32 v26, v45;
	v52 =	vadd.s32 v60, v53;
	_ =	swait.ge [sflag:s24], $0x4000  }
0x167: {  	v62 =	vsel vm1, $0x1, v40;
	v52 =	vadd.s32 v61, v52;
	[sflag:s24] =	ssyncset.done $0x0  }
0x168: {  	v52 =	vadd.s32 v62, v52;
	[sflag:s24] =	ssyncadd.s32 $0xFFFFC000  }
0x169: {  	s11 =	rddreg [dreg:$0x14];
	[tilespmem:$0x80] =	vst v52  }
0x16a: {  	[tilespmem:s9], [sflag:$0x2] =	stream.linear.gather [hbm4b:s11+s3], $0x4000, $0x38;
	[tilespmem:$0x18800] =	vst v63  }
0x16b: {  	_ =	swait.ge [sflag:s15], $0x4000  }
0x16c: {  	[sflag:s15] =	ssyncset.done $0x0  }
0x16d: {  	[sflag:s15] =	ssyncadd.s32 $0xFFFFC000  }
0x16e: {  	v63 =	vld [tilespmem:$0x180];
	_ =	sdelay $0x4  }
0x16f: {  	v56 =	vshll.u32 v63, $0x3  }
0x170: {  	v52 =	vand.u32 $0x7, v63;
	v53 =	vand.u32 $0xFFFFFFC0, v56  }
0x171: {  	v52 =	vor.u32 v52, v53  }
0x172: {  	v53 =	vperm.xlane v52, v41;
	_ =	sdelay $0x1  }
0x173: {  	v53 =	vadd.s32 v42, v53;
	_ =	sdelay $0x4  }
0x174: {  	[hbm4b:s2+s3] =	stream.indirect_vreg.scatter [tilespmem:s19], [sflag:$0xA], $0x80, v53, vm0, $0xb8;
	[tilespmem:$0x18800] =	vst v63  }
0x175: {  	s10 =	simm.s32 $0xCB00;
	v52 =	vperm.xlane v52, v43  }
0x176: {  	[hbm4b:s4+s3] =	stream.indirect_vreg.scatter [tilespmem:s10], [sflag:$0xA], $0x80, v53, vm0, $0xb8;
	[tilespmem:$0x18800] =	vst v63  }
0x177: {  	s8 =	simm.s32 $0xD300;
	v52 =	vadd.s32 v42, v52  }
0x178: {  	[hbm4b:s5+s3] =	stream.indirect_vreg.scatter [tilespmem:s8], [sflag:$0xA], $0x80, v53, vm0, $0xb8;
	[tilespmem:$0x18800] =	vst v63  }
0x179: {  	s9 =	simm.s32 $0xDB00  }
0x17a: {  	[hbm4b:s6+s3] =	stream.indirect_vreg.scatter [tilespmem:s9], [sflag:$0xA], $0x80, v53, vm0, $0xb8;
	[tilespmem:$0x18800] =	vst v63  }
0x17b: {  	s11 =	simm.s32 $0xE300  }
0x17c: {  	[hbm4b:s2+s3] =	stream.indirect_vreg.scatter [tilespmem:s11], [sflag:$0xA], $0x80, v52, vm0, $0xb8;
	[tilespmem:$0x18800] =	vst v63  }
0x17d: {  	vm1 =	vge.s32 v28, v51  }
0x17e: {  	v57 =	vsel vm1, $0x1, v40;
	vm1 =	vge.s32 v28, v50;
	[hbm4b:s4+s3] =	stream.indirect_vreg.scatter [tilespmem:s22], [sflag:$0xA], $0x80, v52, vm0, $0xb8;
	[tilespmem:$0x18800] =	vst v63  }
0x17f: {  	v58 =	vsel vm1, $0x1, v40;
	vm1 =	vge.s32 v28, v49;
	v53 =	vadd.s32 v57, v29  }
0x180: {  	v59 =	vsel vm1, $0x1, v40;
	vm1 =	vge.s32 v28, v48;
	v53 =	vadd.s32 v58, v53;
	[hbm4b:s5+s3] =	stream.indirect_vreg.scatter [tilespmem:s30], [sflag:$0xA], $0x80, v52, vm0, $0xb8;
	[tilespmem:$0x18800] =	vst v63  }
0x181: {  	v60 =	vsel vm1, $0x1, v40;
	vm1 =	vge.s32 v28, v47;
	v53 =	vadd.s32 v59, v53  }
0x182: {  	v61 =	vsel vm1, $0x1, v40;
	vm1 =	vge.s32 v28, v46;
	v53 =	vadd.s32 v60, v53;
	[hbm4b:s6+s3] =	stream.indirect_vreg.scatter [tilespmem:s20], [sflag:$0xA], $0x80, v52, vm0, $0xb8;
	[tilespmem:$0x18800] =	vst v63  }
0x183: {  	v62 =	vsel vm1, $0x1, v40;
	vm1 =	vge.s32 v28, v45;
	v52 =	vadd.s32 v61, v53;
	_ =	swait.ge [sflag:s17], $0x4000  }
0x184: {  	v63 =	vsel vm1, $0x1, v40;
	v52 =	vadd.s32 v62, v52;
	[sflag:s17] =	ssyncset.done $0x0  }
0x185: {  	v52 =	vadd.s32 v63, v52;
	[sflag:s17] =	ssyncadd.s32 $0xFFFFC000  }
0x186: {  	s25 =	rddreg [dreg:$0x15];
	[tilespmem:$0x100] =	vst v52  }
0x187: {  	[tilespmem:s16], [sflag:$0x3] =	stream.linear.gather [hbm4b:s25+s3], $0x4000, $0x38;
	[tilespmem:$0x18800] =	vst v63  }
0x188: {  	_ =	swait.ge [sflag:s14], $0x4000  }
0x189: {  	[sflag:s14] =	ssyncset.done $0x0  }
0x18a: {  	[sflag:s14] =	ssyncadd.s32 $0xFFFFC000  }
0x18b: {  	v56 =	vld [tilespmem:$0x200];
	_ =	sdelay $0x4  }
0x18c: {  	v57 =	vshll.u32 v56, $0x3  }
0x18d: {  	v52 =	vand.u32 $0x7, v56;
	v53 =	vand.u32 $0xFFFFFFC0, v57  }
0x18e: {  	v52 =	vor.u32 v52, v53  }
0x18f: {  	v53 =	vperm.xlane v52, v41;
	_ =	sdelay $0x1  }
0x190: {  	v53 =	vadd.s32 v42, v53;
	_ =	sdelay $0x3  }
0x191: {  	s25 =	simm.s32 $0x10300  }
0x192: {  	[hbm4b:s2+s3] =	stream.indirect_vreg.scatter [tilespmem:s25], [sflag:$0xB], $0x80, v53, vm0, $0xb8;
	[tilespmem:$0x18800] =	vst v63  }
0x193: {  	v52 =	vperm.xlane v52, v43;
	s25 =	simm.s32 $0x10B00  }
0x194: {  	[hbm4b:s4+s3] =	stream.indirect_vreg.scatter [tilespmem:s25], [sflag:$0xB], $0x80, v53, vm0, $0xb8;
	[tilespmem:$0x18800] =	vst v63  }
0x195: {  	v52 =	vadd.s32 v42, v52;
	s25 =	simm.s32 $0x11300  }
0x196: {  	[hbm4b:s5+s3] =	stream.indirect_vreg.scatter [tilespmem:s25], [sflag:$0xB], $0x80, v53, vm0, $0xb8;
	[tilespmem:$0x18800] =	vst v63  }
0x197: {  	s25 =	simm.s32 $0x11B00  }
0x198: {  	[hbm4b:s6+s3] =	stream.indirect_vreg.scatter [tilespmem:s25], [sflag:$0xB], $0x80, v53, vm0, $0xb8;
	[tilespmem:$0x18800] =	vst v63  }
0x199: {  	s25 =	simm.s32 $0x12300  }
0x19a: {  	[hbm4b:s2+s3] =	stream.indirect_vreg.scatter [tilespmem:s25], [sflag:$0xB], $0x80, v52, vm0, $0xb8;
	[tilespmem:$0x18800] =	vst v63  }
0x19b: {  	vm1 =	vge.s32 v30, v51;
	s25 =	simm.s32 $0x12B00  }
0x19c: {  	v51 =	vsel vm1, $0x1, v40;
	vm1 =	vge.s32 v30, v50;
	[hbm4b:s4+s3] =	stream.indirect_vreg.scatter [tilespmem:s25], [sflag:$0xB], $0x80, v52, vm0, $0xb8;
	[tilespmem:$0x18800] =	vst v63  }
0x19d: {  	v50 =	vsel vm1, $0x1, v40;
	vm1 =	vge.s32 v30, v49;
	v58 =	vadd.s32 v51, v31;
	s25 =	simm.s32 $0x13300  }
0x19e: {  	v59 =	vsel vm1, $0x1, v40;
	vm1 =	vge.s32 v30, v48;
	v60 =	vadd.s32 v50, v58;
	[hbm4b:s5+s3] =	stream.indirect_vreg.scatter [tilespmem:s25], [sflag:$0xB], $0x80, v52, vm0, $0xb8;
	[tilespmem:$0x18800] =	vst v63  }
0x19f: {  	v61 =	vsel vm1, $0x1, v40;
	vm1 =	vge.s32 v30, v47;
	v62 =	vadd.s32 v59, v60;
	s25 =	simm.s32 $0x13B00  }
0x1a0: {  	v63 =	vsel vm1, $0x1, v40;
	vm1 =	vge.s32 v30, v46;
	v50 =	vadd.s32 v61, v62;
	[hbm4b:s6+s3] =	stream.indirect_vreg.scatter [tilespmem:s25], [sflag:$0xB], $0x80, v52, vm0, $0xb8;
	[tilespmem:$0x18800] =	vst v63  }
0x1a1: {  	v51 =	vsel vm1, $0x1, v40;
	vm1 =	vge.s32 v30, v45;
	v52 =	vadd.s32 v63, v50;
	_ =	swait.ge [sflag:s7], $0x4000  }
0x1a2: {  	v53 =	vsel vm1, $0x1, v40;
	v45 =	vadd.s32 v51, v52;
	[sflag:s7] =	ssyncset.done $0x0  }
0x1a3: {  	v45 =	vadd.s32 v53, v45;
	[sflag:s7] =	ssyncadd.s32 $0xFFFFC000  }
0x1a4: {  	s14 =	rddreg [dreg:$0x16];
	[tilespmem:$0x180] =	vst v45  }
0x1a5: {  	[tilespmem:s19], [sflag:$0x4] =	stream.linear.gather [hbm4b:s14+s3], $0x4000, $0x38;
	[tilespmem:$0x18800] =	vst v63  }
0x1a6: {  	_ =	swait.ge [sflag:s31], $0x4000  }
0x1a7: {  	[sflag:s31] =	ssyncset.done $0x0  }
0x1a8: {  	[sflag:s31] =	ssyncadd.s32 $0xFFFFC000  }
0x1a9: {  	v54 =	vld [tilespmem:$0x280];
	_ =	sdelay $0x4  }
0x1aa: {  	v55 =	vshll.u32 v54, $0x3  }
0x1ab: {  	v45 =	vand.u32 $0x7, v54;
	v46 =	vand.u32 $0xFFFFFFC0, v55  }
0x1ac: {  	v45 =	vor.u32 v45, v46  }
0x1ad: {  	v46 =	vperm.xlane v45, v41;
	_ =	sdelay $0x1  }
0x1ae: {  	v46 =	vadd.s32 v42, v46;
	_ =	sdelay $0x3  }
0x1af: {  	s14 =	simm.s32 $0x14300  }
0x1b0: {  	[hbm4b:s2+s3] =	stream.indirect_vreg.scatter [tilespmem:s14], [sflag:$0xC], $0x80, v46, vm0, $0xb8;
	[tilespmem:$0x18800] =	vst v63  }
0x1b1: {  	v45 =	vperm.xlane v45, v43;
	s14 =	simm.s32 $0x14B00  }
0x1b2: {  	[hbm4b:s4+s3] =	stream.indirect_vreg.scatter [tilespmem:s14], [sflag:$0xC], $0x80, v46, vm0, $0xb8;
	[tilespmem:$0x18800] =	vst v63  }
0x1b3: {  	v45 =	vadd.s32 v42, v45;
	s14 =	simm.s32 $0x15300  }
0x1b4: {  	[hbm4b:s5+s3] =	stream.indirect_vreg.scatter [tilespmem:s14], [sflag:$0xC], $0x80, v46, vm0, $0xb8;
	[tilespmem:$0x18800] =	vst v63  }
0x1b5: {  	s14 =	simm.s32 $0x15B00  }
0x1b6: {  	[hbm4b:s6+s3] =	stream.indirect_vreg.scatter [tilespmem:s14], [sflag:$0xC], $0x80, v46, vm0, $0xb8;
	[tilespmem:$0x18800] =	vst v63  }
0x1b7: {  	s14 =	simm.s32 $0x16300  }
0x1b8: {  	[hbm4b:s2+s3] =	stream.indirect_vreg.scatter [tilespmem:s14], [sflag:$0xC], $0x80, v45, vm0, $0xb8;
	[tilespmem:$0x18800] =	vst v63  }
0x1b9: {  	s14 =	simm.s32 $0x16B00  }
0x1ba: {  	[hbm4b:s4+s3] =	stream.indirect_vreg.scatter [tilespmem:s14], [sflag:$0xC], $0x80, v45, vm0, $0xb8;
	[tilespmem:$0x18800] =	vst v63  }
0x1bb: {  	s14 =	simm.s32 $0x17300  }
0x1bc: {  	[hbm4b:s5+s3] =	stream.indirect_vreg.scatter [tilespmem:s14], [sflag:$0xC], $0x80, v45, vm0, $0xb8;
	[tilespmem:$0x18800] =	vst v63  }
0x1bd: {  	s14 =	simm.s32 $0x17B00  }
0x1be: {  	[hbm4b:s6+s3] =	stream.indirect_vreg.scatter [tilespmem:s14], [sflag:$0xC], $0x80, v45, vm0, $0xb8;
	[tilespmem:$0x18800] =	vst v63  }
0x1bf: {  	_ =	swait.ge [sflag:s23], $0x4000  }
0x1c0: {  	[sflag:s23] =	ssyncset.done $0x0  }
0x1c1: {  	[sflag:s23] =	ssyncadd.s32 $0xFFFFC000  }
0x1c2: {  	v56 =	vld [tilespmem:$0x0];
	_ =	sdelay $0x4  }
0x1c3: {  	v57 =	vshll.u32 v56, $0x3  }
0x1c4: {  	v45 =	vand.u32 $0x7, v56;
	v46 =	vand.u32 $0xFFFFFFC0, v57  }
0x1c5: {  	v45 =	vor.u32 v45, v46  }
0x1c6: {  	v46 =	vperm.xlane v45, v41;
	_ =	sdelay $0x1  }
0x1c7: {  	v46 =	vadd.s32 v42, v46;
	_ =	sdelay $0x3  }
0x1c8: {  	s14 =	simm.s32 $0x300  }
0x1c9: {  	[hbm4b:s2+s3] =	stream.indirect_vreg.scatter [tilespmem:s14], [sflag:$0x7], $0x80, v46, vm0, $0xb8;
	[tilespmem:$0x18800] =	vst v63  }
0x1ca: {  	v45 =	vperm.xlane v45, v43;
	s14 =	simm.s32 $0xB00  }
0x1cb: {  	[hbm4b:s4+s3] =	stream.indirect_vreg.scatter [tilespmem:s14], [sflag:$0x7], $0x80, v46, vm0, $0xb8;
	[tilespmem:$0x18800] =	vst v63  }
0x1cc: {  	v45 =	vadd.s32 v42, v45;
	s14 =	simm.s32 $0x1300  }
0x1cd: {  	[hbm4b:s5+s3] =	stream.indirect_vreg.scatter [tilespmem:s14], [sflag:$0x7], $0x80, v46, vm0, $0xb8;
	[tilespmem:$0x18800] =	vst v63  }
0x1ce: {  	s14 =	simm.s32 $0x1B00  }
0x1cf: {  	[hbm4b:s6+s3] =	stream.indirect_vreg.scatter [tilespmem:s14], [sflag:$0x7], $0x80, v46, vm0, $0xb8;
	[tilespmem:$0x18800] =	vst v63  }
0x1d0: {  	s14 =	simm.s32 $0x2300  }
0x1d1: {  	[hbm4b:s2+s3] =	stream.indirect_vreg.scatter [tilespmem:s14], [sflag:$0x7], $0x80, v45, vm0, $0xb8;
	[tilespmem:$0x18800] =	vst v63  }
0x1d2: {  	s14 =	simm.s32 $0x2B00  }
0x1d3: {  	[hbm4b:s4+s3] =	stream.indirect_vreg.scatter [tilespmem:s14], [sflag:$0x7], $0x80, v45, vm0, $0xb8;
	[tilespmem:$0x18800] =	vst v63  }
0x1d4: {  	s14 =	simm.s32 $0x3300  }
0x1d5: {  	[hbm4b:s5+s3] =	stream.indirect_vreg.scatter [tilespmem:s14], [sflag:$0x7], $0x80, v45, vm0, $0xb8;
	[tilespmem:$0x18800] =	vst v63  }
0x1d6: {  	s14 =	simm.s32 $0x3B00  }
0x1d7: {  	[hbm4b:s6+s3] =	stream.indirect_vreg.scatter [tilespmem:s14], [sflag:$0x7], $0x80, v45, vm0, $0xb8;
	[tilespmem:$0x18800] =	vst v63  }
0x1d8: {  	_ =	swait.ge [sflag:s0], $0x4000  }
0x1d9: {  	[sflag:s0] =	ssyncset.done $0x0  }
0x1da: {  	[sflag:s0] =	ssyncadd.s32 $0xFFFFC000  }
0x1db: {  	v58 =	vld [tilespmem:$0x80];
	_ =	sdelay $0x4  }
0x1dc: {  	v59 =	vshll.u32 v58, $0x3  }
0x1dd: {  	v45 =	vand.u32 $0x7, v58;
	v46 =	vand.u32 $0xFFFFFFC0, v59  }
0x1de: {  	v45 =	vor.u32 v45, v46  }
0x1df: {  	v46 =	vperm.xlane v45, v41;
	_ =	sdelay $0x1  }
0x1e0: {  	v46 =	vadd.s32 v42, v46;
	_ =	sdelay $0x3  }
0x1e1: {  	s14 =	simm.s32 $0x4300  }
0x1e2: {  	[hbm4b:s2+s3] =	stream.indirect_vreg.scatter [tilespmem:s14], [sflag:$0x8], $0x80, v46, vm0, $0xb8;
	[tilespmem:$0x18800] =	vst v63  }
0x1e3: {  	v45 =	vperm.xlane v45, v43;
	s14 =	simm.s32 $0x4B00  }
0x1e4: {  	[hbm4b:s4+s3] =	stream.indirect_vreg.scatter [tilespmem:s14], [sflag:$0x8], $0x80, v46, vm0, $0xb8;
	[tilespmem:$0x18800] =	vst v63  }
0x1e5: {  	v45 =	vadd.s32 v42, v45;
	s14 =	simm.s32 $0x5300  }
0x1e6: {  	[hbm4b:s5+s3] =	stream.indirect_vreg.scatter [tilespmem:s14], [sflag:$0x8], $0x80, v46, vm0, $0xb8;
	[tilespmem:$0x18800] =	vst v63  }
0x1e7: {  	s14 =	simm.s32 $0x5B00  }
0x1e8: {  	[hbm4b:s6+s3] =	stream.indirect_vreg.scatter [tilespmem:s14], [sflag:$0x8], $0x80, v46, vm0, $0xb8;
	[tilespmem:$0x18800] =	vst v63  }
0x1e9: {  	s14 =	simm.s32 $0x6300  }
0x1ea: {  	[hbm4b:s2+s3] =	stream.indirect_vreg.scatter [tilespmem:s14], [sflag:$0x8], $0x80, v45, vm0, $0xb8;
	[tilespmem:$0x18800] =	vst v63  }
0x1eb: {  	s14 =	simm.s32 $0x6B00  }
0x1ec: {  	[hbm4b:s4+s3] =	stream.indirect_vreg.scatter [tilespmem:s14], [sflag:$0x8], $0x80, v45, vm0, $0xb8;
	[tilespmem:$0x18800] =	vst v63  }
0x1ed: {  	s14 =	simm.s32 $0x7300  }
0x1ee: {  	[hbm4b:s5+s3] =	stream.indirect_vreg.scatter [tilespmem:s14], [sflag:$0x8], $0x80, v45, vm0, $0xb8;
	[tilespmem:$0x18800] =	vst v63  }
0x1ef: {  	s14 =	simm.s32 $0x7B00  }
0x1f0: {  	[hbm4b:s6+s3] =	stream.indirect_vreg.scatter [tilespmem:s14], [sflag:$0x8], $0x80, v45, vm0, $0xb8;
	[tilespmem:$0x18800] =	vst v63  }
0x1f1: {  	_ =	swait.ge [sflag:s21], $0x4000  }
0x1f2: {  	[sflag:s21] =	ssyncset.done $0x0  }
0x1f3: {  	[sflag:s21] =	ssyncadd.s32 $0xFFFFC000  }
0x1f4: {  	v60 =	vld [tilespmem:$0x100];
	_ =	sdelay $0x4  }
0x1f5: {  	v61 =	vshll.u32 v60, $0x3  }
0x1f6: {  	v45 =	vand.u32 $0x7, v60;
	v46 =	vand.u32 $0xFFFFFFC0, v61  }
0x1f7: {  	v45 =	vor.u32 v45, v46  }
0x1f8: {  	v46 =	vperm.xlane v45, v41;
	_ =	sdelay $0x1  }
0x1f9: {  	v46 =	vadd.s32 v42, v46;
	_ =	sdelay $0x3  }
0x1fa: {  	s16 =	simm.s32 $0x8300  }
0x1fb: {  	[hbm4b:s2+s3] =	stream.indirect_vreg.scatter [tilespmem:s16], [sflag:$0x9], $0x80, v46, vm0, $0xb8;
	[tilespmem:$0x18800] =	vst v63  }
0x1fc: {  	s14 =	simm.s32 $0x8B00;
	v45 =	vperm.xlane v45, v43  }
0x1fd: {  	[hbm4b:s4+s3] =	stream.indirect_vreg.scatter [tilespmem:s14], [sflag:$0x9], $0x80, v46, vm0, $0xb8;
	[tilespmem:$0x18800] =	vst v63  }
0x1fe: {  	v45 =	vadd.s32 v42, v45;
	s16 =	simm.s32 $0x9300  }
0x1ff: {  	[hbm4b:s5+s3] =	stream.indirect_vreg.scatter [tilespmem:s16], [sflag:$0x9], $0x80, v46, vm0, $0xb8;
	[tilespmem:$0x18800] =	vst v63  }
0x200: {  	s14 =	simm.s32 $0x9B00  }
0x201: {  	[hbm4b:s6+s3] =	stream.indirect_vreg.scatter [tilespmem:s14], [sflag:$0x9], $0x80, v46, vm0, $0xb8;
	[tilespmem:$0x18800] =	vst v63  }
0x202: {  	s16 =	simm.s32 $0xA300  }
0x203: {  	[hbm4b:s2+s3] =	stream.indirect_vreg.scatter [tilespmem:s16], [sflag:$0x9], $0x80, v45, vm0, $0xb8;
	[tilespmem:$0x18800] =	vst v63  }
0x204: {  	_ = 	snop  }
0x205: {  	[hbm4b:s4+s3] =	stream.indirect_vreg.scatter [tilespmem:s29], [sflag:$0x9], $0x80, v45, vm0, $0xb8;
	[tilespmem:$0x18800] =	vst v63  }
0x206: {  	_ = 	snop  }
0x207: {  	[hbm4b:s5+s3] =	stream.indirect_vreg.scatter [tilespmem:s28], [sflag:$0x9], $0x80, v45, vm0, $0xb8;
	[tilespmem:$0x18800] =	vst v63  }
0x208: {  	_ = 	snop  }
0x209: {  	[hbm4b:s6+s3] =	stream.indirect_vreg.scatter [tilespmem:s26], [sflag:$0x9], $0x80, v45, vm0, $0xb8;
	[tilespmem:$0x18800] =	vst v63  }
0x20a: {  	_ =	swait.ge [sflag:s15], $0x4000  }
0x20b: {  	[sflag:s15] =	ssyncset.done $0x0  }
0x20c: {  	[sflag:s15] =	ssyncadd.s32 $0xFFFFC000  }
0x20d: {  	v62 =	vld [tilespmem:$0x180];
	_ =	sdelay $0x4  }
0x20e: {  	v63 =	vshll.u32 v62, $0x3  }
0x20f: {  	v45 =	vand.u32 $0x7, v62;
	v46 =	vand.u32 $0xFFFFFFC0, v63  }
0x210: {  	v45 =	vor.u32 v45, v46  }
0x211: {  	v46 =	vperm.xlane v45, v41;
	_ =	sdelay $0x1  }
0x212: {  	v46 =	vadd.s32 v42, v46;
	_ =	sdelay $0x3  }
0x213: {  	s25 =	simm.s32 $0xC300  }
0x214: {  	[hbm4b:s2+s3] =	stream.indirect_vreg.scatter [tilespmem:s25], [sflag:$0xA], $0x80, v46, vm0, $0xb8;
	[tilespmem:$0x18800] =	vst v63  }
0x215: {  	v45 =	vperm.xlane v45, v43  }
0x216: {  	[hbm4b:s4+s3] =	stream.indirect_vreg.scatter [tilespmem:s10], [sflag:$0xA], $0x80, v46, vm0, $0xb8;
	[tilespmem:$0x18800] =	vst v63  }
0x217: {  	v45 =	vadd.s32 v42, v45  }
0x218: {  	[hbm4b:s5+s3] =	stream.indirect_vreg.scatter [tilespmem:s8], [sflag:$0xA], $0x80, v46, vm0, $0xb8;
	[tilespmem:$0x18800] =	vst v63  }
0x219: {  	_ = 	snop  }
0x21a: {  	[hbm4b:s6+s3] =	stream.indirect_vreg.scatter [tilespmem:s9], [sflag:$0xA], $0x80, v46, vm0, $0xb8;
	[tilespmem:$0x18800] =	vst v63  }
0x21b: {  	_ = 	snop  }
0x21c: {  	[hbm4b:s2+s3] =	stream.indirect_vreg.scatter [tilespmem:s11], [sflag:$0xA], $0x80, v45, vm0, $0xb8;
	[tilespmem:$0x18800] =	vst v63  }
0x21d: {  	_ = 	snop  }
0x21e: {  	[hbm4b:s4+s3] =	stream.indirect_vreg.scatter [tilespmem:s22], [sflag:$0xA], $0x80, v45, vm0, $0xb8;
	[tilespmem:$0x18800] =	vst v63  }
0x21f: {  	_ = 	snop  }
0x220: {  	[hbm4b:s5+s3] =	stream.indirect_vreg.scatter [tilespmem:s30], [sflag:$0xA], $0x80, v45, vm0, $0xb8;
	[tilespmem:$0x18800] =	vst v63  }
0x221: {  	_ = 	snop  }
0x222: {  	[hbm4b:s6+s3] =	stream.indirect_vreg.scatter [tilespmem:s20], [sflag:$0xA], $0x80, v45, vm0, $0xb8;
	[tilespmem:$0x18800] =	vst v63  }
0x223: {  	_ =	swait.ge [sflag:s12], $0x4000  }
0x224: {  	[sflag:s12] =	ssyncset.done $0x0  }
0x225: {  	[sflag:s12] =	ssyncadd.s32 $0xFFFFC000  }
0x226: {  	_ =	swait.ge [sflag:s13], $0x4000  }
0x227: {  	[sflag:s13] =	ssyncset.done $0x0  }
0x228: {  	[sflag:s13] =	ssyncadd.s32 $0xFFFFC000  }
0x229: {  	_ =	swait.ge [sflag:s1], $0x4000  }
0x22a: {  	[sflag:s1] =	ssyncset.done $0x0  }
0x22b: {  	[sflag:s1] =	ssyncadd.s32 $0xFFFFC000  }
0x22c: {  	_ =	swait.ge [sflag:s24], $0x4000  }
0x22d: {  	[sflag:s24] =	ssyncset.done $0x0  }
0x22e: {  	[sflag:s24] =	ssyncadd.s32 $0xFFFFC000  }
0x22f: {  	_ =	swait.ge [sflag:s17], $0x4000  }
0x230: {  	[sflag:s17] =	ssyncset.done $0x0  }
0x231: {  	[sflag:s17] =	ssyncadd.s32 $0xFFFFC000  }
0x232: {  	_ =	swait.ge [sflag:s7], $0x4000  }
0x233: {  	v44 =	vperm.xlane @!p0 v44, v32;
	s28 =	simm.s32 @!p0 $0x18300;
	[sflag:s7] =	ssyncset.done $0x0  }
0x234: {  	s26 =	simm.s32 @!p0 $0x0;
	s25 =	rddreg [dreg:$0x5];
	[sflag:s7] =	ssyncadd.s32 $0xFFFFC000  }
0x235: {  	v44 =	vadd.s32 @!p0 v32, v44;
	[tilespmem:s28], [sflag:$0xD] =	stream.linear.gather @!p0 [hbm4b:s25+s26], $0x400, $0x38;
	[tilespmem:$0x18800] =	vst v63  }
0x236: {  	s25 =	simm.s32 @!p0 $0xD;
	[tilespmem:$0x18780] =	vst @!p0 v44  }
0x237: {  	_ =	swait.ge @!p0 [sflag:s25], $0x400  }
0x238: {  	(v2sf) =	vpush @!p0 v44, $0x0;
	_ =	sdelay $0xe  }
0x239: {  	s26 =	spop @!p0 (v2sf)  }
0x23a: {  	s29 =	sshll.u32 @!p0 s26, $0xA;
	s26 =	sshll.u32 @!p0 s26, $0x7  }
0x23b: {  	s29 =	sand.u32 @!p0 $0xFFFFE000, s29;
	s26 =	sand.u32 @!p0 $0x380, s26  }
0x23c: {  	s18 =	sadd.s32 $0xFFFFFFFF, s18;
	[sflag:s25] =	ssyncset.done @!p0 $0x0;
	s26 =	sor.u32 @!p0 s26, s29  }
0x23d: {  	p1 =	sne.s32 s18, $0x0;
	[sflag:s25] =	ssyncadd.s32 @!p0 $0xFFFFFC00;
	s25 =	sshrl.u32 @!p0 s26, $0x3  }
0x23e: {  	s29 =	simm.s32 @!p0 $0x400;
	s26 =	simm.s32 @!p0 $0x80;
	s25 =	sadd.s32 @!p0 s2, s25  }
0x23f: {  	[hbm4b:s25+s26] =	stream.strided.scatter @!p0 [tilespmem:s28], [sflag:$0xE], $0x400, s29, s26, $0x38;
	[tilespmem:$0x18800] =	vst v63  }
.Ltmp0:
0x240: {  	_ = 	snop;
	(pc) =	sbr.rel @p1 .LBB2_1-.Ltmp0, $4  }
0x241: {  	s25 =	simm.s32 @!p0 $0xE  }
0x242: {  	_ =	swait.ge @!p0 [sflag:s25], $0x400  }
0x243: {  	[sflag:s25] =	ssyncset.done @!p0 $0x0  }
0x244: {  	[sflag:s25] =	ssyncadd.s32 @!p0 $0xFFFFFC00  }
0x245: {  	_ =	sfence.sel $0x180000  }
0x246: {  	[bflag:$0x0] =	sbarrier.arrive $0xFFFF  }
0x247: {  	_ =	strace $0x90000047  }
0x248: {  	s0 =	stileid.u32;
	[bflag:$0x2] =	sbarrier.arrive $0xFFFF  }
0x249: {  	p0 =	sne.s32 s0, $0x0;
	s0 =	rddreg [dreg:$0x4]  }
0x24a: {  	s0 =	sadd.s32 @!p0 $0x100000, s0  }
0x24b: {  	[sflag:s0] =	ssyncadd.tile.s32 @!p0 $0x1;
	_ =	shalt  }
.Lfunc_end2:
_tile_overlayer_lowered:
.L_overlay_start_2:
0x24c: {  	(tag) =	ssettag $0x2  }
0x24d: {  	s0 =	rddreg [dreg:$0x0];
	s2 =	stileid.u32  }
0x24e: {  	s1 =	rddreg [dreg:$0x1];
	p0 =	sne.s32 s2, $0x0  }
0x24f: {  	s3 =	rddreg [dreg:$0x2];
	[bflag:$0x3] =	sbarrier.arrive $0xFFFF;
	s2 =	simm.s32 @!p0 $0x1C0E  }
0x250: {  	[timem:s3], [sflag:s2] =	dma.local @!p0 [hbm:s0], s1  }
0x251: {  	s0 =	simm.s32 @!p0 $0xE  }
0x252: {  	_ =	swait.ge @!p0 [sflag:s0], s1  }
0x253: {  	s1 =	ssub.s32 @!p0 $0x0, s1;
	[sflag:s0] =	ssyncset.done @!p0 $0x0  }
0x254: {  	[sflag:s0] =	ssyncadd.s32 @!p0 s1  }
0x255: {  	[bflag:$0x3] =	sbarrier.arrive $0xFFFF  }
0x256: {  	_ =	shalt  }

</sc_bundles>
